<compile_context>
chip_gen: v7x
topology: tpu7x:2x2x1
jax: 0.10.2.dev20260603
libtpu: 0.0.44.dev20260713+nightly
codegen_flags: <defaults>
</compile_context>

<pallas_src>
import jax
import jax.numpy as jnp
from jax import lax
from jax.experimental import pallas as pl
from jax.experimental.pallas import tpu as pltpu
from jax.experimental.pallas import tpu_sc as plsc

_POS_THRESH = 0.5
_NEG_POS_RATIO = 3
_VAR_C = 0.1
_VAR_S = 0.2

_A = 8732
_G = 50
_C = 21
_R = 8
_L = 1152
_A_PAD = _R * _L
_IMG = 1
_UNROLL = 4


def _match_body(conf_ref, pred_ref, gts_ref, counts_ref, anch_ref,
                loss_ref, part_ref):
    ax1 = anch_ref[0]
    ay1 = anch_ref[1]
    ax2 = anch_ref[2]
    ay2 = anch_ref[3]
    acx = anch_ref[4]
    acy = anch_ref[5]
    aw = anch_ref[6]
    ah = anch_ref[7]
    aarea = anch_ref[8]

    ridx = jax.lax.broadcasted_iota(jnp.int32, (_R, _L), 0)
    cidx = jax.lax.broadcasted_iota(jnp.int32, (_R, _L), 1)
    aidx = ridx * _L + cidx
    valid_anchor = aidx < _A

    counts = [counts_ref[i, 0, 0] for i in range(_IMG)]
    cmax = counts[0]
    for i in range(1, _IMG):
        cmax = jnp.maximum(cmax, counts[i])

    def one_gt(img, g):
        gx1 = gts_ref[img, g, 0]
        gy1 = gts_ref[img, g, 1]
        gx2 = gts_ref[img, g, 2]
        gy2 = gts_ref[img, g, 3]

        lt_x = jnp.maximum(gx1, ax1)
        lt_y = jnp.maximum(gy1, ay1)
        rb_x = jnp.minimum(gx2, ax2)
        rb_y = jnp.minimum(gy2, ay2)
        inter = jnp.maximum(rb_x - lt_x, 0.0) * jnp.maximum(rb_y - lt_y, 0.0)
        garea = jnp.maximum(gx2 - gx1, 0.0) * jnp.maximum(gy2 - gy1, 0.0)
        union = garea + aarea - inter
        iou = inter / jnp.maximum(union, 1e-8)

        m = jnp.max(iou, axis=(0, 1), keepdims=True)
        astar = jnp.min(jnp.where(iou == m, aidx, jnp.int32(2**30)),
                        axis=(0, 1), keepdims=True)
        return iou, astar

    def gt_step(i, carry):
        new_carry = []
        for img in range(_IMG):
            best_iou, lab, bx1, by1, bx2, by2 = carry[img]
            g0 = i * _UNROLL
            rows = [one_gt(img, jnp.minimum(g0 + j, counts[img] - 1))
                    for j in range(_UNROLL)]
            for j, (iou, astar) in enumerate(rows):
                gi = jnp.minimum(g0 + j, counts[img] - 1)
                valid = (g0 + j) < counts[img]
                upd = jnp.logical_and(valid, iou > best_iou)
                fm = jnp.logical_and(valid, aidx == astar)
                sel = jnp.logical_or(upd, fm)
                lab = jnp.where(sel, gts_ref[img, gi, 4], lab)
                bx1 = jnp.where(sel, gts_ref[img, gi, 0], bx1)
                by1 = jnp.where(sel, gts_ref[img, gi, 1], by1)
                bx2 = jnp.where(sel, gts_ref[img, gi, 2], bx2)
                by2 = jnp.where(sel, gts_ref[img, gi, 3], by2)
                best_iou = jnp.where(upd, iou, best_iou)
                best_iou = jnp.where(fm, jnp.float32(2.0), best_iou)
            new_carry.append((best_iou, lab, bx1, by1, bx2, by2))
        return tuple(new_carry)

    z = jnp.zeros((_R, _L), dtype=jnp.float32)
    biou0 = jnp.full((_R, _L), -1.0, dtype=jnp.float32)
    carry0 = tuple((biou0, z, z, z, z, z) for _ in range(_IMG))
    n_blocks = (cmax + (_UNROLL - 1)) // _UNROLL
    carry = jax.lax.fori_loop(0, n_blocks, gt_step, carry0)

    for img in range(_IMG):
        best_iou, lab, bx1, by1, bx2, by2 = carry[img]

        label = jnp.where(best_iou < _POS_THRESH, 0.0, lab)
        pos = label > 0.0
        num_pos = jnp.sum(jnp.where(pos, 1.0, 0.0))

        gcx = (bx1 + bx2) * 0.5
        gcy = (by1 + by2) * 0.5
        gw = bx2 - bx1
        gh = by2 - by1
        t0 = (gcx - acx) / (aw * _VAR_C)
        t1 = (gcy - acy) / (ah * _VAR_C)
        t2 = jnp.log(jnp.maximum(gw, 1e-8) / aw) / _VAR_S
        t3 = jnp.log(jnp.maximum(gh, 1e-8) / ah) / _VAR_S

        loc_sum = jnp.float32(0.0)
        for j, t in enumerate((t0, t1, t2, t3)):
            d = pred_ref[img, j] - t
            ad = jnp.abs(d)
            sl1 = jnp.where(ad < 1.0, 0.5 * ad * ad, ad - 0.5)
            loc_sum = loc_sum + jnp.sum(jnp.where(pos, sl1, 0.0))

        conf0 = conf_ref[img, 0]
        mx = conf0
        for c in range(1, _C):
            mx = jnp.maximum(mx, conf_ref[img, c])
        s = jnp.exp(conf0 - mx)
        conf_lab = conf0
        for c in range(1, _C):
            cc = conf_ref[img, c]
            s = s + jnp.exp(cc - mx)
            conf_lab = jnp.where(label == c, cc, conf_lab)
        lse = jnp.log(s) + mx

        pos_ce_sum = jnp.sum(jnp.where(pos, lse - conf_lab, 0.0))
        neg_mask = jnp.logical_and(valid_anchor, jnp.logical_not(pos))
        loss_ref[img] = jnp.where(neg_mask, lse - conf0, -jnp.inf)

        part_ref[img, 0, 0] = loc_sum
        part_ref[img, 0, 1] = pos_ce_sum
        part_ref[img, 0, 2] = num_pos


_NV = _A_PAD // 16


def _sc_mine_body(loss_hbm, part_hbm, out_hbm, loss_v, key_v, hist_v, res_v):
    w = lax.axis_index("s") * 2 + lax.axis_index("c")
    pltpu.sync_copy(loss_hbm.at[w], loss_v)
    pltpu.sync_copy(part_hbm.at[w], res_v)

    lanes = lax.iota(jnp.int32, 16)
    pv = res_v[...]
    kf = jnp.sum(jnp.where(lanes == 3, pv, 0.0))

    def key_body(i, c):
        x = loss_v[pl.ds(i * 16, 16)]
        u = plsc.bitcast(x, jnp.uint32)
        neg = (u >> 31) == jnp.uint32(1)
        key_v[pl.ds(i * 16, 16)] = jnp.where(
            neg, ~u, u | jnp.uint32(0x80000000))
        return c
    lax.fori_loop(0, _NV, key_body, 0)

    ones = jnp.ones((16,), jnp.float32)
    zeros = jnp.zeros((16,), jnp.float32)

    def run_level(shift, nbits, prefix, krem):
        nbuck = 1 << nbits
        nch = nbuck // 16

        def zero_body(i, c):
            hist_v[pl.ds(i * 16, 16)] = zeros
            return c
        lax.fori_loop(0, nch, zero_body, 0)

        def hist_body(i, c):
            key = key_v[pl.ds(i * 16, 16)]
            bucket = plsc.bitcast(
                (key >> jnp.uint32(shift)) & jnp.uint32(nbuck - 1),
                jnp.int32)
            if shift + nbits >= 32:
                plsc.addupdate_scatter(hist_v, [bucket], ones)
            else:
                m = (key >> jnp.uint32(shift + nbits)) == prefix
                plsc.addupdate_scatter(hist_v, [bucket], ones, mask=m)
            return c
        lax.fori_loop(0, _NV, hist_body, 0)

        def scan_body(i, carry):
            above, bstar, knext, found = carry
            j = (nch - 1) - i
            chunk = hist_v[pl.ds(j * 16, 16)]
            total = jnp.sum(chunk)
            cs = lax.cumsum(chunk)
            rc = total - cs + chunk
            mvec = (above + rc) >= krem
            cnt = jnp.sum(jnp.where(mvec, 1.0, 0.0))
            istar = (cnt - 1.0).astype(jnp.int32)
            rci = jnp.sum(jnp.where(lanes == istar, rc, 0.0))
            hi = jnp.sum(jnp.where(lanes == istar, chunk, 0.0))
            in_chunk = jnp.logical_and(
                found == 0, (above + total) >= krem)
            bstar = jnp.where(in_chunk, j * 16 + istar, bstar)
            knext = jnp.where(in_chunk, krem - (above + rci - hi), knext)
            above = jnp.where(jnp.logical_or(found > 0, in_chunk),
                              above, above + total)
            found = jnp.where(in_chunk, jnp.int32(1), found)
            return above, bstar, knext, found

        _, bstar, knext, _ = lax.fori_loop(
            0, nch, scan_body, (jnp.float32(0.0), jnp.int32(0),
                                jnp.float32(1.0), jnp.int32(0)))
        return bstar, knext

    p0, k1 = run_level(21, 11, jnp.uint32(0), kf)
    p0u = p0.astype(jnp.uint32)
    p1, k2 = run_level(10, 11, p0u, k1)
    p1u = p1.astype(jnp.uint32)
    p2, _ = run_level(0, 10, (p0u << jnp.uint32(11)) | p1u, k2)
    pkey = ((p0u << jnp.uint32(21)) | (p1u << jnp.uint32(10))
            | p2.astype(jnp.uint32))

    def sum_body(i, carry):
        vs, vc = carry
        key = key_v[pl.ds(i * 16, 16)]
        x = loss_v[pl.ds(i * 16, 16)]
        m = key > pkey
        return vs + jnp.where(m, x, 0.0), vc + jnp.where(m, 1.0, 0.0)

    vs, vc = lax.fori_loop(0, _NV, sum_body, (zeros, zeros))
    sum_gt = jnp.sum(vs)
    cnt_gt = jnp.sum(vc)

    pk_vec = jnp.broadcast_to(pkey, (16,))
    uv = jnp.where(pk_vec >= jnp.uint32(0x80000000),
                   pk_vec & jnp.uint32(0x7FFFFFFF), ~pk_vec)
    thr_vec = plsc.bitcast(uv, jnp.float32)
    thr = jnp.sum(jnp.where(lanes == 0, thr_vec, 0.0))

    neg_sum = jnp.where(kf > 0, sum_gt + thr * (kf - cnt_gt), 0.0)
    res_v[...] = jnp.where(lanes == 0, neg_sum, 0.0)
    pltpu.sync_copy(res_v, out_hbm.at[w])


def _sc_mine(loss_rows, part_sc):
    mesh = plsc.VectorSubcoreMesh(core_axis_name="c", subcore_axis_name="s")
    return pl.kernel(
        _sc_mine_body,
        mesh=mesh,
        compiler_params=pltpu.CompilerParams(needs_layout_passes=False),
        out_type=jax.ShapeDtypeStruct((32, 16), jnp.float32),
        scratch_types=[
            pltpu.VMEM((_A_PAD,), jnp.float32),
            pltpu.VMEM((_A_PAD,), jnp.uint32),
            pltpu.VMEM((2048,), jnp.float32),
            pltpu.VMEM((16,), jnp.float32),
        ],
    )(loss_rows, part_sc)


@jax.jit
def kernel(confidence, predicted_locations, gts, counts, anchors):
    B = confidence.shape[0]

    conf_t = jnp.moveaxis(confidence, 2, 1)
    conf_t = jnp.pad(conf_t, ((0, 0), (0, 0), (0, _A_PAD - _A)))
    conf_t = conf_t.reshape(B, _C, _R, _L)

    pred_t = jnp.moveaxis(predicted_locations, 2, 1)
    pred_t = jnp.pad(pred_t, ((0, 0), (0, 0), (0, _A_PAD - _A)))
    pred_t = pred_t.reshape(B, 4, _R, _L)

    ax1, ay1, ax2, ay2 = anchors[:, 0], anchors[:, 1], anchors[:, 2], anchors[:, 3]
    acx = (ax1 + ax2) * 0.5
    acy = (ay1 + ay2) * 0.5
    aw = ax2 - ax1
    ah = ay2 - ay1
    aarea = jnp.clip(aw, 0, None) * jnp.clip(ah, 0, None)
    anch = jnp.stack([ax1, ay1, ax2, ay2, acx, acy, aw, ah, aarea])
    pad_vals = jnp.array([0, 0, 0, 0, 0, 0, 1, 1, 0], jnp.float32)
    anch = jnp.concatenate(
        [anch, jnp.broadcast_to(pad_vals[:, None], (9, _A_PAD - _A))], axis=1)
    anch = anch.reshape(9, _R, _L)

    loss_rows, partials = pl.pallas_call(
        _match_body,
        grid=(B // _IMG,),
        in_specs=[
            pl.BlockSpec((_IMG, _C, _R, _L), lambda b: (b, 0, 0, 0)),
            pl.BlockSpec((_IMG, 4, _R, _L), lambda b: (b, 0, 0, 0)),
            pl.BlockSpec((_IMG, _G, 5), lambda b: (b, 0, 0),
                         memory_space=pltpu.SMEM),
            pl.BlockSpec((_IMG, 1, 1), lambda b: (b, 0, 0),
                         memory_space=pltpu.SMEM),
            pl.BlockSpec((9, _R, _L), lambda b: (0, 0, 0)),
        ],
        out_specs=[
            pl.BlockSpec((_IMG, _R, _L), lambda b: (b, 0, 0)),
            pl.BlockSpec((_IMG, 1, 3), lambda b: (b, 0, 0),
                         memory_space=pltpu.SMEM),
        ],
        out_shape=[
            jax.ShapeDtypeStruct((B, _R, _L), jnp.float32),
            jax.ShapeDtypeStruct((B, 1, 3), jnp.float32),
        ],
    )(conf_t, pred_t, gts, counts.reshape(B, 1, 1), anch)

    loss2 = loss_rows.reshape(B, _A_PAD)
    parts3 = partials.reshape(B, 3)
    np_col = parts3[:, 2]
    kcol = jnp.minimum(np_col * _NEG_POS_RATIO, _A - np_col)
    part_sc = jnp.concatenate(
        [parts3, kcol[:, None], jnp.zeros((B, 12), jnp.float32)], axis=1)
    sc_out = _sc_mine(loss2, part_sc)

    np_total = jnp.sum(np_col)
    denom = 4.0 * jnp.maximum(1.0, np_total)
    loc = jnp.sum(parts3[:, 0]) / denom
    cls = (jnp.sum(parts3[:, 1]) + jnp.sum(sc_out[:, 0])) / denom
    return (loc, cls)

# --- scband reference (transcript-rebuilt; emitter-appended) ---
"""Pipeline reference for scband-multi-box-loss-55370718380433 (READ-ONLY COPY).

The authoritative reference and input builder live on the scoring server;
editing this copy changes nothing except your own understanding.
"""

import jax, jax.numpy as jnp
import numpy as np

POS_THRESH = 0.5
NEG_POS_RATIO = 3
VAR_C = 0.1
VAR_S = 0.2


def _area(b):
    return jnp.clip(b[..., 2] - b[..., 0], 0, None) * jnp.clip(b[..., 3] - b[..., 1], 0, None)


def _iou(a, b):
    # a: [G,4] corner, b: [A,4] corner -> [G,A]
    lt = jnp.maximum(a[:, None, :2], b[None, :, :2])
    rb = jnp.minimum(a[:, None, 2:], b[None, :, 2:])
    wh = jnp.clip(rb - lt, 0, None)
    inter = wh[..., 0] * wh[..., 1]
    union = _area(a)[:, None] + _area(b)[None, :] - inter
    return inter / jnp.clip(union, 1e-8, None)


def _corner_to_center(b):
    return jnp.concatenate([(b[..., :2] + b[..., 2:]) / 2.0, b[..., 2:] - b[..., :2]], axis=-1)


def _encode(gt_center, anchor_center):
    g_cxcy = (gt_center[..., :2] - anchor_center[..., :2]) / (anchor_center[..., 2:] * VAR_C)
    g_wh = jnp.log(jnp.clip(gt_center[..., 2:], 1e-8, None) / anchor_center[..., 2:]) / VAR_S
    return jnp.concatenate([g_cxcy, g_wh], axis=-1)


def _match(gt_boxes, gt_labels, count, anchors, iou_threshold):
    G = gt_boxes.shape[0]
    A = anchors.shape[0]
    valid = jnp.arange(G) < count
    ious = _iou(gt_boxes, anchors)
    ious = jnp.where(valid[:, None], ious, -1.0)
    best_gt_iou = jnp.max(ious, axis=0)
    best_gt_idx = jnp.argmax(ious, axis=0)
    best_anchor_idx = jnp.argmax(ious, axis=1)
    scat = jnp.where(valid, best_anchor_idx, A)  # OOB -> dropped
    best_gt_idx = best_gt_idx.at[scat].set(jnp.arange(G), mode='drop')
    best_gt_iou = best_gt_iou.at[scat].set(2.0, mode='drop')
    labels = gt_labels[best_gt_idx].astype(jnp.int32)
    labels = jnp.where(best_gt_iou < iou_threshold, 0, labels)
    boxes = gt_boxes[best_gt_idx]
    loc = _encode(_corner_to_center(boxes), _corner_to_center(anchors))
    return labels, loc


def _hard_negative_mining(loss, labels, ratio):
    pos = labels > 0
    num_pos = pos.sum(axis=1, keepdims=True)
    num_neg = num_pos * ratio
    loss = jnp.where(pos, -jnp.inf, loss)
    order = jnp.argsort(-loss, axis=1)
    rank = jnp.argsort(order, axis=1)
    neg = rank < num_neg
    return pos | neg


def setup_inputs(seed: int = 0) -> dict:
    key = jax.random.key(seed)
    ks = jax.random.split(key, 8)
    B, A, C, G = 32, 8732, 21, 50
    confidence = jax.random.normal(ks[0], (B, A, C), dtype=jnp.float32)
    predicted_locations = jax.random.normal(ks[1], (B, A, 4), dtype=jnp.float32) * 0.2
    xy = jax.random.uniform(ks[2], (B, G, 2), minval=0.0, maxval=0.7)
    wh = jax.random.uniform(ks[3], (B, G, 2), minval=0.05, maxval=0.3)
    boxes = jnp.concatenate([xy, jnp.clip(xy + wh, 0.0, 1.0)], axis=-1)
    lab = jax.random.randint(ks[4], (B, G, 1), 1, C).astype(jnp.float32)
    gts = jnp.concatenate([boxes, lab], axis=-1)
    counts = jax.random.randint(ks[5], (B,), 1, G + 1).astype(jnp.int32)
    acxy = jax.random.uniform(ks[6], (A, 2), minval=0.05, maxval=0.95)
    awh = jax.random.uniform(ks[7], (A, 2), minval=0.05, maxval=0.4)
    anchors = jnp.concatenate([jnp.clip(acxy - awh / 2, 0.0, 1.0), jnp.clip(acxy + awh / 2, 0.0, 1.0)], axis=-1)
    return {"confidence": confidence, "predicted_locations": predicted_locations, "gts": gts, "counts": counts, "anchors": anchors}


def reference(confidence, predicted_locations, gts, counts, anchors):
    B, A, C = confidence.shape

    def per_image(gt, count):
        return _match(gt[:, :4], gt[:, 4], count, anchors, POS_THRESH)

    labels, gt_locations = jax.vmap(per_image)(gts, counts)
    labels = jax.lax.stop_gradient(labels)
    gt_locations = jax.lax.stop_gradient(gt_locations)

    logp = jax.nn.log_softmax(confidence, axis=2)
    loss_bg = -logp[:, :, 0]
    mask = _hard_negative_mining(jax.lax.stop_gradient(loss_bg), labels, NEG_POS_RATIO)

    pos_mask = labels > 0
    num_pos = jnp.maximum(1.0, pos_mask.sum().astype(jnp.float32))

    ce = -jnp.take_along_axis(logp, labels[..., None], axis=2)[..., 0]
    classification_loss = jnp.sum(ce * mask.astype(confidence.dtype)) / (num_pos * 4.0)

    diff = predicted_locations - gt_locations
    ad = jnp.abs(diff)
    sl1 = jnp.where(ad < 1.0, 0.5 * ad * ad, ad - 0.5)
    localisation_loss = jnp.sum(sl1 * pos_mask[..., None].astype(confidence.dtype)) / (num_pos * 4.0)
    return (localisation_loss, classification_loss)

if __name__ == "__main__":
    import jax
    _d = setup_inputs()
    print(jax.jit(kernel)(*tuple(_d.values())))

</pallas_src>

<mosaic_0001>
#map = affine_map<(d0, d1) -> (0, 0)>
module attributes {stable_mosaic.version = 14 : i64} {
  func.func @_sc_mine_body(%arg0: i32, %arg1: i32, %arg2: memref<32x9216xf32, #tpu.memory_space<hbm>>, %arg3: memref<32x16xf32, #tpu.memory_space<hbm>>, %arg4: memref<32x16xf32, #tpu.memory_space<hbm>>, %arg5: memref<9216xf32, #tpu.memory_space<vmem>>, %arg6: memref<9216xi32, #tpu.memory_space<vmem>>, %arg7: memref<2048xf32, #tpu.memory_space<vmem>>, %arg8: memref<16xf32, #tpu.memory_space<vmem>>) attributes {dimension_semantics = [#tpu.dimension_semantics<core_parallel>, #tpu.dimension_semantics<subcore_parallel>], iteration_bounds = array<i64: 2, 16>, scalar_prefetch = 0 : i64, scratch_operands = 4 : i64, tpu.core_type = #tpu.core_type<sc_vector_subcore>, window_params = [{transform_indices = #map}, {transform_indices = #map}, {transform_indices = #map}]} {
    %mul3A = arith.constant 2 : i32
    %mul3A_0 = arith.muli %arg1, %mul3A : i32
    %add3A = arith.addi %mul3A_0, %arg0 : i32
    "tpu.region"() ({
      %run_scoped3A = tpu.sem_alloc : memref<!tpu.dma_semaphore, #tpu.memory_space<semaphore_mem>>
      %dma_start3A = arith.constant 0 : i32
      %dma_start3A_133 = tpu.memref_slice %arg2[%add3A, %dma_start3A] : memref<32x9216xf32, #tpu.memory_space<hbm>> -> memref<1x9216xf32, #tpu.memory_space<hbm>>
      %dma_start3A_134 = tpu.memref_squeeze %dma_start3A_133 : memref<1x9216xf32, #tpu.memory_space<hbm>> -> memref<9216xf32, #tpu.memory_space<hbm>>
      %dma_start3A_135 = arith.constant 0 : i32
      %dma_start3A_136 = tpu.memref_slice %arg2[%add3A, %dma_start3A_135] : memref<32x9216xf32, #tpu.memory_space<hbm>> -> memref<1x9216xf32, #tpu.memory_space<hbm>>
      %dma_start3A_137 = tpu.memref_squeeze %dma_start3A_136 : memref<1x9216xf32, #tpu.memory_space<hbm>> -> memref<9216xf32, #tpu.memory_space<hbm>>
      tpu.enqueue_dma source(%dma_start3A_137 : memref<9216xf32, #tpu.memory_space<hbm>>) target(%arg5 : memref<9216xf32, #tpu.memory_space<vmem>>) target_semaphore(%run_scoped3A : memref<!tpu.dma_semaphore, #tpu.memory_space<semaphore_mem>>)
      %dma_wait3A = arith.constant 0 : i32
      %dma_wait3A_138 = tpu.memref_slice %arg2[%add3A, %dma_wait3A] : memref<32x9216xf32, #tpu.memory_space<hbm>> -> memref<1x9216xf32, #tpu.memory_space<hbm>>
      %dma_wait3A_139 = tpu.memref_squeeze %dma_wait3A_138 : memref<1x9216xf32, #tpu.memory_space<hbm>> -> memref<9216xf32, #tpu.memory_space<hbm>>
      %dma_wait3A_140 = arith.constant 0 : i32
      %dma_wait3A_141 = tpu.memref_slice %arg2[%add3A, %dma_wait3A_140] : memref<32x9216xf32, #tpu.memory_space<hbm>> -> memref<1x9216xf32, #tpu.memory_space<hbm>>
      %dma_wait3A_142 = tpu.memref_squeeze %dma_wait3A_141 : memref<1x9216xf32, #tpu.memory_space<hbm>> -> memref<9216xf32, #tpu.memory_space<hbm>>
      tpu.wait_dma2 semaphore(%run_scoped3A : memref<!tpu.dma_semaphore, #tpu.memory_space<semaphore_mem>>) src(%dma_wait3A_142 : memref<9216xf32, #tpu.memory_space<hbm>>) dst(%arg5 : memref<9216xf32, #tpu.memory_space<vmem>>)
      tpu.yield
    }) : () -> ()
    "tpu.region"() ({
      %run_scoped3A = tpu.sem_alloc : memref<!tpu.dma_semaphore, #tpu.memory_space<semaphore_mem>>
      %dma_start3A = arith.constant 0 : i32
      %dma_start3A_133 = tpu.memref_slice %arg3[%add3A, %dma_start3A] : memref<32x16xf32, #tpu.memory_space<hbm>> -> memref<1x16xf32, #tpu.memory_space<hbm>>
      %dma_start3A_134 = tpu.memref_squeeze %dma_start3A_133 : memref<1x16xf32, #tpu.memory_space<hbm>> -> memref<16xf32, #tpu.memory_space<hbm>>
      %dma_start3A_135 = arith.constant 0 : i32
      %dma_start3A_136 = tpu.memref_slice %arg3[%add3A, %dma_start3A_135] : memref<32x16xf32, #tpu.memory_space<hbm>> -> memref<1x16xf32, #tpu.memory_space<hbm>>
      %dma_start3A_137 = tpu.memref_squeeze %dma_start3A_136 : memref<1x16xf32, #tpu.memory_space<hbm>> -> memref<16xf32, #tpu.memory_space<hbm>>
      tpu.enqueue_dma source(%dma_start3A_137 : memref<16xf32, #tpu.memory_space<hbm>>) target(%arg8 : memref<16xf32, #tpu.memory_space<vmem>>) target_semaphore(%run_scoped3A : memref<!tpu.dma_semaphore, #tpu.memory_space<semaphore_mem>>)
      %dma_wait3A = arith.constant 0 : i32
      %dma_wait3A_138 = tpu.memref_slice %arg3[%add3A, %dma_wait3A] : memref<32x16xf32, #tpu.memory_space<hbm>> -> memref<1x16xf32, #tpu.memory_space<hbm>>
      %dma_wait3A_139 = tpu.memref_squeeze %dma_wait3A_138 : memref<1x16xf32, #tpu.memory_space<hbm>> -> memref<16xf32, #tpu.memory_space<hbm>>
      %dma_wait3A_140 = arith.constant 0 : i32
      %dma_wait3A_141 = tpu.memref_slice %arg3[%add3A, %dma_wait3A_140] : memref<32x16xf32, #tpu.memory_space<hbm>> -> memref<1x16xf32, #tpu.memory_space<hbm>>
      %dma_wait3A_142 = tpu.memref_squeeze %dma_wait3A_141 : memref<1x16xf32, #tpu.memory_space<hbm>> -> memref<16xf32, #tpu.memory_space<hbm>>
      tpu.wait_dma2 semaphore(%run_scoped3A : memref<!tpu.dma_semaphore, #tpu.memory_space<semaphore_mem>>) src(%dma_wait3A_142 : memref<16xf32, #tpu.memory_space<hbm>>) dst(%arg8 : memref<16xf32, #tpu.memory_space<vmem>>)
      tpu.yield
    }) : () -> ()
    %iota3A = tpu.iota {dimensions = array<i32: 0>} : vector<16xi32>
    %get3A = arith.constant 0 : index
    %get3A_1 = tpu.vector_load %arg8[%get3A] {strides = array<i32>} : memref<16xf32, #tpu.memory_space<vmem>>, vector<16xf32>,
    %eq3A = arith.constant 3 : i32
    %eq3A_2 = vector.broadcast %eq3A : i32 to vector<16xi32>
    %eq3A_3 = arith.cmpi eq, %iota3A, %eq3A_2 : vector<16xi32>
    %jit3A = arith.constant 0.000000e+00 : f32
    %broadcast_in_dim3A = vector.broadcast %jit3A : f32 to vector<16xf32>
    %select_n3A = arith.select %eq3A_3, %get3A_1, %broadcast_in_dim3A : vector<16xi1>, vector<16xf32>
    %reduce_sum3A = arith.constant true
    %reduce_sum3A_4 = vector.broadcast %reduce_sum3A : i1 to vector<16xi1>
    %reduce_sum3A_5 = tpu.scan <sum>, %select_n3A masked %reduce_sum3A_4 : vector<16xf32>, vector<16xi1> -> vector<16xf32>
    %reduce_sum3A_6 = vector.extract %reduce_sum3A_5[15] : f32 from vector<16xf32>
    %scan3A = arith.constant 0 : i32
    %scan3A_7 = arith.constant 0 : i32
    %scan3A_8 = arith.constant 576 : i32
    %scan3A_9 = arith.addi %scan3A_7, %scan3A_8 : i32
    %scan3A_10 = arith.constant 1 : i32
    scf.for %scan3A_133 = %scan3A_7 to %scan3A_9 step %scan3A_10  : i32 {
      %mul3A_134 = arith.constant 16 : i32
      %mul3A_135 = arith.muli %scan3A_133, %mul3A_134 : i32
      %get3A_136 = arith.index_cast %mul3A_135 : i32 to index
      %get3A_137 = tpu.vector_load %arg5[%get3A_136] {strides = array<i32>} : memref<9216xf32, #tpu.memory_space<vmem>>, vector<16xf32>,
      %bitcast3A_138 = vector.bitcast %get3A_137 : vector<16xf32> to vector<16xi32>
      %shift_right_logical3A = arith.constant 31 : i32
      %shift_right_logical3A_139 = vector.broadcast %shift_right_logical3A : i32 to vector<16xi32>
      %shift_right_logical3A_140 = arith.shrui %bitcast3A_138, %shift_right_logical3A_139 : vector<16xi32>
      %eq3A_141 = arith.constant 1 : i32
      %eq3A_142 = vector.broadcast %eq3A_141 : i32 to vector<16xi32>
      %eq3A_143 = arith.cmpi eq, %shift_right_logical3A_140, %eq3A_142 : vector<16xi32>
      %not3A_144 = arith.constant dense<-1> : vector<16xi32>
      %not3A_145 = arith.xori %bitcast3A_138, %not3A_144 : vector<16xi32>
      %or3A_146 = arith.constant -2147483648 : i32
      %or3A_147 = vector.broadcast %or3A_146 : i32 to vector<16xi32>
      %or3A_148 = arith.ori %bitcast3A_138, %or3A_147 : vector<16xi32>
      %select_n3A_149 = arith.select %eq3A_143, %not3A_145, %or3A_148 : vector<16xi1>, vector<16xi32>
      %mul3A_150 = arith.constant 16 : i32
      %mul3A_151 = arith.muli %scan3A_133, %mul3A_150 : i32
      %swap3A_152 = arith.index_cast %mul3A_151 : i32 to index
      %swap3A_153 = tpu.vector_load %arg6[%swap3A_152] {strides = array<i32>} : memref<9216xi32, #tpu.memory_space<vmem>>, vector<16xi32>,
      tpu.vector_store %arg6[%swap3A_152], %select_n3A_149 {strides = array<i32>} : memref<9216xi32, #tpu.memory_space<vmem>>, vector<16xi32>,
    }
    %scan3A_11 = arith.constant 576 : i32
    %broadcast_in_dim3A_12 = arith.constant 1.000000e+00 : f32
    %broadcast_in_dim3A_13 = vector.broadcast %broadcast_in_dim3A_12 : f32 to vector<16xf32>
    %broadcast_in_dim3A_14 = arith.constant 0.000000e+00 : f32
    %broadcast_in_dim3A_15 = vector.broadcast %broadcast_in_dim3A_14 : f32 to vector<16xf32>
    %scan3A_16 = arith.constant 0 : i32
    %scan3A_17 = arith.constant 0 : i32
    %scan3A_18 = arith.constant 128 : i32
    %scan3A_19 = arith.addi %scan3A_17, %scan3A_18 : i32
    %scan3A_20 = arith.constant 1 : i32
    scf.for %scan3A_133 = %scan3A_17 to %scan3A_19 step %scan3A_20  : i32 {
      %mul3A_134 = arith.constant 16 : i32
      %mul3A_135 = arith.muli %scan3A_133, %mul3A_134 : i32
      %swap3A_136 = arith.index_cast %mul3A_135 : i32 to index
      %swap3A_137 = tpu.vector_load %arg7[%swap3A_136] {strides = array<i32>} : memref<2048xf32, #tpu.memory_space<vmem>>, vector<16xf32>,
      tpu.vector_store %arg7[%swap3A_136], %broadcast_in_dim3A_15 {strides = array<i32>} : memref<2048xf32, #tpu.memory_space<vmem>>, vector<16xf32>,
    }
    %scan3A_21 = arith.constant 128 : i32
    %scan3A_22 = arith.constant 0 : i32
    %scan3A_23 = arith.constant 0 : i32
    %scan3A_24 = arith.constant 576 : i32
    %scan3A_25 = arith.addi %scan3A_23, %scan3A_24 : i32
    %scan3A_26 = arith.constant 1 : i32
    scf.for %scan3A_133 = %scan3A_23 to %scan3A_25 step %scan3A_26  : i32 {
      %mul3A_134 = arith.constant 16 : i32
      %mul3A_135 = arith.muli %scan3A_133, %mul3A_134 : i32
      %get3A_136 = arith.index_cast %mul3A_135 : i32 to index
      %get3A_137 = tpu.vector_load %arg6[%get3A_136] {strides = array<i32>} : memref<9216xi32, #tpu.memory_space<vmem>>, vector<16xi32>,
      %shift_right_logical3A = arith.constant 21 : i32
      %shift_right_logical3A_138 = vector.broadcast %shift_right_logical3A : i32 to vector<16xi32>
      %shift_right_logical3A_139 = arith.shrui %get3A_137, %shift_right_logical3A_138 : vector<16xi32>
      %and3A_140 = arith.constant 2047 : i32
      %and3A_141 = vector.broadcast %and3A_140 : i32 to vector<16xi32>
      %and3A_142 = arith.andi %shift_right_logical3A_139, %and3A_141 : vector<16xi32>
      %bitcast3A_143 = vector.bitcast %and3A_142 : vector<16xi32> to vector<16xi32>
      tpu.vector_store_idx %arg7[%bitcast3A_143], %broadcast_in_dim3A_13 {add = true} : memref<2048xf32, #tpu.memory_space<vmem>>[vector<16xi32>], vector<16xf32>,
    }
    %scan3A_27 = arith.constant 576 : i32
    %scan3A_28 = arith.constant 0.000000e+00 : f32
    %scan3A_29 = arith.constant 0 : i32
    %scan3A_30 = arith.constant 1.000000e+00 : f32
    %scan3A_31 = arith.constant 0 : i32
    %scan3A_32 = arith.constant 0 : i32
    %scan3A_33 = arith.constant 128 : i32
    %scan3A_34 = arith.addi %scan3A_32, %scan3A_33 : i32
    %scan3A_35 = arith.constant 1 : i32
    %scan3A_36:4 = scf.for %scan3A_133 = %scan3A_32 to %scan3A_34 step %scan3A_35 iter_args(%scan3A_134 = %scan3A_28, %scan3A_135 = %scan3A_29, %scan3A_136 = %scan3A_30, %scan3A_137 = %scan3A_31) -> (f32, i32, f32, i32)  : i32 {
      %sub3A_138 = arith.constant 127 : i32
      %sub3A_139 = arith.subi %sub3A_138, %scan3A_133 : i32
      %mul3A_140 = arith.constant 16 : i32
      %mul3A_141 = arith.muli %sub3A_139, %mul3A_140 : i32
      %get3A_142 = arith.index_cast %mul3A_141 : i32 to index
      %get3A_143 = tpu.vector_load %arg7[%get3A_142] {strides = array<i32>} : memref<2048xf32, #tpu.memory_space<vmem>>, vector<16xf32>,
      %reduce_sum3A_144 = arith.constant true
      %reduce_sum3A_145 = vector.broadcast %reduce_sum3A_144 : i1 to vector<16xi1>
      %reduce_sum3A_146 = tpu.scan <sum>, %get3A_143 masked %reduce_sum3A_145 : vector<16xf32>, vector<16xi1> -> vector<16xf32>
      %reduce_sum3A_147 = vector.extract %reduce_sum3A_146[15] : f32 from vector<16xf32>
      %cumsum3A = arith.constant true
      %cumsum3A_148 = vector.broadcast %cumsum3A : i1 to vector<16xi1>
      %cumsum3A_149 = tpu.scan <sum>, %get3A_143 masked %cumsum3A_148 : vector<16xf32>, vector<16xi1> -> vector<16xf32>
      %sub3A_150 = vector.broadcast %reduce_sum3A_147 : f32 to vector<16xf32>
      %sub3A_151 = arith.subf %sub3A_150, %cumsum3A_149 : vector<16xf32>
      %add3A_152 = arith.addf %sub3A_151, %get3A_143 : vector<16xf32>
      %add3A_153 = vector.broadcast %scan3A_134 : f32 to vector<16xf32>
      %add3A_154 = arith.addf %add3A_153, %add3A_152 : vector<16xf32>
      %ge3A_155 = vector.broadcast %reduce_sum3A_6 : f32 to vector<16xf32>
      %ge3A_156 = arith.cmpf oge, %add3A_154, %ge3A_155 : vector<16xf32>
      %jit3A_157 = arith.constant 1.000000e+00 : f32
      %jit3A_158 = arith.constant 0.000000e+00 : f32
      %broadcast_in_dim3A_159 = vector.broadcast %jit3A_157 : f32 to vector<16xf32>
      %broadcast_in_dim3A_160 = vector.broadcast %jit3A_158 : f32 to vector<16xf32>
      %select_n3A_161 = arith.select %ge3A_156, %broadcast_in_dim3A_159, %broadcast_in_dim3A_160 : vector<16xi1>, vector<16xf32>
      %reduce_sum3A_162 = arith.constant true
      %reduce_sum3A_163 = vector.broadcast %reduce_sum3A_162 : i1 to vector<16xi1>
      %reduce_sum3A_164 = tpu.scan <sum>, %select_n3A_161 masked %reduce_sum3A_163 : vector<16xf32>, vector<16xi1> -> vector<16xf32>
      %reduce_sum3A_165 = vector.extract %reduce_sum3A_164[15] : f32 from vector<16xf32>
      %sub3A_166 = arith.constant 1.000000e+00 : f32
      %sub3A_167 = arith.subf %reduce_sum3A_165, %sub3A_166 : f32
      %convert_element_type3A = arith.fptosi %sub3A_167 : f32 to i32
      %eq3A_168 = vector.broadcast %convert_element_type3A : i32 to vector<16xi32>
      %eq3A_169 = arith.cmpi eq, %iota3A, %eq3A_168 : vector<16xi32>
      %jit3A_170 = arith.constant 0.000000e+00 : f32
      %broadcast_in_dim3A_171 = vector.broadcast %jit3A_170 : f32 to vector<16xf32>
      %select_n3A_172 = arith.select %eq3A_169, %add3A_152, %broadcast_in_dim3A_171 : vector<16xi1>, vector<16xf32>
      %reduce_sum3A_173 = arith.constant true
      %reduce_sum3A_174 = vector.broadcast %reduce_sum3A_173 : i1 to vector<16xi1>
      %reduce_sum3A_175 = tpu.scan <sum>, %select_n3A_172 masked %reduce_sum3A_174 : vector<16xf32>, vector<16xi1> -> vector<16xf32>
      %reduce_sum3A_176 = vector.extract %reduce_sum3A_175[15] : f32 from vector<16xf32>
      %eq3A_177 = vector.broadcast %convert_element_type3A : i32 to vector<16xi32>
      %eq3A_178 = arith.cmpi eq, %iota3A, %eq3A_177 : vector<16xi32>
      %jit3A_179 = arith.constant 0.000000e+00 : f32
      %broadcast_in_dim3A_180 = vector.broadcast %jit3A_179 : f32 to vector<16xf32>
      %select_n3A_181 = arith.select %eq3A_178, %get3A_143, %broadcast_in_dim3A_180 : vector<16xi1>, vector<16xf32>
      %reduce_sum3A_182 = arith.constant true
      %reduce_sum3A_183 = vector.broadcast %reduce_sum3A_182 : i1 to vector<16xi1>
      %reduce_sum3A_184 = tpu.scan <sum>, %select_n3A_181 masked %reduce_sum3A_183 : vector<16xf32>, vector<16xi1> -> vector<16xf32>
      %reduce_sum3A_185 = vector.extract %reduce_sum3A_184[15] : f32 from vector<16xf32>
      %eq3A_186 = arith.constant 0 : i32
      %eq3A_187 = arith.cmpi eq, %scan3A_137, %eq3A_186 : i32
      %add3A_188 = arith.addf %scan3A_134, %reduce_sum3A_147 : f32
      %ge3A_189 = arith.cmpf oge, %add3A_188, %reduce_sum3A_6 : f32
      %and3A_190 = arith.andi %eq3A_187, %ge3A_189 : i1
      %mul3A_191 = arith.constant 16 : i32
      %mul3A_192 = arith.muli %sub3A_139, %mul3A_191 : i32
      %add3A_193 = arith.addi %mul3A_192, %convert_element_type3A : i32
      %select_n3A_194 = arith.select %and3A_190, %add3A_193, %scan3A_135 : i32
      %add3A_195 = arith.addf %scan3A_134, %reduce_sum3A_176 : f32
      %sub3A_196 = arith.subf %add3A_195, %reduce_sum3A_185 : f32
      %sub3A_197 = arith.subf %reduce_sum3A_6, %sub3A_196 : f32
      %select_n3A_198 = arith.select %and3A_190, %sub3A_197, %scan3A_136 : f32
      %gt3A_199 = arith.constant 0 : i32
      %gt3A_200 = arith.cmpi sgt, %scan3A_137, %gt3A_199 : i32
      %or3A_201 = arith.ori %gt3A_200, %and3A_190 : i1
      %add3A_202 = arith.addf %scan3A_134, %reduce_sum3A_147 : f32
      %select_n3A_203 = arith.select %or3A_201, %scan3A_134, %add3A_202 : f32
      %jit3A_204 = arith.constant 1 : i32
      %select_n3A_205 = arith.select %and3A_190, %jit3A_204, %scan3A_137 : i32
      scf.yield %select_n3A_203, %select_n3A_194, %select_n3A_198, %select_n3A_205 : f32, i32, f32, i32
    }
    %scan3A_37 = arith.constant 128 : i32
    %scan3A_38 = arith.constant 0 : i32
    %scan3A_39 = arith.constant 0 : i32
    %scan3A_40 = arith.constant 128 : i32
    %scan3A_41 = arith.addi %scan3A_39, %scan3A_40 : i32
    %scan3A_42 = arith.constant 1 : i32
    scf.for %scan3A_133 = %scan3A_39 to %scan3A_41 step %scan3A_42  : i32 {
      %mul3A_134 = arith.constant 16 : i32
      %mul3A_135 = arith.muli %scan3A_133, %mul3A_134 : i32
      %swap3A_136 = arith.index_cast %mul3A_135 : i32 to index
      %swap3A_137 = tpu.vector_load %arg7[%swap3A_136] {strides = array<i32>} : memref<2048xf32, #tpu.memory_space<vmem>>, vector<16xf32>,
      tpu.vector_store %arg7[%swap3A_136], %broadcast_in_dim3A_15 {strides = array<i32>} : memref<2048xf32, #tpu.memory_space<vmem>>, vector<16xf32>,
    }
    %scan3A_43 = arith.constant 128 : i32
    %scan3A_44 = arith.constant 0 : i32
    %scan3A_45 = arith.constant 0 : i32
    %scan3A_46 = arith.constant 576 : i32
    %scan3A_47 = arith.addi %scan3A_45, %scan3A_46 : i32
    %scan3A_48 = arith.constant 1 : i32
    scf.for %scan3A_133 = %scan3A_45 to %scan3A_47 step %scan3A_48  : i32 {
      %mul3A_134 = arith.constant 16 : i32
      %mul3A_135 = arith.muli %scan3A_133, %mul3A_134 : i32
      %get3A_136 = arith.index_cast %mul3A_135 : i32 to index
      %get3A_137 = tpu.vector_load %arg6[%get3A_136] {strides = array<i32>} : memref<9216xi32, #tpu.memory_space<vmem>>, vector<16xi32>,
      %shift_right_logical3A = arith.constant 10 : i32
      %shift_right_logical3A_138 = vector.broadcast %shift_right_logical3A : i32 to vector<16xi32>
      %shift_right_logical3A_139 = arith.shrui %get3A_137, %shift_right_logical3A_138 : vector<16xi32>
      %and3A_140 = arith.constant 2047 : i32
      %and3A_141 = vector.broadcast %and3A_140 : i32 to vector<16xi32>
      %and3A_142 = arith.andi %shift_right_logical3A_139, %and3A_141 : vector<16xi32>
      %bitcast3A_143 = vector.bitcast %and3A_142 : vector<16xi32> to vector<16xi32>
      %shift_right_logical3A_144 = arith.constant 21 : i32
      %shift_right_logical3A_145 = vector.broadcast %shift_right_logical3A_144 : i32 to vector<16xi32>
      %shift_right_logical3A_146 = arith.shrui %get3A_137, %shift_right_logical3A_145 : vector<16xi32>
      %eq3A_147 = vector.broadcast %scan3A_36#1 : i32 to vector<16xi32>
      %eq3A_148 = arith.cmpi eq, %shift_right_logical3A_146, %eq3A_147 : vector<16xi32>
      tpu.vector_store_idx %arg7[%bitcast3A_143], %broadcast_in_dim3A_13 masked %eq3A_148 {add = true} : memref<2048xf32, #tpu.memory_space<vmem>>[vector<16xi32>], vector<16xf32>, vector<16xi1>
    }
    %scan3A_49 = arith.constant 576 : i32
    %scan3A_50 = arith.constant 0.000000e+00 : f32
    %scan3A_51 = arith.constant 0 : i32
    %scan3A_52 = arith.constant 1.000000e+00 : f32
    %scan3A_53 = arith.constant 0 : i32
    %scan3A_54 = arith.constant 0 : i32
    %scan3A_55 = arith.constant 128 : i32
    %scan3A_56 = arith.addi %scan3A_54, %scan3A_55 : i32
    %scan3A_57 = arith.constant 1 : i32
    %scan3A_58:4 = scf.for %scan3A_133 = %scan3A_54 to %scan3A_56 step %scan3A_57 iter_args(%scan3A_134 = %scan3A_50, %scan3A_135 = %scan3A_51, %scan3A_136 = %scan3A_52, %scan3A_137 = %scan3A_53) -> (f32, i32, f32, i32)  : i32 {
      %sub3A_138 = arith.constant 127 : i32
      %sub3A_139 = arith.subi %sub3A_138, %scan3A_133 : i32
      %mul3A_140 = arith.constant 16 : i32
      %mul3A_141 = arith.muli %sub3A_139, %mul3A_140 : i32
      %get3A_142 = arith.index_cast %mul3A_141 : i32 to index
      %get3A_143 = tpu.vector_load %arg7[%get3A_142] {strides = array<i32>} : memref<2048xf32, #tpu.memory_space<vmem>>, vector<16xf32>,
      %reduce_sum3A_144 = arith.constant true
      %reduce_sum3A_145 = vector.broadcast %reduce_sum3A_144 : i1 to vector<16xi1>
      %reduce_sum3A_146 = tpu.scan <sum>, %get3A_143 masked %reduce_sum3A_145 : vector<16xf32>, vector<16xi1> -> vector<16xf32>
      %reduce_sum3A_147 = vector.extract %reduce_sum3A_146[15] : f32 from vector<16xf32>
      %cumsum3A = arith.constant true
      %cumsum3A_148 = vector.broadcast %cumsum3A : i1 to vector<16xi1>
      %cumsum3A_149 = tpu.scan <sum>, %get3A_143 masked %cumsum3A_148 : vector<16xf32>, vector<16xi1> -> vector<16xf32>
      %sub3A_150 = vector.broadcast %reduce_sum3A_147 : f32 to vector<16xf32>
      %sub3A_151 = arith.subf %sub3A_150, %cumsum3A_149 : vector<16xf32>
      %add3A_152 = arith.addf %sub3A_151, %get3A_143 : vector<16xf32>
      %add3A_153 = vector.broadcast %scan3A_134 : f32 to vector<16xf32>
      %add3A_154 = arith.addf %add3A_153, %add3A_152 : vector<16xf32>
      %ge3A_155 = vector.broadcast %scan3A_36#2 : f32 to vector<16xf32>
      %ge3A_156 = arith.cmpf oge, %add3A_154, %ge3A_155 : vector<16xf32>
      %jit3A_157 = arith.constant 1.000000e+00 : f32
      %jit3A_158 = arith.constant 0.000000e+00 : f32
      %broadcast_in_dim3A_159 = vector.broadcast %jit3A_157 : f32 to vector<16xf32>
      %broadcast_in_dim3A_160 = vector.broadcast %jit3A_158 : f32 to vector<16xf32>
      %select_n3A_161 = arith.select %ge3A_156, %broadcast_in_dim3A_159, %broadcast_in_dim3A_160 : vector<16xi1>, vector<16xf32>
      %reduce_sum3A_162 = arith.constant true
      %reduce_sum3A_163 = vector.broadcast %reduce_sum3A_162 : i1 to vector<16xi1>
      %reduce_sum3A_164 = tpu.scan <sum>, %select_n3A_161 masked %reduce_sum3A_163 : vector<16xf32>, vector<16xi1> -> vector<16xf32>
      %reduce_sum3A_165 = vector.extract %reduce_sum3A_164[15] : f32 from vector<16xf32>
      %sub3A_166 = arith.constant 1.000000e+00 : f32
      %sub3A_167 = arith.subf %reduce_sum3A_165, %sub3A_166 : f32
      %convert_element_type3A = arith.fptosi %sub3A_167 : f32 to i32
      %eq3A_168 = vector.broadcast %convert_element_type3A : i32 to vector<16xi32>
      %eq3A_169 = arith.cmpi eq, %iota3A, %eq3A_168 : vector<16xi32>
      %jit3A_170 = arith.constant 0.000000e+00 : f32
      %broadcast_in_dim3A_171 = vector.broadcast %jit3A_170 : f32 to vector<16xf32>
      %select_n3A_172 = arith.select %eq3A_169, %add3A_152, %broadcast_in_dim3A_171 : vector<16xi1>, vector<16xf32>
      %reduce_sum3A_173 = arith.constant true
      %reduce_sum3A_174 = vector.broadcast %reduce_sum3A_173 : i1 to vector<16xi1>
      %reduce_sum3A_175 = tpu.scan <sum>, %select_n3A_172 masked %reduce_sum3A_174 : vector<16xf32>, vector<16xi1> -> vector<16xf32>
      %reduce_sum3A_176 = vector.extract %reduce_sum3A_175[15] : f32 from vector<16xf32>
      %eq3A_177 = vector.broadcast %convert_element_type3A : i32 to vector<16xi32>
      %eq3A_178 = arith.cmpi eq, %iota3A, %eq3A_177 : vector<16xi32>
      %jit3A_179 = arith.constant 0.000000e+00 : f32
      %broadcast_in_dim3A_180 = vector.broadcast %jit3A_179 : f32 to vector<16xf32>
      %select_n3A_181 = arith.select %eq3A_178, %get3A_143, %broadcast_in_dim3A_180 : vector<16xi1>, vector<16xf32>
      %reduce_sum3A_182 = arith.constant true
      %reduce_sum3A_183 = vector.broadcast %reduce_sum3A_182 : i1 to vector<16xi1>
      %reduce_sum3A_184 = tpu.scan <sum>, %select_n3A_181 masked %reduce_sum3A_183 : vector<16xf32>, vector<16xi1> -> vector<16xf32>
      %reduce_sum3A_185 = vector.extract %reduce_sum3A_184[15] : f32 from vector<16xf32>
      %eq3A_186 = arith.constant 0 : i32
      %eq3A_187 = arith.cmpi eq, %scan3A_137, %eq3A_186 : i32
      %add3A_188 = arith.addf %scan3A_134, %reduce_sum3A_147 : f32
      %ge3A_189 = arith.cmpf oge, %add3A_188, %scan3A_36#2 : f32
      %and3A_190 = arith.andi %eq3A_187, %ge3A_189 : i1
      %mul3A_191 = arith.constant 16 : i32
      %mul3A_192 = arith.muli %sub3A_139, %mul3A_191 : i32
      %add3A_193 = arith.addi %mul3A_192, %convert_element_type3A : i32
      %select_n3A_194 = arith.select %and3A_190, %add3A_193, %scan3A_135 : i32
      %add3A_195 = arith.addf %scan3A_134, %reduce_sum3A_176 : f32
      %sub3A_196 = arith.subf %add3A_195, %reduce_sum3A_185 : f32
      %sub3A_197 = arith.subf %scan3A_36#2, %sub3A_196 : f32
      %select_n3A_198 = arith.select %and3A_190, %sub3A_197, %scan3A_136 : f32
      %gt3A_199 = arith.constant 0 : i32
      %gt3A_200 = arith.cmpi sgt, %scan3A_137, %gt3A_199 : i32
      %or3A_201 = arith.ori %gt3A_200, %and3A_190 : i1
      %add3A_202 = arith.addf %scan3A_134, %reduce_sum3A_147 : f32
      %select_n3A_203 = arith.select %or3A_201, %scan3A_134, %add3A_202 : f32
      %jit3A_204 = arith.constant 1 : i32
      %select_n3A_205 = arith.select %and3A_190, %jit3A_204, %scan3A_137 : i32
      scf.yield %select_n3A_203, %select_n3A_194, %select_n3A_198, %select_n3A_205 : f32, i32, f32, i32
    }
    %scan3A_59 = arith.constant 128 : i32
    %shift_left3A = arith.constant 11 : i32
    %shift_left3A_60 = arith.shli %scan3A_36#1, %shift_left3A : i32
    %or3A = arith.ori %shift_left3A_60, %scan3A_58#1 : i32
    %scan3A_61 = arith.constant 0 : i32
    %scan3A_62 = arith.constant 0 : i32
    %scan3A_63 = arith.constant 64 : i32
    %scan3A_64 = arith.addi %scan3A_62, %scan3A_63 : i32
    %scan3A_65 = arith.constant 1 : i32
    scf.for %scan3A_133 = %scan3A_62 to %scan3A_64 step %scan3A_65  : i32 {
      %mul3A_134 = arith.constant 16 : i32
      %mul3A_135 = arith.muli %scan3A_133, %mul3A_134 : i32
      %swap3A_136 = arith.index_cast %mul3A_135 : i32 to index
      %swap3A_137 = tpu.vector_load %arg7[%swap3A_136] {strides = array<i32>} : memref<2048xf32, #tpu.memory_space<vmem>>, vector<16xf32>,
      tpu.vector_store %arg7[%swap3A_136], %broadcast_in_dim3A_15 {strides = array<i32>} : memref<2048xf32, #tpu.memory_space<vmem>>, vector<16xf32>,
    }
    %scan3A_66 = arith.constant 64 : i32
    %scan3A_67 = arith.constant 0 : i32
    %scan3A_68 = arith.constant 0 : i32
    %scan3A_69 = arith.constant 576 : i32
    %scan3A_70 = arith.addi %scan3A_68, %scan3A_69 : i32
    %scan3A_71 = arith.constant 1 : i32
    scf.for %scan3A_133 = %scan3A_68 to %scan3A_70 step %scan3A_71  : i32 {
      %mul3A_134 = arith.constant 16 : i32
      %mul3A_135 = arith.muli %scan3A_133, %mul3A_134 : i32
      %get3A_136 = arith.index_cast %mul3A_135 : i32 to index
      %get3A_137 = tpu.vector_load %arg6[%get3A_136] {strides = array<i32>} : memref<9216xi32, #tpu.memory_space<vmem>>, vector<16xi32>,
      %shift_right_logical3A = arith.constant 0 : i32
      %shift_right_logical3A_138 = vector.broadcast %shift_right_logical3A : i32 to vector<16xi32>
      %shift_right_logical3A_139 = arith.shrui %get3A_137, %shift_right_logical3A_138 : vector<16xi32>
      %and3A_140 = arith.constant 1023 : i32
      %and3A_141 = vector.broadcast %and3A_140 : i32 to vector<16xi32>
      %and3A_142 = arith.andi %shift_right_logical3A_139, %and3A_141 : vector<16xi32>
      %bitcast3A_143 = vector.bitcast %and3A_142 : vector<16xi32> to vector<16xi32>
      %shift_right_logical3A_144 = arith.constant 10 : i32
      %shift_right_logical3A_145 = vector.broadcast %shift_right_logical3A_144 : i32 to vector<16xi32>
      %shift_right_logical3A_146 = arith.shrui %get3A_137, %shift_right_logical3A_145 : vector<16xi32>
      %eq3A_147 = vector.broadcast %or3A : i32 to vector<16xi32>
      %eq3A_148 = arith.cmpi eq, %shift_right_logical3A_146, %eq3A_147 : vector<16xi32>
      tpu.vector_store_idx %arg7[%bitcast3A_143], %broadcast_in_dim3A_13 masked %eq3A_148 {add = true} : memref<2048xf32, #tpu.memory_space<vmem>>[vector<16xi32>], vector<16xf32>, vector<16xi1>
    }
    %scan3A_72 = arith.constant 576 : i32
    %scan3A_73 = arith.constant 0.000000e+00 : f32
    %scan3A_74 = arith.constant 0 : i32
    %scan3A_75 = arith.constant 1.000000e+00 : f32
    %scan3A_76 = arith.constant 0 : i32
    %scan3A_77 = arith.constant 0 : i32
    %scan3A_78 = arith.constant 64 : i32
    %scan3A_79 = arith.addi %scan3A_77, %scan3A_78 : i32
    %scan3A_80 = arith.constant 1 : i32
    %scan3A_81:4 = scf.for %scan3A_133 = %scan3A_77 to %scan3A_79 step %scan3A_80 iter_args(%scan3A_134 = %scan3A_73, %scan3A_135 = %scan3A_74, %scan3A_136 = %scan3A_75, %scan3A_137 = %scan3A_76) -> (f32, i32, f32, i32)  : i32 {
      %sub3A_138 = arith.constant 63 : i32
      %sub3A_139 = arith.subi %sub3A_138, %scan3A_133 : i32
      %mul3A_140 = arith.constant 16 : i32
      %mul3A_141 = arith.muli %sub3A_139, %mul3A_140 : i32
      %get3A_142 = arith.index_cast %mul3A_141 : i32 to index
      %get3A_143 = tpu.vector_load %arg7[%get3A_142] {strides = array<i32>} : memref<2048xf32, #tpu.memory_space<vmem>>, vector<16xf32>,
      %reduce_sum3A_144 = arith.constant true
      %reduce_sum3A_145 = vector.broadcast %reduce_sum3A_144 : i1 to vector<16xi1>
      %reduce_sum3A_146 = tpu.scan <sum>, %get3A_143 masked %reduce_sum3A_145 : vector<16xf32>, vector<16xi1> -> vector<16xf32>
      %reduce_sum3A_147 = vector.extract %reduce_sum3A_146[15] : f32 from vector<16xf32>
      %cumsum3A = arith.constant true
      %cumsum3A_148 = vector.broadcast %cumsum3A : i1 to vector<16xi1>
      %cumsum3A_149 = tpu.scan <sum>, %get3A_143 masked %cumsum3A_148 : vector<16xf32>, vector<16xi1> -> vector<16xf32>
      %sub3A_150 = vector.broadcast %reduce_sum3A_147 : f32 to vector<16xf32>
      %sub3A_151 = arith.subf %sub3A_150, %cumsum3A_149 : vector<16xf32>
      %add3A_152 = arith.addf %sub3A_151, %get3A_143 : vector<16xf32>
      %add3A_153 = vector.broadcast %scan3A_134 : f32 to vector<16xf32>
      %add3A_154 = arith.addf %add3A_153, %add3A_152 : vector<16xf32>
      %ge3A_155 = vector.broadcast %scan3A_58#2 : f32 to vector<16xf32>
      %ge3A_156 = arith.cmpf oge, %add3A_154, %ge3A_155 : vector<16xf32>
      %jit3A_157 = arith.constant 1.000000e+00 : f32
      %jit3A_158 = arith.constant 0.000000e+00 : f32
      %broadcast_in_dim3A_159 = vector.broadcast %jit3A_157 : f32 to vector<16xf32>
      %broadcast_in_dim3A_160 = vector.broadcast %jit3A_158 : f32 to vector<16xf32>
      %select_n3A_161 = arith.select %ge3A_156, %broadcast_in_dim3A_159, %broadcast_in_dim3A_160 : vector<16xi1>, vector<16xf32>
      %reduce_sum3A_162 = arith.constant true
      %reduce_sum3A_163 = vector.broadcast %reduce_sum3A_162 : i1 to vector<16xi1>
      %reduce_sum3A_164 = tpu.scan <sum>, %select_n3A_161 masked %reduce_sum3A_163 : vector<16xf32>, vector<16xi1> -> vector<16xf32>
      %reduce_sum3A_165 = vector.extract %reduce_sum3A_164[15] : f32 from vector<16xf32>
      %sub3A_166 = arith.constant 1.000000e+00 : f32
      %sub3A_167 = arith.subf %reduce_sum3A_165, %sub3A_166 : f32
      %convert_element_type3A = arith.fptosi %sub3A_167 : f32 to i32
      %eq3A_168 = vector.broadcast %convert_element_type3A : i32 to vector<16xi32>
      %eq3A_169 = arith.cmpi eq, %iota3A, %eq3A_168 : vector<16xi32>
      %jit3A_170 = arith.constant 0.000000e+00 : f32
      %broadcast_in_dim3A_171 = vector.broadcast %jit3A_170 : f32 to vector<16xf32>
      %select_n3A_172 = arith.select %eq3A_169, %add3A_152, %broadcast_in_dim3A_171 : vector<16xi1>, vector<16xf32>
      %reduce_sum3A_173 = arith.constant true
      %reduce_sum3A_174 = vector.broadcast %reduce_sum3A_173 : i1 to vector<16xi1>
      %reduce_sum3A_175 = tpu.scan <sum>, %select_n3A_172 masked %reduce_sum3A_174 : vector<16xf32>, vector<16xi1> -> vector<16xf32>
      %reduce_sum3A_176 = vector.extract %reduce_sum3A_175[15] : f32 from vector<16xf32>
      %eq3A_177 = vector.broadcast %convert_element_type3A : i32 to vector<16xi32>
      %eq3A_178 = arith.cmpi eq, %iota3A, %eq3A_177 : vector<16xi32>
      %jit3A_179 = arith.constant 0.000000e+00 : f32
      %broadcast_in_dim3A_180 = vector.broadcast %jit3A_179 : f32 to vector<16xf32>
      %select_n3A_181 = arith.select %eq3A_178, %get3A_143, %broadcast_in_dim3A_180 : vector<16xi1>, vector<16xf32>
      %reduce_sum3A_182 = arith.constant true
      %reduce_sum3A_183 = vector.broadcast %reduce_sum3A_182 : i1 to vector<16xi1>
      %reduce_sum3A_184 = tpu.scan <sum>, %select_n3A_181 masked %reduce_sum3A_183 : vector<16xf32>, vector<16xi1> -> vector<16xf32>
      %reduce_sum3A_185 = vector.extract %reduce_sum3A_184[15] : f32 from vector<16xf32>
      %eq3A_186 = arith.constant 0 : i32
      %eq3A_187 = arith.cmpi eq, %scan3A_137, %eq3A_186 : i32
      %add3A_188 = arith.addf %scan3A_134, %reduce_sum3A_147 : f32
      %ge3A_189 = arith.cmpf oge, %add3A_188, %scan3A_58#2 : f32
      %and3A_190 = arith.andi %eq3A_187, %ge3A_189 : i1
      %mul3A_191 = arith.constant 16 : i32
      %mul3A_192 = arith.muli %sub3A_139, %mul3A_191 : i32
      %add3A_193 = arith.addi %mul3A_192, %convert_element_type3A : i32
      %select_n3A_194 = arith.select %and3A_190, %add3A_193, %scan3A_135 : i32
      %add3A_195 = arith.addf %scan3A_134, %reduce_sum3A_176 : f32
      %sub3A_196 = arith.subf %add3A_195, %reduce_sum3A_185 : f32
      %sub3A_197 = arith.subf %scan3A_58#2, %sub3A_196 : f32
      %select_n3A_198 = arith.select %and3A_190, %sub3A_197, %scan3A_136 : f32
      %gt3A_199 = arith.constant 0 : i32
      %gt3A_200 = arith.cmpi sgt, %scan3A_137, %gt3A_199 : i32
      %or3A_201 = arith.ori %gt3A_200, %and3A_190 : i1
      %add3A_202 = arith.addf %scan3A_134, %reduce_sum3A_147 : f32
      %select_n3A_203 = arith.select %or3A_201, %scan3A_134, %add3A_202 : f32
      %jit3A_204 = arith.constant 1 : i32
      %select_n3A_205 = arith.select %and3A_190, %jit3A_204, %scan3A_137 : i32
      scf.yield %select_n3A_203, %select_n3A_194, %select_n3A_198, %select_n3A_205 : f32, i32, f32, i32
    }
    %scan3A_82 = arith.constant 64 : i32
    %shift_left3A_83 = arith.constant 21 : i32
    %shift_left3A_84 = arith.shli %scan3A_36#1, %shift_left3A_83 : i32
    %shift_left3A_85 = arith.constant 10 : i32
    %shift_left3A_86 = arith.shli %scan3A_58#1, %shift_left3A_85 : i32
    %or3A_87 = arith.ori %shift_left3A_84, %shift_left3A_86 : i32
    %or3A_88 = arith.ori %or3A_87, %scan3A_81#1 : i32
    %scan3A_89 = arith.constant 0 : i32
    %scan3A_90 = arith.constant 576 : i32
    %scan3A_91 = arith.addi %scan3A_89, %scan3A_90 : i32
    %scan3A_92 = arith.constant 1 : i32
    %scan3A_93:2 = scf.for %scan3A_133 = %scan3A_89 to %scan3A_91 step %scan3A_92 iter_args(%scan3A_134 = %broadcast_in_dim3A_15, %scan3A_135 = %broadcast_in_dim3A_15) -> (vector<16xf32>, vector<16xf32>)  : i32 {
      %mul3A_136 = arith.constant 16 : i32
      %mul3A_137 = arith.muli %scan3A_133, %mul3A_136 : i32
      %get3A_138 = arith.index_cast %mul3A_137 : i32 to index
      %get3A_139 = tpu.vector_load %arg6[%get3A_138] {strides = array<i32>} : memref<9216xi32, #tpu.memory_space<vmem>>, vector<16xi32>,
      %mul3A_140 = arith.constant 16 : i32
      %mul3A_141 = arith.muli %scan3A_133, %mul3A_140 : i32
      %get3A_142 = arith.index_cast %mul3A_141 : i32 to index
      %get3A_143 = tpu.vector_load %arg5[%get3A_142] {strides = array<i32>} : memref<9216xf32, #tpu.memory_space<vmem>>, vector<16xf32>,
      %gt3A_144 = vector.broadcast %or3A_88 : i32 to vector<16xi32>
      %gt3A_145 = arith.cmpi ugt, %get3A_139, %gt3A_144 : vector<16xi32>
      %jit3A_146 = arith.constant 0.000000e+00 : f32
      %broadcast_in_dim3A_147 = vector.broadcast %jit3A_146 : f32 to vector<16xf32>
      %select_n3A_148 = arith.select %gt3A_145, %get3A_143, %broadcast_in_dim3A_147 : vector<16xi1>, vector<16xf32>
      %add3A_149 = arith.addf %scan3A_134, %select_n3A_148 : vector<16xf32>
      %jit3A_150 = arith.constant 1.000000e+00 : f32
      %jit3A_151 = arith.constant 0.000000e+00 : f32
      %broadcast_in_dim3A_152 = vector.broadcast %jit3A_150 : f32 to vector<16xf32>
      %broadcast_in_dim3A_153 = vector.broadcast %jit3A_151 : f32 to vector<16xf32>
      %select_n3A_154 = arith.select %gt3A_145, %broadcast_in_dim3A_152, %broadcast_in_dim3A_153 : vector<16xi1>, vector<16xf32>
      %add3A_155 = arith.addf %scan3A_135, %select_n3A_154 : vector<16xf32>
      scf.yield %add3A_149, %add3A_155 : vector<16xf32>, vector<16xf32>
    }
    %scan3A_94 = arith.constant 576 : i32
    %reduce_sum3A_95 = arith.constant true
    %reduce_sum3A_96 = vector.broadcast %reduce_sum3A_95 : i1 to vector<16xi1>
    %reduce_sum3A_97 = tpu.scan <sum>, %scan3A_93#0 masked %reduce_sum3A_96 : vector<16xf32>, vector<16xi1> -> vector<16xf32>
    %reduce_sum3A_98 = vector.extract %reduce_sum3A_97[15] : f32 from vector<16xf32>
    %reduce_sum3A_99 = arith.constant true
    %reduce_sum3A_100 = vector.broadcast %reduce_sum3A_99 : i1 to vector<16xi1>
    %reduce_sum3A_101 = tpu.scan <sum>, %scan3A_93#1 masked %reduce_sum3A_100 : vector<16xf32>, vector<16xi1> -> vector<16xf32>
    %reduce_sum3A_102 = vector.extract %reduce_sum3A_101[15] : f32 from vector<16xf32>
    %broadcast_in_dim3A_103 = vector.broadcast %or3A_88 : i32 to vector<16xi32>
    %ge3A = arith.constant -2147483648 : i32
    %ge3A_104 = vector.broadcast %ge3A : i32 to vector<16xi32>
    %ge3A_105 = arith.cmpi uge, %broadcast_in_dim3A_103, %ge3A_104 : vector<16xi32>
    %and3A = arith.constant 2147483647 : i32
    %and3A_106 = vector.broadcast %and3A : i32 to vector<16xi32>
    %and3A_107 = arith.andi %broadcast_in_dim3A_103, %and3A_106 : vector<16xi32>
    %not3A = arith.constant dense<-1> : vector<16xi32>
    %not3A_108 = arith.xori %broadcast_in_dim3A_103, %not3A : vector<16xi32>
    %select_n3A_109 = arith.select %ge3A_105, %and3A_107, %not3A_108 : vector<16xi1>, vector<16xi32>
    %bitcast3A = vector.bitcast %select_n3A_109 : vector<16xi32> to vector<16xf32>
    %eq3A_110 = arith.constant 0 : i32
    %eq3A_111 = vector.broadcast %eq3A_110 : i32 to vector<16xi32>
    %eq3A_112 = arith.cmpi eq, %iota3A, %eq3A_111 : vector<16xi32>
    %jit3A_113 = arith.constant 0.000000e+00 : f32
    %broadcast_in_dim3A_114 = vector.broadcast %jit3A_113 : f32 to vector<16xf32>
    %select_n3A_115 = arith.select %eq3A_112, %bitcast3A, %broadcast_in_dim3A_114 : vector<16xi1>, vector<16xf32>
    %reduce_sum3A_116 = arith.constant true
    %reduce_sum3A_117 = vector.broadcast %reduce_sum3A_116 : i1 to vector<16xi1>
    %reduce_sum3A_118 = tpu.scan <sum>, %select_n3A_115 masked %reduce_sum3A_117 : vector<16xf32>, vector<16xi1> -> vector<16xf32>
    %reduce_sum3A_119 = vector.extract %reduce_sum3A_118[15] : f32 from vector<16xf32>
    %gt3A = arith.constant 0.000000e+00 : f32
    %gt3A_120 = arith.cmpf ogt, %reduce_sum3A_6, %gt3A : f32
    %sub3A = arith.subf %reduce_sum3A_6, %reduce_sum3A_102 : f32
    %mul3A_121 = arith.mulf %reduce_sum3A_119, %sub3A : f32
    %add3A_122 = arith.addf %reduce_sum3A_98, %mul3A_121 : f32
    %jit3A_123 = arith.constant 0.000000e+00 : f32
    %select_n3A_124 = arith.select %gt3A_120, %add3A_122, %jit3A_123 : f32
    %eq3A_125 = arith.constant 0 : i32
    %eq3A_126 = vector.broadcast %eq3A_125 : i32 to vector<16xi32>
    %eq3A_127 = arith.cmpi eq, %iota3A, %eq3A_126 : vector<16xi32>
    %jit3A_128 = arith.constant 0.000000e+00 : f32
    %broadcast_in_dim3A_129 = vector.broadcast %select_n3A_124 : f32 to vector<16xf32>
    %broadcast_in_dim3A_130 = vector.broadcast %jit3A_128 : f32 to vector<16xf32>
    %select_n3A_131 = arith.select %eq3A_127, %broadcast_in_dim3A_129, %broadcast_in_dim3A_130 : vector<16xi1>, vector<16xf32>
    %swap3A = arith.constant 0 : index
    %swap3A_132 = tpu.vector_load %arg8[%swap3A] {strides = array<i32>} : memref<16xf32, #tpu.memory_space<vmem>>, vector<16xf32>,
    tpu.vector_store %arg8[%swap3A], %select_n3A_131 {strides = array<i32>} : memref<16xf32, #tpu.memory_space<vmem>>, vector<16xf32>,
    "tpu.region"() ({
      %run_scoped3A = tpu.sem_alloc : memref<!tpu.dma_semaphore, #tpu.memory_space<semaphore_mem>>
      %dma_start3A = arith.constant 0 : i32
      %dma_start3A_133 = tpu.memref_slice %arg4[%add3A, %dma_start3A] : memref<32x16xf32, #tpu.memory_space<hbm>> -> memref<1x16xf32, #tpu.memory_space<hbm>>
      %dma_start3A_134 = tpu.memref_squeeze %dma_start3A_133 : memref<1x16xf32, #tpu.memory_space<hbm>> -> memref<16xf32, #tpu.memory_space<hbm>>
      %dma_start3A_135 = arith.constant 0 : i32
      %dma_start3A_136 = tpu.memref_slice %arg4[%add3A, %dma_start3A_135] : memref<32x16xf32, #tpu.memory_space<hbm>> -> memref<1x16xf32, #tpu.memory_space<hbm>>
      %dma_start3A_137 = tpu.memref_squeeze %dma_start3A_136 : memref<1x16xf32, #tpu.memory_space<hbm>> -> memref<16xf32, #tpu.memory_space<hbm>>
      tpu.enqueue_dma source(%arg8 : memref<16xf32, #tpu.memory_space<vmem>>) target(%dma_start3A_137 : memref<16xf32, #tpu.memory_space<hbm>>) target_semaphore(%run_scoped3A : memref<!tpu.dma_semaphore, #tpu.memory_space<semaphore_mem>>)
      %dma_wait3A = arith.constant 0 : i32
      %dma_wait3A_138 = tpu.memref_slice %arg4[%add3A, %dma_wait3A] : memref<32x16xf32, #tpu.memory_space<hbm>> -> memref<1x16xf32, #tpu.memory_space<hbm>>
      %dma_wait3A_139 = tpu.memref_squeeze %dma_wait3A_138 : memref<1x16xf32, #tpu.memory_space<hbm>> -> memref<16xf32, #tpu.memory_space<hbm>>
      %dma_wait3A_140 = arith.constant 0 : i32
      %dma_wait3A_141 = tpu.memref_slice %arg4[%add3A, %dma_wait3A_140] : memref<32x16xf32, #tpu.memory_space<hbm>> -> memref<1x16xf32, #tpu.memory_space<hbm>>
      %dma_wait3A_142 = tpu.memref_squeeze %dma_wait3A_141 : memref<1x16xf32, #tpu.memory_space<hbm>> -> memref<16xf32, #tpu.memory_space<hbm>>
      tpu.wait_dma2 semaphore(%run_scoped3A : memref<!tpu.dma_semaphore, #tpu.memory_space<semaphore_mem>>) src(%arg8 : memref<16xf32, #tpu.memory_space<vmem>>) dst(%dma_wait3A_142 : memref<16xf32, #tpu.memory_space<hbm>>)
      tpu.yield
    }) : () -> ()
    return
  }
}

module attributes {stable_mosaic.version = 14 : i64} {
  func.func @_match_body(%arg0: i32, %arg1: memref<1x21x8x1152xf32, #tpu.memory_space<vmem>>, %arg2: memref<1x4x8x1152xf32, #tpu.memory_space<vmem>>, %arg3: memref<1x50x5xf32, #tpu.memory_space<smem>>, %arg4: memref<1x1x1xi32, #tpu.memory_space<smem>>, %arg5: memref<9x8x1152xf32, #tpu.memory_space<vmem>>, %arg6: memref<1x8x1152xf32, #tpu.memory_space<vmem>>, %arg7: memref<1x1x3xf32, #tpu.memory_space<smem>>) attributes {dimension_semantics = [#tpu.dimension_semantics<arbitrary>], iteration_bounds = array<i64: 32>, scalar_prefetch = 0 : i64, scratch_operands = 0 : i64, tpu.core_type = #tpu.core_type<tc>, window_params = [{transform_indices = @transform_0, window_bounds = array<i64: 1, 21, 8, 1152>}, {transform_indices = @transform_1, window_bounds = array<i64: 1, 4, 8, 1152>}, {transform_indices = @transform_2, window_bounds = array<i64: 1, 50, 5>}, {transform_indices = @transform_3, window_bounds = array<i64: 1, 1, 1>}, {pipeline_mode = #tpu.pipeline_mode<synchronous>, transform_indices = @transform_4, window_bounds = array<i64: 9, 8, 1152>}, {transform_indices = @transform_5, window_bounds = array<i64: 1, 8, 1152>}, {transform_indices = @transform_6, window_bounds = array<i64: 1, 1, 3>}]} {
    %get3A = arith.constant 0 : index
    %get3A_0 = arith.constant 0 : index
    %get3A_1 = arith.constant 0 : index
    %get3A_2 = vector.load %arg5[%get3A, %get3A_0, %get3A_1] : memref<9x8x1152xf32, #tpu.memory_space<vmem>>, vector<1x8x1152xf32>
    %get3A_3 = vector.shape_cast %get3A_2 : vector<1x8x1152xf32> to vector<8x1152xf32>
    %get3A_4 = arith.constant 1 : index
    %get3A_5 = arith.constant 0 : index
    %get3A_6 = arith.constant 0 : index
    %get3A_7 = vector.load %arg5[%get3A_4, %get3A_5, %get3A_6] : memref<9x8x1152xf32, #tpu.memory_space<vmem>>, vector<1x8x1152xf32>
    %get3A_8 = vector.shape_cast %get3A_7 : vector<1x8x1152xf32> to vector<8x1152xf32>
    %get3A_9 = arith.constant 2 : index
    %get3A_10 = arith.constant 0 : index
    %get3A_11 = arith.constant 0 : index
    %get3A_12 = vector.load %arg5[%get3A_9, %get3A_10, %get3A_11] : memref<9x8x1152xf32, #tpu.memory_space<vmem>>, vector<1x8x1152xf32>
    %get3A_13 = vector.shape_cast %get3A_12 : vector<1x8x1152xf32> to vector<8x1152xf32>
    %get3A_14 = arith.constant 3 : index
    %get3A_15 = arith.constant 0 : index
    %get3A_16 = arith.constant 0 : index
    %get3A_17 = vector.load %arg5[%get3A_14, %get3A_15, %get3A_16] : memref<9x8x1152xf32, #tpu.memory_space<vmem>>, vector<1x8x1152xf32>
    %get3A_18 = vector.shape_cast %get3A_17 : vector<1x8x1152xf32> to vector<8x1152xf32>
    %get3A_19 = arith.constant 4 : index
    %get3A_20 = arith.constant 0 : index
    %get3A_21 = arith.constant 0 : index
    %get3A_22 = vector.load %arg5[%get3A_19, %get3A_20, %get3A_21] : memref<9x8x1152xf32, #tpu.memory_space<vmem>>, vector<1x8x1152xf32>
    %get3A_23 = vector.shape_cast %get3A_22 : vector<1x8x1152xf32> to vector<8x1152xf32>
    %get3A_24 = arith.constant 5 : index
    %get3A_25 = arith.constant 0 : index
    %get3A_26 = arith.constant 0 : index
    %get3A_27 = vector.load %arg5[%get3A_24, %get3A_25, %get3A_26] : memref<9x8x1152xf32, #tpu.memory_space<vmem>>, vector<1x8x1152xf32>
    %get3A_28 = vector.shape_cast %get3A_27 : vector<1x8x1152xf32> to vector<8x1152xf32>
    %get3A_29 = arith.constant 6 : index
    %get3A_30 = arith.constant 0 : index
    %get3A_31 = arith.constant 0 : index
    %get3A_32 = vector.load %arg5[%get3A_29, %get3A_30, %get3A_31] : memref<9x8x1152xf32, #tpu.memory_space<vmem>>, vector<1x8x1152xf32>
    %get3A_33 = vector.shape_cast %get3A_32 : vector<1x8x1152xf32> to vector<8x1152xf32>
    %get3A_34 = arith.constant 7 : index
    %get3A_35 = arith.constant 0 : index
    %get3A_36 = arith.constant 0 : index
    %get3A_37 = vector.load %arg5[%get3A_34, %get3A_35, %get3A_36] : memref<9x8x1152xf32, #tpu.memory_space<vmem>>, vector<1x8x1152xf32>
    %get3A_38 = vector.shape_cast %get3A_37 : vector<1x8x1152xf32> to vector<8x1152xf32>
    %get3A_39 = arith.constant 8 : index
    %get3A_40 = arith.constant 0 : index
    %get3A_41 = arith.constant 0 : index
    %get3A_42 = vector.load %arg5[%get3A_39, %get3A_40, %get3A_41] : memref<9x8x1152xf32, #tpu.memory_space<vmem>>, vector<1x8x1152xf32>
    %get3A_43 = vector.shape_cast %get3A_42 : vector<1x8x1152xf32> to vector<8x1152xf32>
    %iota3A = tpu.iota {dimensions = array<i32: 0>} : vector<8x1152xi32>
    %iota3A_44 = tpu.iota {dimensions = array<i32: 1>} : vector<8x1152xi32>
    %mul3A = arith.constant 1152 : i32
    %mul3A_45 = vector.broadcast %mul3A : i32 to vector<8x1152xi32>
    %mul3A_46 = arith.muli %iota3A, %mul3A_45 : vector<8x1152xi32>
    %add3A = arith.addi %mul3A_46, %iota3A_44 : vector<8x1152xi32>
    %lt3A = arith.constant 8732 : i32
    %lt3A_47 = vector.broadcast %lt3A : i32 to vector<8x1152xi32>
    %lt3A_48 = arith.cmpi slt, %add3A, %lt3A_47 : vector<8x1152xi32>
    %get3A_49 = arith.constant 0 : index
    %get3A_50 = arith.constant 0 : index
    %get3A_51 = arith.constant 0 : index
    %get3A_52 = memref.load %arg4[%get3A_49, %get3A_50, %get3A_51] : memref<1x1x1xi32, #tpu.memory_space<smem>>
    %broadcast_in_dim3A = arith.constant 0.000000e+00 : f32
    %broadcast_in_dim3A_53 = vector.broadcast %broadcast_in_dim3A : f32 to vector<8x1152xf32>
    %broadcast_in_dim3A_54 = arith.constant -1.000000e+00 : f32
    %broadcast_in_dim3A_55 = vector.broadcast %broadcast_in_dim3A_54 : f32 to vector<8x1152xf32>
    %add3A_56 = arith.constant 3 : i32
    %add3A_57 = arith.addi %get3A_52, %add3A_56 : i32
    %jit3A = arith.constant 4 : i32
    %div3A = arith.divsi %add3A_57, %jit3A : i32
    %sign3A = arith.constant 0 : i32
    %sign3A_58 = arith.cmpi sgt, %add3A_57, %sign3A : i32
    %sign3A_59 = arith.extui %sign3A_58 : i1 to i32
    %sign3A_60 = arith.constant 0 : i32
    %sign3A_61 = arith.cmpi slt, %add3A_57, %sign3A_60 : i32
    %sign3A_62 = arith.extui %sign3A_61 : i1 to i32
    %sign3A_63 = arith.subi %sign3A_59, %sign3A_62 : i32
    %sign3A_64 = arith.constant 0 : i32
    %sign3A_65 = arith.cmpi sgt, %jit3A, %sign3A_64 : i32
    %sign3A_66 = arith.extui %sign3A_65 : i1 to i32
    %sign3A_67 = arith.constant 0 : i32
    %sign3A_68 = arith.cmpi slt, %jit3A, %sign3A_67 : i32
    %sign3A_69 = arith.extui %sign3A_68 : i1 to i32
    %sign3A_70 = arith.subi %sign3A_66, %sign3A_69 : i32
    %ne3A = arith.cmpi ne, %sign3A_63, %sign3A_70 : i32
    %rem3A = arith.remsi %add3A_57, %jit3A : i32
    %ne3A_71 = arith.constant 0 : i32
    %ne3A_72 = arith.cmpi ne, %rem3A, %ne3A_71 : i32
    %and3A = arith.andi %ne3A, %ne3A_72 : i1
    %sub3A = arith.constant 1 : i32
    %sub3A_73 = arith.subi %div3A, %sub3A : i32
    %select_n3A = arith.select %and3A, %sub3A_73, %div3A : i32
    %while3A = arith.constant 0 : i32
    %while3A_74 = arith.subi %select_n3A, %while3A : i32
    %while3A_75 = arith.addi %while3A, %while3A_74 : i32
    %while3A_76 = arith.constant 1 : i32
    %while3A_77 = arith.divsi %while3A_74, %while3A_76 : i32
    %while3A_78 = arith.muli %while3A_77, %while3A_76 : i32
    %while3A_79 = arith.addi %while3A, %while3A_78 : i32
    %while3A_80 = arith.constant 1 : i32
    %while3A_81:6 = scf.for %while3A_687 = %while3A to %while3A_79 step %while3A_80 iter_args(%while3A_688 = %broadcast_in_dim3A_55, %while3A_689 = %broadcast_in_dim3A_53, %while3A_690 = %broadcast_in_dim3A_53, %while3A_691 = %broadcast_in_dim3A_53, %while3A_692 = %broadcast_in_dim3A_53, %while3A_693 = %broadcast_in_dim3A_53) -> (vector<8x1152xf32>, vector<8x1152xf32>, vector<8x1152xf32>, vector<8x1152xf32>, vector<8x1152xf32>, vector<8x1152xf32>)  : i32 {
      %mul3A_694 = arith.constant 4 : i32
      %mul3A_695 = arith.muli %while3A_687, %mul3A_694 : i32
      %add3A_696 = arith.constant 0 : i32
      %add3A_697 = arith.addi %mul3A_695, %add3A_696 : i32
      %sub3A_698 = arith.constant 1 : i32
      %sub3A_699 = arith.subi %get3A_52, %sub3A_698 : i32
      %min3A = arith.minsi %add3A_697, %sub3A_699 : i32
      %get3A_700 = arith.constant 0 : index
      %get3A_701 = arith.index_cast %min3A : i32 to index
      %get3A_702 = arith.constant 0 : index
      %get3A_703 = memref.load %arg3[%get3A_700, %get3A_701, %get3A_702] : memref<1x50x5xf32, #tpu.memory_space<smem>>
      %get3A_704 = arith.constant 0 : index
      %get3A_705 = arith.index_cast %min3A : i32 to index
      %get3A_706 = arith.constant 1 : index
      %get3A_707 = memref.load %arg3[%get3A_704, %get3A_705, %get3A_706] : memref<1x50x5xf32, #tpu.memory_space<smem>>
      %get3A_708 = arith.constant 0 : index
      %get3A_709 = arith.index_cast %min3A : i32 to index
      %get3A_710 = arith.constant 2 : index
      %get3A_711 = memref.load %arg3[%get3A_708, %get3A_709, %get3A_710] : memref<1x50x5xf32, #tpu.memory_space<smem>>
      %get3A_712 = arith.constant 0 : index
      %get3A_713 = arith.index_cast %min3A : i32 to index
      %get3A_714 = arith.constant 3 : index
      %get3A_715 = memref.load %arg3[%get3A_712, %get3A_713, %get3A_714] : memref<1x50x5xf32, #tpu.memory_space<smem>>
      %max3A_716 = vector.broadcast %get3A_703 : f32 to vector<8x1152xf32>
      %max3A_717 = arith.maximumf %max3A_716, %get3A_3 : vector<8x1152xf32>
      %max3A_718 = vector.broadcast %get3A_707 : f32 to vector<8x1152xf32>
      %max3A_719 = arith.maximumf %max3A_718, %get3A_8 : vector<8x1152xf32>
      %min3A_720 = vector.broadcast %get3A_711 : f32 to vector<8x1152xf32>
      %min3A_721 = arith.minimumf %min3A_720, %get3A_13 : vector<8x1152xf32>
      %min3A_722 = vector.broadcast %get3A_715 : f32 to vector<8x1152xf32>
      %min3A_723 = arith.minimumf %min3A_722, %get3A_18 : vector<8x1152xf32>
      %sub3A_724 = arith.subf %min3A_721, %max3A_717 : vector<8x1152xf32>
      %max3A_725 = arith.constant 0.000000e+00 : f32
      %max3A_726 = vector.broadcast %max3A_725 : f32 to vector<8x1152xf32>
      %max3A_727 = arith.maximumf %sub3A_724, %max3A_726 : vector<8x1152xf32>
      %sub3A_728 = arith.subf %min3A_723, %max3A_719 : vector<8x1152xf32>
      %max3A_729 = arith.constant 0.000000e+00 : f32
      %max3A_730 = vector.broadcast %max3A_729 : f32 to vector<8x1152xf32>
      %max3A_731 = arith.maximumf %sub3A_728, %max3A_730 : vector<8x1152xf32>
      %mul3A_732 = arith.mulf %max3A_727, %max3A_731 : vector<8x1152xf32>
      %sub3A_733 = arith.subf %get3A_711, %get3A_703 : f32
      %max3A_734 = arith.constant 0.000000e+00 : f32
      %max3A_735 = arith.maximumf %sub3A_733, %max3A_734 : f32
      %sub3A_736 = arith.subf %get3A_715, %get3A_707 : f32
      %max3A_737 = arith.constant 0.000000e+00 : f32
      %max3A_738 = arith.maximumf %sub3A_736, %max3A_737 : f32
      %mul3A_739 = arith.mulf %max3A_735, %max3A_738 : f32
      %add3A_740 = vector.broadcast %mul3A_739 : f32 to vector<8x1152xf32>
      %add3A_741 = arith.addf %add3A_740, %get3A_43 : vector<8x1152xf32>
      %sub3A_742 = arith.subf %add3A_741, %mul3A_732 : vector<8x1152xf32>
      %max3A_743 = arith.constant 9.99999993E-9 : f32
      %max3A_744 = vector.broadcast %max3A_743 : f32 to vector<8x1152xf32>
      %max3A_745 = arith.maximumf %sub3A_742, %max3A_744 : vector<8x1152xf32>
      %div3A_746 = arith.divf %mul3A_732, %max3A_745 : vector<8x1152xf32>
      %reduce_max3A = vector.shape_cast %div3A_746 : vector<8x1152xf32> to vector<1x8x1152xf32>
      %reduce_max3A_747 = arith.constant dense<0xFF800000> : vector<1xf32>
      %reduce_max3A_748 = vector.multi_reduction <maximumf>, %reduce_max3A, %reduce_max3A_747 [1, 2] : vector<1x8x1152xf32> to vector<1xf32>
      %reduce_max3A_749 = vector.shape_cast %reduce_max3A_748 : vector<1xf32> to vector<1x1x1xf32>
      %reduce_max3A_750 = vector.extract %reduce_max3A_749[0, 0, 0] : f32 from vector<1x1x1xf32>
      %broadcast_in_dim3A_751 = vector.broadcast %reduce_max3A_750 : f32 to vector<1x1xf32>
      %eq3A_752 = vector.broadcast %broadcast_in_dim3A_751 : vector<1x1xf32> to vector<8x1152xf32>
      %eq3A_753 = arith.cmpf oeq, %div3A_746, %eq3A_752 : vector<8x1152xf32>
      %jit3A_754 = arith.constant 1073741824 : i32
      %broadcast_in_dim3A_755 = vector.broadcast %jit3A_754 : i32 to vector<8x1152xi32>
      %select_n3A_756 = arith.select %eq3A_753, %add3A, %broadcast_in_dim3A_755 : vector<8x1152xi1>, vector<8x1152xi32>
      %reduce_min3A = vector.shape_cast %select_n3A_756 : vector<8x1152xi32> to vector<1x8x1152xi32>
      %reduce_min3A_757 = arith.constant dense<2147483647> : vector<1xi32>
      %reduce_min3A_758 = vector.multi_reduction <minsi>, %reduce_min3A, %reduce_min3A_757 [1, 2] : vector<1x8x1152xi32> to vector<1xi32>
      %reduce_min3A_759 = vector.shape_cast %reduce_min3A_758 : vector<1xi32> to vector<1x1x1xi32>
      %reduce_min3A_760 = vector.extract %reduce_min3A_759[0, 0, 0] : i32 from vector<1x1x1xi32>
      %broadcast_in_dim3A_761 = vector.broadcast %reduce_min3A_760 : i32 to vector<1x1xi32>
      %add3A_762 = arith.constant 1 : i32
      %add3A_763 = arith.addi %mul3A_695, %add3A_762 : i32
      %sub3A_764 = arith.constant 1 : i32
      %sub3A_765 = arith.subi %get3A_52, %sub3A_764 : i32
      %min3A_766 = arith.minsi %add3A_763, %sub3A_765 : i32
      %get3A_767 = arith.constant 0 : index
      %get3A_768 = arith.index_cast %min3A_766 : i32 to index
      %get3A_769 = arith.constant 0 : index
      %get3A_770 = memref.load %arg3[%get3A_767, %get3A_768, %get3A_769] : memref<1x50x5xf32, #tpu.memory_space<smem>>
      %get3A_771 = arith.constant 0 : index
      %get3A_772 = arith.index_cast %min3A_766 : i32 to index
      %get3A_773 = arith.constant 1 : index
      %get3A_774 = memref.load %arg3[%get3A_771, %get3A_772, %get3A_773] : memref<1x50x5xf32, #tpu.memory_space<smem>>
      %get3A_775 = arith.constant 0 : index
      %get3A_776 = arith.index_cast %min3A_766 : i32 to index
      %get3A_777 = arith.constant 2 : index
      %get3A_778 = memref.load %arg3[%get3A_775, %get3A_776, %get3A_777] : memref<1x50x5xf32, #tpu.memory_space<smem>>
      %get3A_779 = arith.constant 0 : index
      %get3A_780 = arith.index_cast %min3A_766 : i32 to index
      %get3A_781 = arith.constant 3 : index
      %get3A_782 = memref.load %arg3[%get3A_779, %get3A_780, %get3A_781] : memref<1x50x5xf32, #tpu.memory_space<smem>>
      %max3A_783 = vector.broadcast %get3A_770 : f32 to vector<8x1152xf32>
      %max3A_784 = arith.maximumf %max3A_783, %get3A_3 : vector<8x1152xf32>
      %max3A_785 = vector.broadcast %get3A_774 : f32 to vector<8x1152xf32>
      %max3A_786 = arith.maximumf %max3A_785, %get3A_8 : vector<8x1152xf32>
      %min3A_787 = vector.broadcast %get3A_778 : f32 to vector<8x1152xf32>
      %min3A_788 = arith.minimumf %min3A_787, %get3A_13 : vector<8x1152xf32>
      %min3A_789 = vector.broadcast %get3A_782 : f32 to vector<8x1152xf32>
      %min3A_790 = arith.minimumf %min3A_789, %get3A_18 : vector<8x1152xf32>
      %sub3A_791 = arith.subf %min3A_788, %max3A_784 : vector<8x1152xf32>
      %max3A_792 = arith.constant 0.000000e+00 : f32
      %max3A_793 = vector.broadcast %max3A_792 : f32 to vector<8x1152xf32>
      %max3A_794 = arith.maximumf %sub3A_791, %max3A_793 : vector<8x1152xf32>
      %sub3A_795 = arith.subf %min3A_790, %max3A_786 : vector<8x1152xf32>
      %max3A_796 = arith.constant 0.000000e+00 : f32
      %max3A_797 = vector.broadcast %max3A_796 : f32 to vector<8x1152xf32>
      %max3A_798 = arith.maximumf %sub3A_795, %max3A_797 : vector<8x1152xf32>
      %mul3A_799 = arith.mulf %max3A_794, %max3A_798 : vector<8x1152xf32>
      %sub3A_800 = arith.subf %get3A_778, %get3A_770 : f32
      %max3A_801 = arith.constant 0.000000e+00 : f32
      %max3A_802 = arith.maximumf %sub3A_800, %max3A_801 : f32
      %sub3A_803 = arith.subf %get3A_782, %get3A_774 : f32
      %max3A_804 = arith.constant 0.000000e+00 : f32
      %max3A_805 = arith.maximumf %sub3A_803, %max3A_804 : f32
      %mul3A_806 = arith.mulf %max3A_802, %max3A_805 : f32
      %add3A_807 = vector.broadcast %mul3A_806 : f32 to vector<8x1152xf32>
      %add3A_808 = arith.addf %add3A_807, %get3A_43 : vector<8x1152xf32>
      %sub3A_809 = arith.subf %add3A_808, %mul3A_799 : vector<8x1152xf32>
      %max3A_810 = arith.constant 9.99999993E-9 : f32
      %max3A_811 = vector.broadcast %max3A_810 : f32 to vector<8x1152xf32>
      %max3A_812 = arith.maximumf %sub3A_809, %max3A_811 : vector<8x1152xf32>
      %div3A_813 = arith.divf %mul3A_799, %max3A_812 : vector<8x1152xf32>
      %reduce_max3A_814 = vector.shape_cast %div3A_813 : vector<8x1152xf32> to vector<1x8x1152xf32>
      %reduce_max3A_815 = arith.constant dense<0xFF800000> : vector<1xf32>
      %reduce_max3A_816 = vector.multi_reduction <maximumf>, %reduce_max3A_814, %reduce_max3A_815 [1, 2] : vector<1x8x1152xf32> to vector<1xf32>
      %reduce_max3A_817 = vector.shape_cast %reduce_max3A_816 : vector<1xf32> to vector<1x1x1xf32>
      %reduce_max3A_818 = vector.extract %reduce_max3A_817[0, 0, 0] : f32 from vector<1x1x1xf32>
      %broadcast_in_dim3A_819 = vector.broadcast %reduce_max3A_818 : f32 to vector<1x1xf32>
      %eq3A_820 = vector.broadcast %broadcast_in_dim3A_819 : vector<1x1xf32> to vector<8x1152xf32>
      %eq3A_821 = arith.cmpf oeq, %div3A_813, %eq3A_820 : vector<8x1152xf32>
      %jit3A_822 = arith.constant 1073741824 : i32
      %broadcast_in_dim3A_823 = vector.broadcast %jit3A_822 : i32 to vector<8x1152xi32>
      %select_n3A_824 = arith.select %eq3A_821, %add3A, %broadcast_in_dim3A_823 : vector<8x1152xi1>, vector<8x1152xi32>
      %reduce_min3A_825 = vector.shape_cast %select_n3A_824 : vector<8x1152xi32> to vector<1x8x1152xi32>
      %reduce_min3A_826 = arith.constant dense<2147483647> : vector<1xi32>
      %reduce_min3A_827 = vector.multi_reduction <minsi>, %reduce_min3A_825, %reduce_min3A_826 [1, 2] : vector<1x8x1152xi32> to vector<1xi32>
      %reduce_min3A_828 = vector.shape_cast %reduce_min3A_827 : vector<1xi32> to vector<1x1x1xi32>
      %reduce_min3A_829 = vector.extract %reduce_min3A_828[0, 0, 0] : i32 from vector<1x1x1xi32>
      %broadcast_in_dim3A_830 = vector.broadcast %reduce_min3A_829 : i32 to vector<1x1xi32>
      %add3A_831 = arith.constant 2 : i32
      %add3A_832 = arith.addi %mul3A_695, %add3A_831 : i32
      %sub3A_833 = arith.constant 1 : i32
      %sub3A_834 = arith.subi %get3A_52, %sub3A_833 : i32
      %min3A_835 = arith.minsi %add3A_832, %sub3A_834 : i32
      %get3A_836 = arith.constant 0 : index
      %get3A_837 = arith.index_cast %min3A_835 : i32 to index
      %get3A_838 = arith.constant 0 : index
      %get3A_839 = memref.load %arg3[%get3A_836, %get3A_837, %get3A_838] : memref<1x50x5xf32, #tpu.memory_space<smem>>
      %get3A_840 = arith.constant 0 : index
      %get3A_841 = arith.index_cast %min3A_835 : i32 to index
      %get3A_842 = arith.constant 1 : index
      %get3A_843 = memref.load %arg3[%get3A_840, %get3A_841, %get3A_842] : memref<1x50x5xf32, #tpu.memory_space<smem>>
      %get3A_844 = arith.constant 0 : index
      %get3A_845 = arith.index_cast %min3A_835 : i32 to index
      %get3A_846 = arith.constant 2 : index
      %get3A_847 = memref.load %arg3[%get3A_844, %get3A_845, %get3A_846] : memref<1x50x5xf32, #tpu.memory_space<smem>>
      %get3A_848 = arith.constant 0 : index
      %get3A_849 = arith.index_cast %min3A_835 : i32 to index
      %get3A_850 = arith.constant 3 : index
      %get3A_851 = memref.load %arg3[%get3A_848, %get3A_849, %get3A_850] : memref<1x50x5xf32, #tpu.memory_space<smem>>
      %max3A_852 = vector.broadcast %get3A_839 : f32 to vector<8x1152xf32>
      %max3A_853 = arith.maximumf %max3A_852, %get3A_3 : vector<8x1152xf32>
      %max3A_854 = vector.broadcast %get3A_843 : f32 to vector<8x1152xf32>
      %max3A_855 = arith.maximumf %max3A_854, %get3A_8 : vector<8x1152xf32>
      %min3A_856 = vector.broadcast %get3A_847 : f32 to vector<8x1152xf32>
      %min3A_857 = arith.minimumf %min3A_856, %get3A_13 : vector<8x1152xf32>
      %min3A_858 = vector.broadcast %get3A_851 : f32 to vector<8x1152xf32>
      %min3A_859 = arith.minimumf %min3A_858, %get3A_18 : vector<8x1152xf32>
      %sub3A_860 = arith.subf %min3A_857, %max3A_853 : vector<8x1152xf32>
      %max3A_861 = arith.constant 0.000000e+00 : f32
      %max3A_862 = vector.broadcast %max3A_861 : f32 to vector<8x1152xf32>
      %max3A_863 = arith.maximumf %sub3A_860, %max3A_862 : vector<8x1152xf32>
      %sub3A_864 = arith.subf %min3A_859, %max3A_855 : vector<8x1152xf32>
      %max3A_865 = arith.constant 0.000000e+00 : f32
      %max3A_866 = vector.broadcast %max3A_865 : f32 to vector<8x1152xf32>
      %max3A_867 = arith.maximumf %sub3A_864, %max3A_866 : vector<8x1152xf32>
      %mul3A_868 = arith.mulf %max3A_863, %max3A_867 : vector<8x1152xf32>
      %sub3A_869 = arith.subf %get3A_847, %get3A_839 : f32
      %max3A_870 = arith.constant 0.000000e+00 : f32
      %max3A_871 = arith.maximumf %sub3A_869, %max3A_870 : f32
      %sub3A_872 = arith.subf %get3A_851, %get3A_843 : f32
      %max3A_873 = arith.constant 0.000000e+00 : f32
      %max3A_874 = arith.maximumf %sub3A_872, %max3A_873 : f32
      %mul3A_875 = arith.mulf %max3A_871, %max3A_874 : f32
      %add3A_876 = vector.broadcast %mul3A_875 : f32 to vector<8x1152xf32>
      %add3A_877 = arith.addf %add3A_876, %get3A_43 : vector<8x1152xf32>
      %sub3A_878 = arith.subf %add3A_877, %mul3A_868 : vector<8x1152xf32>
      %max3A_879 = arith.constant 9.99999993E-9 : f32
      %max3A_880 = vector.broadcast %max3A_879 : f32 to vector<8x1152xf32>
      %max3A_881 = arith.maximumf %sub3A_878, %max3A_880 : vector<8x1152xf32>
      %div3A_882 = arith.divf %mul3A_868, %max3A_881 : vector<8x1152xf32>
      %reduce_max3A_883 = vector.shape_cast %div3A_882 : vector<8x1152xf32> to vector<1x8x1152xf32>
      %reduce_max3A_884 = arith.constant dense<0xFF800000> : vector<1xf32>
      %reduce_max3A_885 = vector.multi_reduction <maximumf>, %reduce_max3A_883, %reduce_max3A_884 [1, 2] : vector<1x8x1152xf32> to vector<1xf32>
      %reduce_max3A_886 = vector.shape_cast %reduce_max3A_885 : vector<1xf32> to vector<1x1x1xf32>
      %reduce_max3A_887 = vector.extract %reduce_max3A_886[0, 0, 0] : f32 from vector<1x1x1xf32>
      %broadcast_in_dim3A_888 = vector.broadcast %reduce_max3A_887 : f32 to vector<1x1xf32>
      %eq3A_889 = vector.broadcast %broadcast_in_dim3A_888 : vector<1x1xf32> to vector<8x1152xf32>
      %eq3A_890 = arith.cmpf oeq, %div3A_882, %eq3A_889 : vector<8x1152xf32>
      %jit3A_891 = arith.constant 1073741824 : i32
      %broadcast_in_dim3A_892 = vector.broadcast %jit3A_891 : i32 to vector<8x1152xi32>
      %select_n3A_893 = arith.select %eq3A_890, %add3A, %broadcast_in_dim3A_892 : vector<8x1152xi1>, vector<8x1152xi32>
      %reduce_min3A_894 = vector.shape_cast %select_n3A_893 : vector<8x1152xi32> to vector<1x8x1152xi32>
      %reduce_min3A_895 = arith.constant dense<2147483647> : vector<1xi32>
      %reduce_min3A_896 = vector.multi_reduction <minsi>, %reduce_min3A_894, %reduce_min3A_895 [1, 2] : vector<1x8x1152xi32> to vector<1xi32>
      %reduce_min3A_897 = vector.shape_cast %reduce_min3A_896 : vector<1xi32> to vector<1x1x1xi32>
      %reduce_min3A_898 = vector.extract %reduce_min3A_897[0, 0, 0] : i32 from vector<1x1x1xi32>
      %broadcast_in_dim3A_899 = vector.broadcast %reduce_min3A_898 : i32 to vector<1x1xi32>
      %add3A_900 = arith.constant 3 : i32
      %add3A_901 = arith.addi %mul3A_695, %add3A_900 : i32
      %sub3A_902 = arith.constant 1 : i32
      %sub3A_903 = arith.subi %get3A_52, %sub3A_902 : i32
      %min3A_904 = arith.minsi %add3A_901, %sub3A_903 : i32
      %get3A_905 = arith.constant 0 : index
      %get3A_906 = arith.index_cast %min3A_904 : i32 to index
      %get3A_907 = arith.constant 0 : index
      %get3A_908 = memref.load %arg3[%get3A_905, %get3A_906, %get3A_907] : memref<1x50x5xf32, #tpu.memory_space<smem>>
      %get3A_909 = arith.constant 0 : index
      %get3A_910 = arith.index_cast %min3A_904 : i32 to index
      %get3A_911 = arith.constant 1 : index
      %get3A_912 = memref.load %arg3[%get3A_909, %get3A_910, %get3A_911] : memref<1x50x5xf32, #tpu.memory_space<smem>>
      %get3A_913 = arith.constant 0 : index
      %get3A_914 = arith.index_cast %min3A_904 : i32 to index
      %get3A_915 = arith.constant 2 : index
      %get3A_916 = memref.load %arg3[%get3A_913, %get3A_914, %get3A_915] : memref<1x50x5xf32, #tpu.memory_space<smem>>
      %get3A_917 = arith.constant 0 : index
      %get3A_918 = arith.index_cast %min3A_904 : i32 to index
      %get3A_919 = arith.constant 3 : index
      %get3A_920 = memref.load %arg3[%get3A_917, %get3A_918, %get3A_919] : memref<1x50x5xf32, #tpu.memory_space<smem>>
      %max3A_921 = vector.broadcast %get3A_908 : f32 to vector<8x1152xf32>
      %max3A_922 = arith.maximumf %max3A_921, %get3A_3 : vector<8x1152xf32>
      %max3A_923 = vector.broadcast %get3A_912 : f32 to vector<8x1152xf32>
      %max3A_924 = arith.maximumf %max3A_923, %get3A_8 : vector<8x1152xf32>
      %min3A_925 = vector.broadcast %get3A_916 : f32 to vector<8x1152xf32>
      %min3A_926 = arith.minimumf %min3A_925, %get3A_13 : vector<8x1152xf32>
      %min3A_927 = vector.broadcast %get3A_920 : f32 to vector<8x1152xf32>
      %min3A_928 = arith.minimumf %min3A_927, %get3A_18 : vector<8x1152xf32>
      %sub3A_929 = arith.subf %min3A_926, %max3A_922 : vector<8x1152xf32>
      %max3A_930 = arith.constant 0.000000e+00 : f32
      %max3A_931 = vector.broadcast %max3A_930 : f32 to vector<8x1152xf32>
      %max3A_932 = arith.maximumf %sub3A_929, %max3A_931 : vector<8x1152xf32>
      %sub3A_933 = arith.subf %min3A_928, %max3A_924 : vector<8x1152xf32>
      %max3A_934 = arith.constant 0.000000e+00 : f32
      %max3A_935 = vector.broadcast %max3A_934 : f32 to vector<8x1152xf32>
      %max3A_936 = arith.maximumf %sub3A_933, %max3A_935 : vector<8x1152xf32>
      %mul3A_937 = arith.mulf %max3A_932, %max3A_936 : vector<8x1152xf32>
      %sub3A_938 = arith.subf %get3A_916, %get3A_908 : f32
      %max3A_939 = arith.constant 0.000000e+00 : f32
      %max3A_940 = arith.maximumf %sub3A_938, %max3A_939 : f32
      %sub3A_941 = arith.subf %get3A_920, %get3A_912 : f32
      %max3A_942 = arith.constant 0.000000e+00 : f32
      %max3A_943 = arith.maximumf %sub3A_941, %max3A_942 : f32
      %mul3A_944 = arith.mulf %max3A_940, %max3A_943 : f32
      %add3A_945 = vector.broadcast %mul3A_944 : f32 to vector<8x1152xf32>
      %add3A_946 = arith.addf %add3A_945, %get3A_43 : vector<8x1152xf32>
      %sub3A_947 = arith.subf %add3A_946, %mul3A_937 : vector<8x1152xf32>
      %max3A_948 = arith.constant 9.99999993E-9 : f32
      %max3A_949 = vector.broadcast %max3A_948 : f32 to vector<8x1152xf32>
      %max3A_950 = arith.maximumf %sub3A_947, %max3A_949 : vector<8x1152xf32>
      %div3A_951 = arith.divf %mul3A_937, %max3A_950 : vector<8x1152xf32>
      %reduce_max3A_952 = vector.shape_cast %div3A_951 : vector<8x1152xf32> to vector<1x8x1152xf32>
      %reduce_max3A_953 = arith.constant dense<0xFF800000> : vector<1xf32>
      %reduce_max3A_954 = vector.multi_reduction <maximumf>, %reduce_max3A_952, %reduce_max3A_953 [1, 2] : vector<1x8x1152xf32> to vector<1xf32>
      %reduce_max3A_955 = vector.shape_cast %reduce_max3A_954 : vector<1xf32> to vector<1x1x1xf32>
      %reduce_max3A_956 = vector.extract %reduce_max3A_955[0, 0, 0] : f32 from vector<1x1x1xf32>
      %broadcast_in_dim3A_957 = vector.broadcast %reduce_max3A_956 : f32 to vector<1x1xf32>
      %eq3A_958 = vector.broadcast %broadcast_in_dim3A_957 : vector<1x1xf32> to vector<8x1152xf32>
      %eq3A_959 = arith.cmpf oeq, %div3A_951, %eq3A_958 : vector<8x1152xf32>
      %jit3A_960 = arith.constant 1073741824 : i32
      %broadcast_in_dim3A_961 = vector.broadcast %jit3A_960 : i32 to vector<8x1152xi32>
      %select_n3A_962 = arith.select %eq3A_959, %add3A, %broadcast_in_dim3A_961 : vector<8x1152xi1>, vector<8x1152xi32>
      %reduce_min3A_963 = vector.shape_cast %select_n3A_962 : vector<8x1152xi32> to vector<1x8x1152xi32>
      %reduce_min3A_964 = arith.constant dense<2147483647> : vector<1xi32>
      %reduce_min3A_965 = vector.multi_reduction <minsi>, %reduce_min3A_963, %reduce_min3A_964 [1, 2] : vector<1x8x1152xi32> to vector<1xi32>
      %reduce_min3A_966 = vector.shape_cast %reduce_min3A_965 : vector<1xi32> to vector<1x1x1xi32>
      %reduce_min3A_967 = vector.extract %reduce_min3A_966[0, 0, 0] : i32 from vector<1x1x1xi32>
      %broadcast_in_dim3A_968 = vector.broadcast %reduce_min3A_967 : i32 to vector<1x1xi32>
      %add3A_969 = arith.constant 0 : i32
      %add3A_970 = arith.addi %mul3A_695, %add3A_969 : i32
      %sub3A_971 = arith.constant 1 : i32
      %sub3A_972 = arith.subi %get3A_52, %sub3A_971 : i32
      %min3A_973 = arith.minsi %add3A_970, %sub3A_972 : i32
      %add3A_974 = arith.constant 0 : i32
      %add3A_975 = arith.addi %mul3A_695, %add3A_974 : i32
      %lt3A_976 = arith.cmpi slt, %add3A_975, %get3A_52 : i32
      %gt3A_977 = arith.cmpf ogt, %div3A_746, %while3A_688 : vector<8x1152xf32>
      %and3A_978 = vector.broadcast %lt3A_976 : i1 to vector<8x1152xi1>
      %and3A_979 = arith.andi %and3A_978, %gt3A_977 : vector<8x1152xi1>
      %eq3A_980 = vector.broadcast %broadcast_in_dim3A_761 : vector<1x1xi32> to vector<8x1152xi32>
      %eq3A_981 = arith.cmpi eq, %add3A, %eq3A_980 : vector<8x1152xi32>
      %and3A_982 = vector.broadcast %lt3A_976 : i1 to vector<8x1152xi1>
      %and3A_983 = arith.andi %and3A_982, %eq3A_981 : vector<8x1152xi1>
      %or3A = arith.ori %and3A_979, %and3A_983 : vector<8x1152xi1>
      %get3A_984 = arith.constant 0 : index
      %get3A_985 = arith.index_cast %min3A_973 : i32 to index
      %get3A_986 = arith.constant 4 : index
      %get3A_987 = memref.load %arg3[%get3A_984, %get3A_985, %get3A_986] : memref<1x50x5xf32, #tpu.memory_space<smem>>
      %broadcast_in_dim3A_988 = vector.broadcast %get3A_987 : f32 to vector<8x1152xf32>
      %select_n3A_989 = arith.select %or3A, %broadcast_in_dim3A_988, %while3A_689 : vector<8x1152xi1>, vector<8x1152xf32>
      %get3A_990 = arith.constant 0 : index
      %get3A_991 = arith.index_cast %min3A_973 : i32 to index
      %get3A_992 = arith.constant 0 : index
      %get3A_993 = memref.load %arg3[%get3A_990, %get3A_991, %get3A_992] : memref<1x50x5xf32, #tpu.memory_space<smem>>
      %broadcast_in_dim3A_994 = vector.broadcast %get3A_993 : f32 to vector<8x1152xf32>
      %select_n3A_995 = arith.select %or3A, %broadcast_in_dim3A_994, %while3A_690 : vector<8x1152xi1>, vector<8x1152xf32>
      %get3A_996 = arith.constant 0 : index
      %get3A_997 = arith.index_cast %min3A_973 : i32 to index
      %get3A_998 = arith.constant 1 : index
      %get3A_999 = memref.load %arg3[%get3A_996, %get3A_997, %get3A_998] : memref<1x50x5xf32, #tpu.memory_space<smem>>
      %broadcast_in_dim3A_1000 = vector.broadcast %get3A_999 : f32 to vector<8x1152xf32>
      %select_n3A_1001 = arith.select %or3A, %broadcast_in_dim3A_1000, %while3A_691 : vector<8x1152xi1>, vector<8x1152xf32>
      %get3A_1002 = arith.constant 0 : index
      %get3A_1003 = arith.index_cast %min3A_973 : i32 to index
      %get3A_1004 = arith.constant 2 : index
      %get3A_1005 = memref.load %arg3[%get3A_1002, %get3A_1003, %get3A_1004] : memref<1x50x5xf32, #tpu.memory_space<smem>>
      %broadcast_in_dim3A_1006 = vector.broadcast %get3A_1005 : f32 to vector<8x1152xf32>
      %select_n3A_1007 = arith.select %or3A, %broadcast_in_dim3A_1006, %while3A_692 : vector<8x1152xi1>, vector<8x1152xf32>
      %get3A_1008 = arith.constant 0 : index
      %get3A_1009 = arith.index_cast %min3A_973 : i32 to index
      %get3A_1010 = arith.constant 3 : index
      %get3A_1011 = memref.load %arg3[%get3A_1008, %get3A_1009, %get3A_1010] : memref<1x50x5xf32, #tpu.memory_space<smem>>
      %broadcast_in_dim3A_1012 = vector.broadcast %get3A_1011 : f32 to vector<8x1152xf32>
      %select_n3A_1013 = arith.select %or3A, %broadcast_in_dim3A_1012, %while3A_693 : vector<8x1152xi1>, vector<8x1152xf32>
      %select_n3A_1014 = arith.select %and3A_979, %div3A_746, %while3A_688 : vector<8x1152xi1>, vector<8x1152xf32>
      %jit3A_1015 = arith.constant 2.000000e+00 : f32
      %broadcast_in_dim3A_1016 = vector.broadcast %jit3A_1015 : f32 to vector<8x1152xf32>
      %select_n3A_1017 = arith.select %and3A_983, %broadcast_in_dim3A_1016, %select_n3A_1014 : vector<8x1152xi1>, vector<8x1152xf32>
      %add3A_1018 = arith.constant 1 : i32
      %add3A_1019 = arith.addi %mul3A_695, %add3A_1018 : i32
      %sub3A_1020 = arith.constant 1 : i32
      %sub3A_1021 = arith.subi %get3A_52, %sub3A_1020 : i32
      %min3A_1022 = arith.minsi %add3A_1019, %sub3A_1021 : i32
      %add3A_1023 = arith.constant 1 : i32
      %add3A_1024 = arith.addi %mul3A_695, %add3A_1023 : i32
      %lt3A_1025 = arith.cmpi slt, %add3A_1024, %get3A_52 : i32
      %gt3A_1026 = arith.cmpf ogt, %div3A_813, %select_n3A_1017 : vector<8x1152xf32>
      %and3A_1027 = vector.broadcast %lt3A_1025 : i1 to vector<8x1152xi1>
      %and3A_1028 = arith.andi %and3A_1027, %gt3A_1026 : vector<8x1152xi1>
      %eq3A_1029 = vector.broadcast %broadcast_in_dim3A_830 : vector<1x1xi32> to vector<8x1152xi32>
      %eq3A_1030 = arith.cmpi eq, %add3A, %eq3A_1029 : vector<8x1152xi32>
      %and3A_1031 = vector.broadcast %lt3A_1025 : i1 to vector<8x1152xi1>
      %and3A_1032 = arith.andi %and3A_1031, %eq3A_1030 : vector<8x1152xi1>
      %or3A_1033 = arith.ori %and3A_1028, %and3A_1032 : vector<8x1152xi1>
      %get3A_1034 = arith.constant 0 : index
      %get3A_1035 = arith.index_cast %min3A_1022 : i32 to index
      %get3A_1036 = arith.constant 4 : index
      %get3A_1037 = memref.load %arg3[%get3A_1034, %get3A_1035, %get3A_1036] : memref<1x50x5xf32, #tpu.memory_space<smem>>
      %broadcast_in_dim3A_1038 = vector.broadcast %get3A_1037 : f32 to vector<8x1152xf32>
      %select_n3A_1039 = arith.select %or3A_1033, %broadcast_in_dim3A_1038, %select_n3A_989 : vector<8x1152xi1>, vector<8x1152xf32>
      %get3A_1040 = arith.constant 0 : index
      %get3A_1041 = arith.index_cast %min3A_1022 : i32 to index
      %get3A_1042 = arith.constant 0 : index
      %get3A_1043 = memref.load %arg3[%get3A_1040, %get3A_1041, %get3A_1042] : memref<1x50x5xf32, #tpu.memory_space<smem>>
      %broadcast_in_dim3A_1044 = vector.broadcast %get3A_1043 : f32 to vector<8x1152xf32>
      %select_n3A_1045 = arith.select %or3A_1033, %broadcast_in_dim3A_1044, %select_n3A_995 : vector<8x1152xi1>, vector<8x1152xf32>
      %get3A_1046 = arith.constant 0 : index
      %get3A_1047 = arith.index_cast %min3A_1022 : i32 to index
      %get3A_1048 = arith.constant 1 : index
      %get3A_1049 = memref.load %arg3[%get3A_1046, %get3A_1047, %get3A_1048] : memref<1x50x5xf32, #tpu.memory_space<smem>>
      %broadcast_in_dim3A_1050 = vector.broadcast %get3A_1049 : f32 to vector<8x1152xf32>
      %select_n3A_1051 = arith.select %or3A_1033, %broadcast_in_dim3A_1050, %select_n3A_1001 : vector<8x1152xi1>, vector<8x1152xf32>
      %get3A_1052 = arith.constant 0 : index
      %get3A_1053 = arith.index_cast %min3A_1022 : i32 to index
      %get3A_1054 = arith.constant 2 : index
      %get3A_1055 = memref.load %arg3[%get3A_1052, %get3A_1053, %get3A_1054] : memref<1x50x5xf32, #tpu.memory_space<smem>>
      %broadcast_in_dim3A_1056 = vector.broadcast %get3A_1055 : f32 to vector<8x1152xf32>
      %select_n3A_1057 = arith.select %or3A_1033, %broadcast_in_dim3A_1056, %select_n3A_1007 : vector<8x1152xi1>, vector<8x1152xf32>
      %get3A_1058 = arith.constant 0 : index
      %get3A_1059 = arith.index_cast %min3A_1022 : i32 to index
      %get3A_1060 = arith.constant 3 : index
      %get3A_1061 = memref.load %arg3[%get3A_1058, %get3A_1059, %get3A_1060] : memref<1x50x5xf32, #tpu.memory_space<smem>>
      %broadcast_in_dim3A_1062 = vector.broadcast %get3A_1061 : f32 to vector<8x1152xf32>
      %select_n3A_1063 = arith.select %or3A_1033, %broadcast_in_dim3A_1062, %select_n3A_1013 : vector<8x1152xi1>, vector<8x1152xf32>
      %select_n3A_1064 = arith.select %and3A_1028, %div3A_813, %select_n3A_1017 : vector<8x1152xi1>, vector<8x1152xf32>
      %jit3A_1065 = arith.constant 2.000000e+00 : f32
      %broadcast_in_dim3A_1066 = vector.broadcast %jit3A_1065 : f32 to vector<8x1152xf32>
      %select_n3A_1067 = arith.select %and3A_1032, %broadcast_in_dim3A_1066, %select_n3A_1064 : vector<8x1152xi1>, vector<8x1152xf32>
      %add3A_1068 = arith.constant 2 : i32
      %add3A_1069 = arith.addi %mul3A_695, %add3A_1068 : i32
      %sub3A_1070 = arith.constant 1 : i32
      %sub3A_1071 = arith.subi %get3A_52, %sub3A_1070 : i32
      %min3A_1072 = arith.minsi %add3A_1069, %sub3A_1071 : i32
      %add3A_1073 = arith.constant 2 : i32
      %add3A_1074 = arith.addi %mul3A_695, %add3A_1073 : i32
      %lt3A_1075 = arith.cmpi slt, %add3A_1074, %get3A_52 : i32
      %gt3A_1076 = arith.cmpf ogt, %div3A_882, %select_n3A_1067 : vector<8x1152xf32>
      %and3A_1077 = vector.broadcast %lt3A_1075 : i1 to vector<8x1152xi1>
      %and3A_1078 = arith.andi %and3A_1077, %gt3A_1076 : vector<8x1152xi1>
      %eq3A_1079 = vector.broadcast %broadcast_in_dim3A_899 : vector<1x1xi32> to vector<8x1152xi32>
      %eq3A_1080 = arith.cmpi eq, %add3A, %eq3A_1079 : vector<8x1152xi32>
      %and3A_1081 = vector.broadcast %lt3A_1075 : i1 to vector<8x1152xi1>
      %and3A_1082 = arith.andi %and3A_1081, %eq3A_1080 : vector<8x1152xi1>
      %or3A_1083 = arith.ori %and3A_1078, %and3A_1082 : vector<8x1152xi1>
      %get3A_1084 = arith.constant 0 : index
      %get3A_1085 = arith.index_cast %min3A_1072 : i32 to index
      %get3A_1086 = arith.constant 4 : index
      %get3A_1087 = memref.load %arg3[%get3A_1084, %get3A_1085, %get3A_1086] : memref<1x50x5xf32, #tpu.memory_space<smem>>
      %broadcast_in_dim3A_1088 = vector.broadcast %get3A_1087 : f32 to vector<8x1152xf32>
      %select_n3A_1089 = arith.select %or3A_1083, %broadcast_in_dim3A_1088, %select_n3A_1039 : vector<8x1152xi1>, vector<8x1152xf32>
      %get3A_1090 = arith.constant 0 : index
      %get3A_1091 = arith.index_cast %min3A_1072 : i32 to index
      %get3A_1092 = arith.constant 0 : index
      %get3A_1093 = memref.load %arg3[%get3A_1090, %get3A_1091, %get3A_1092] : memref<1x50x5xf32, #tpu.memory_space<smem>>
      %broadcast_in_dim3A_1094 = vector.broadcast %get3A_1093 : f32 to vector<8x1152xf32>
      %select_n3A_1095 = arith.select %or3A_1083, %broadcast_in_dim3A_1094, %select_n3A_1045 : vector<8x1152xi1>, vector<8x1152xf32>
      %get3A_1096 = arith.constant 0 : index
      %get3A_1097 = arith.index_cast %min3A_1072 : i32 to index
      %get3A_1098 = arith.constant 1 : index
      %get3A_1099 = memref.load %arg3[%get3A_1096, %get3A_1097, %get3A_1098] : memref<1x50x5xf32, #tpu.memory_space<smem>>
      %broadcast_in_dim3A_1100 = vector.broadcast %get3A_1099 : f32 to vector<8x1152xf32>
      %select_n3A_1101 = arith.select %or3A_1083, %broadcast_in_dim3A_1100, %select_n3A_1051 : vector<8x1152xi1>, vector<8x1152xf32>
      %get3A_1102 = arith.constant 0 : index
      %get3A_1103 = arith.index_cast %min3A_1072 : i32 to index
      %get3A_1104 = arith.constant 2 : index
      %get3A_1105 = memref.load %arg3[%get3A_1102, %get3A_1103, %get3A_1104] : memref<1x50x5xf32, #tpu.memory_space<smem>>
      %broadcast_in_dim3A_1106 = vector.broadcast %get3A_1105 : f32 to vector<8x1152xf32>
      %select_n3A_1107 = arith.select %or3A_1083, %broadcast_in_dim3A_1106, %select_n3A_1057 : vector<8x1152xi1>, vector<8x1152xf32>
      %get3A_1108 = arith.constant 0 : index
      %get3A_1109 = arith.index_cast %min3A_1072 : i32 to index
      %get3A_1110 = arith.constant 3 : index
      %get3A_1111 = memref.load %arg3[%get3A_1108, %get3A_1109, %get3A_1110] : memref<1x50x5xf32, #tpu.memory_space<smem>>
      %broadcast_in_dim3A_1112 = vector.broadcast %get3A_1111 : f32 to vector<8x1152xf32>
      %select_n3A_1113 = arith.select %or3A_1083, %broadcast_in_dim3A_1112, %select_n3A_1063 : vector<8x1152xi1>, vector<8x1152xf32>
      %select_n3A_1114 = arith.select %and3A_1078, %div3A_882, %select_n3A_1067 : vector<8x1152xi1>, vector<8x1152xf32>
      %jit3A_1115 = arith.constant 2.000000e+00 : f32
      %broadcast_in_dim3A_1116 = vector.broadcast %jit3A_1115 : f32 to vector<8x1152xf32>
      %select_n3A_1117 = arith.select %and3A_1082, %broadcast_in_dim3A_1116, %select_n3A_1114 : vector<8x1152xi1>, vector<8x1152xf32>
      %add3A_1118 = arith.constant 3 : i32
      %add3A_1119 = arith.addi %mul3A_695, %add3A_1118 : i32
      %sub3A_1120 = arith.constant 1 : i32
      %sub3A_1121 = arith.subi %get3A_52, %sub3A_1120 : i32
      %min3A_1122 = arith.minsi %add3A_1119, %sub3A_1121 : i32
      %add3A_1123 = arith.constant 3 : i32
      %add3A_1124 = arith.addi %mul3A_695, %add3A_1123 : i32
      %lt3A_1125 = arith.cmpi slt, %add3A_1124, %get3A_52 : i32
      %gt3A_1126 = arith.cmpf ogt, %div3A_951, %select_n3A_1117 : vector<8x1152xf32>
      %and3A_1127 = vector.broadcast %lt3A_1125 : i1 to vector<8x1152xi1>
      %and3A_1128 = arith.andi %and3A_1127, %gt3A_1126 : vector<8x1152xi1>
      %eq3A_1129 = vector.broadcast %broadcast_in_dim3A_968 : vector<1x1xi32> to vector<8x1152xi32>
      %eq3A_1130 = arith.cmpi eq, %add3A, %eq3A_1129 : vector<8x1152xi32>
      %and3A_1131 = vector.broadcast %lt3A_1125 : i1 to vector<8x1152xi1>
      %and3A_1132 = arith.andi %and3A_1131, %eq3A_1130 : vector<8x1152xi1>
      %or3A_1133 = arith.ori %and3A_1128, %and3A_1132 : vector<8x1152xi1>
      %get3A_1134 = arith.constant 0 : index
      %get3A_1135 = arith.index_cast %min3A_1122 : i32 to index
      %get3A_1136 = arith.constant 4 : index
      %get3A_1137 = memref.load %arg3[%get3A_1134, %get3A_1135, %get3A_1136] : memref<1x50x5xf32, #tpu.memory_space<smem>>
      %broadcast_in_dim3A_1138 = vector.broadcast %get3A_1137 : f32 to vector<8x1152xf32>
      %select_n3A_1139 = arith.select %or3A_1133, %broadcast_in_dim3A_1138, %select_n3A_1089 : vector<8x1152xi1>, vector<8x1152xf32>
      %get3A_1140 = arith.constant 0 : index
      %get3A_1141 = arith.index_cast %min3A_1122 : i32 to index
      %get3A_1142 = arith.constant 0 : index
      %get3A_1143 = memref.load %arg3[%get3A_1140, %get3A_1141, %get3A_1142] : memref<1x50x5xf32, #tpu.memory_space<smem>>
      %broadcast_in_dim3A_1144 = vector.broadcast %get3A_1143 : f32 to vector<8x1152xf32>
      %select_n3A_1145 = arith.select %or3A_1133, %broadcast_in_dim3A_1144, %select_n3A_1095 : vector<8x1152xi1>, vector<8x1152xf32>
      %get3A_1146 = arith.constant 0 : index
      %get3A_1147 = arith.index_cast %min3A_1122 : i32 to index
      %get3A_1148 = arith.constant 1 : index
      %get3A_1149 = memref.load %arg3[%get3A_1146, %get3A_1147, %get3A_1148] : memref<1x50x5xf32, #tpu.memory_space<smem>>
      %broadcast_in_dim3A_1150 = vector.broadcast %get3A_1149 : f32 to vector<8x1152xf32>
      %select_n3A_1151 = arith.select %or3A_1133, %broadcast_in_dim3A_1150, %select_n3A_1101 : vector<8x1152xi1>, vector<8x1152xf32>
      %get3A_1152 = arith.constant 0 : index
      %get3A_1153 = arith.index_cast %min3A_1122 : i32 to index
      %get3A_1154 = arith.constant 2 : index
      %get3A_1155 = memref.load %arg3[%get3A_1152, %get3A_1153, %get3A_1154] : memref<1x50x5xf32, #tpu.memory_space<smem>>
      %broadcast_in_dim3A_1156 = vector.broadcast %get3A_1155 : f32 to vector<8x1152xf32>
      %select_n3A_1157 = arith.select %or3A_1133, %broadcast_in_dim3A_1156, %select_n3A_1107 : vector<8x1152xi1>, vector<8x1152xf32>
      %get3A_1158 = arith.constant 0 : index
      %get3A_1159 = arith.index_cast %min3A_1122 : i32 to index
      %get3A_1160 = arith.constant 3 : index
      %get3A_1161 = memref.load %arg3[%get3A_1158, %get3A_1159, %get3A_1160] : memref<1x50x5xf32, #tpu.memory_space<smem>>
      %broadcast_in_dim3A_1162 = vector.broadcast %get3A_1161 : f32 to vector<8x1152xf32>
      %select_n3A_1163 = arith.select %or3A_1133, %broadcast_in_dim3A_1162, %select_n3A_1113 : vector<8x1152xi1>, vector<8x1152xf32>
      %select_n3A_1164 = arith.select %and3A_1128, %div3A_951, %select_n3A_1117 : vector<8x1152xi1>, vector<8x1152xf32>
      %jit3A_1165 = arith.constant 2.000000e+00 : f32
      %broadcast_in_dim3A_1166 = vector.broadcast %jit3A_1165 : f32 to vector<8x1152xf32>
      %select_n3A_1167 = arith.select %and3A_1132, %broadcast_in_dim3A_1166, %select_n3A_1164 : vector<8x1152xi1>, vector<8x1152xf32>
      scf.yield %select_n3A_1167, %select_n3A_1139, %select_n3A_1145, %select_n3A_1151, %select_n3A_1157, %select_n3A_1163 : vector<8x1152xf32>, vector<8x1152xf32>, vector<8x1152xf32>, vector<8x1152xf32>, vector<8x1152xf32>, vector<8x1152xf32>
    }
    %while3A_82 = arith.constant 1 : i32
    %while3A_83:6 = scf.for %while3A_687 = %while3A_79 to %while3A_75 step %while3A_82 iter_args(%while3A_688 = %while3A_81#0, %while3A_689 = %while3A_81#1, %while3A_690 = %while3A_81#2, %while3A_691 = %while3A_81#3, %while3A_692 = %while3A_81#4, %while3A_693 = %while3A_81#5) -> (vector<8x1152xf32>, vector<8x1152xf32>, vector<8x1152xf32>, vector<8x1152xf32>, vector<8x1152xf32>, vector<8x1152xf32>)  : i32 {
      %mul3A_694 = arith.constant 4 : i32
      %mul3A_695 = arith.muli %while3A_687, %mul3A_694 : i32
      %add3A_696 = arith.constant 0 : i32
      %add3A_697 = arith.addi %mul3A_695, %add3A_696 : i32
      %sub3A_698 = arith.constant 1 : i32
      %sub3A_699 = arith.subi %get3A_52, %sub3A_698 : i32
      %min3A = arith.minsi %add3A_697, %sub3A_699 : i32
      %get3A_700 = arith.constant 0 : index
      %get3A_701 = arith.index_cast %min3A : i32 to index
      %get3A_702 = arith.constant 0 : index
      %get3A_703 = memref.load %arg3[%get3A_700, %get3A_701, %get3A_702] : memref<1x50x5xf32, #tpu.memory_space<smem>>
      %get3A_704 = arith.constant 0 : index
      %get3A_705 = arith.index_cast %min3A : i32 to index
      %get3A_706 = arith.constant 1 : index
      %get3A_707 = memref.load %arg3[%get3A_704, %get3A_705, %get3A_706] : memref<1x50x5xf32, #tpu.memory_space<smem>>
      %get3A_708 = arith.constant 0 : index
      %get3A_709 = arith.index_cast %min3A : i32 to index
      %get3A_710 = arith.constant 2 : index
      %get3A_711 = memref.load %arg3[%get3A_708, %get3A_709, %get3A_710] : memref<1x50x5xf32, #tpu.memory_space<smem>>
      %get3A_712 = arith.constant 0 : index
      %get3A_713 = arith.index_cast %min3A : i32 to index
      %get3A_714 = arith.constant 3 : index
      %get3A_715 = memref.load %arg3[%get3A_712, %get3A_713, %get3A_714] : memref<1x50x5xf32, #tpu.memory_space<smem>>
      %max3A_716 = vector.broadcast %get3A_703 : f32 to vector<8x1152xf32>
      %max3A_717 = arith.maximumf %max3A_716, %get3A_3 : vector<8x1152xf32>
      %max3A_718 = vector.broadcast %get3A_707 : f32 to vector<8x1152xf32>
      %max3A_719 = arith.maximumf %max3A_718, %get3A_8 : vector<8x1152xf32>
      %min3A_720 = vector.broadcast %get3A_711 : f32 to vector<8x1152xf32>
      %min3A_721 = arith.minimumf %min3A_720, %get3A_13 : vector<8x1152xf32>
      %min3A_722 = vector.broadcast %get3A_715 : f32 to vector<8x1152xf32>
      %min3A_723 = arith.minimumf %min3A_722, %get3A_18 : vector<8x1152xf32>
      %sub3A_724 = arith.subf %min3A_721, %max3A_717 : vector<8x1152xf32>
      %max3A_725 = arith.constant 0.000000e+00 : f32
      %max3A_726 = vector.broadcast %max3A_725 : f32 to vector<8x1152xf32>
      %max3A_727 = arith.maximumf %sub3A_724, %max3A_726 : vector<8x1152xf32>
      %sub3A_728 = arith.subf %min3A_723, %max3A_719 : vector<8x1152xf32>
      %max3A_729 = arith.constant 0.000000e+00 : f32
      %max3A_730 = vector.broadcast %max3A_729 : f32 to vector<8x1152xf32>
      %max3A_731 = arith.maximumf %sub3A_728, %max3A_730 : vector<8x1152xf32>
      %mul3A_732 = arith.mulf %max3A_727, %max3A_731 : vector<8x1152xf32>
      %sub3A_733 = arith.subf %get3A_711, %get3A_703 : f32
      %max3A_734 = arith.constant 0.000000e+00 : f32
      %max3A_735 = arith.maximumf %sub3A_733, %max3A_734 : f32
      %sub3A_736 = arith.subf %get3A_715, %get3A_707 : f32
      %max3A_737 = arith.constant 0.000000e+00 : f32
      %max3A_738 = arith.maximumf %sub3A_736, %max3A_737 : f32
      %mul3A_739 = arith.mulf %max3A_735, %max3A_738 : f32
      %add3A_740 = vector.broadcast %mul3A_739 : f32 to vector<8x1152xf32>
      %add3A_741 = arith.addf %add3A_740, %get3A_43 : vector<8x1152xf32>
      %sub3A_742 = arith.subf %add3A_741, %mul3A_732 : vector<8x1152xf32>
      %max3A_743 = arith.constant 9.99999993E-9 : f32
      %max3A_744 = vector.broadcast %max3A_743 : f32 to vector<8x1152xf32>
      %max3A_745 = arith.maximumf %sub3A_742, %max3A_744 : vector<8x1152xf32>
      %div3A_746 = arith.divf %mul3A_732, %max3A_745 : vector<8x1152xf32>
      %reduce_max3A = vector.shape_cast %div3A_746 : vector<8x1152xf32> to vector<1x8x1152xf32>
      %reduce_max3A_747 = arith.constant dense<0xFF800000> : vector<1xf32>
      %reduce_max3A_748 = vector.multi_reduction <maximumf>, %reduce_max3A, %reduce_max3A_747 [1, 2] : vector<1x8x1152xf32> to vector<1xf32>
      %reduce_max3A_749 = vector.shape_cast %reduce_max3A_748 : vector<1xf32> to vector<1x1x1xf32>
      %reduce_max3A_750 = vector.extract %reduce_max3A_749[0, 0, 0] : f32 from vector<1x1x1xf32>
      %broadcast_in_dim3A_751 = vector.broadcast %reduce_max3A_750 : f32 to vector<1x1xf32>
      %eq3A_752 = vector.broadcast %broadcast_in_dim3A_751 : vector<1x1xf32> to vector<8x1152xf32>
      %eq3A_753 = arith.cmpf oeq, %div3A_746, %eq3A_752 : vector<8x1152xf32>
      %jit3A_754 = arith.constant 1073741824 : i32
      %broadcast_in_dim3A_755 = vector.broadcast %jit3A_754 : i32 to vector<8x1152xi32>
      %select_n3A_756 = arith.select %eq3A_753, %add3A, %broadcast_in_dim3A_755 : vector<8x1152xi1>, vector<8x1152xi32>
      %reduce_min3A = vector.shape_cast %select_n3A_756 : vector<8x1152xi32> to vector<1x8x1152xi32>
      %reduce_min3A_757 = arith.constant dense<2147483647> : vector<1xi32>
      %reduce_min3A_758 = vector.multi_reduction <minsi>, %reduce_min3A, %reduce_min3A_757 [1, 2] : vector<1x8x1152xi32> to vector<1xi32>
      %reduce_min3A_759 = vector.shape_cast %reduce_min3A_758 : vector<1xi32> to vector<1x1x1xi32>
      %reduce_min3A_760 = vector.extract %reduce_min3A_759[0, 0, 0] : i32 from vector<1x1x1xi32>
      %broadcast_in_dim3A_761 = vector.broadcast %reduce_min3A_760 : i32 to vector<1x1xi32>
      %add3A_762 = arith.constant 1 : i32
      %add3A_763 = arith.addi %mul3A_695, %add3A_762 : i32
      %sub3A_764 = arith.constant 1 : i32
      %sub3A_765 = arith.subi %get3A_52, %sub3A_764 : i32
      %min3A_766 = arith.minsi %add3A_763, %sub3A_765 : i32
      %get3A_767 = arith.constant 0 : index
      %get3A_768 = arith.index_cast %min3A_766 : i32 to index
      %get3A_769 = arith.constant 0 : index
      %get3A_770 = memref.load %arg3[%get3A_767, %get3A_768, %get3A_769] : memref<1x50x5xf32, #tpu.memory_space<smem>>
      %get3A_771 = arith.constant 0 : index
      %get3A_772 = arith.index_cast %min3A_766 : i32 to index
      %get3A_773 = arith.constant 1 : index
      %get3A_774 = memref.load %arg3[%get3A_771, %get3A_772, %get3A_773] : memref<1x50x5xf32, #tpu.memory_space<smem>>
      %get3A_775 = arith.constant 0 : index
      %get3A_776 = arith.index_cast %min3A_766 : i32 to index
      %get3A_777 = arith.constant 2 : index
      %get3A_778 = memref.load %arg3[%get3A_775, %get3A_776, %get3A_777] : memref<1x50x5xf32, #tpu.memory_space<smem>>
      %get3A_779 = arith.constant 0 : index
      %get3A_780 = arith.index_cast %min3A_766 : i32 to index
      %get3A_781 = arith.constant 3 : index
      %get3A_782 = memref.load %arg3[%get3A_779, %get3A_780, %get3A_781] : memref<1x50x5xf32, #tpu.memory_space<smem>>
      %max3A_783 = vector.broadcast %get3A_770 : f32 to vector<8x1152xf32>
      %max3A_784 = arith.maximumf %max3A_783, %get3A_3 : vector<8x1152xf32>
      %max3A_785 = vector.broadcast %get3A_774 : f32 to vector<8x1152xf32>
      %max3A_786 = arith.maximumf %max3A_785, %get3A_8 : vector<8x1152xf32>
      %min3A_787 = vector.broadcast %get3A_778 : f32 to vector<8x1152xf32>
      %min3A_788 = arith.minimumf %min3A_787, %get3A_13 : vector<8x1152xf32>
      %min3A_789 = vector.broadcast %get3A_782 : f32 to vector<8x1152xf32>
      %min3A_790 = arith.minimumf %min3A_789, %get3A_18 : vector<8x1152xf32>
      %sub3A_791 = arith.subf %min3A_788, %max3A_784 : vector<8x1152xf32>
      %max3A_792 = arith.constant 0.000000e+00 : f32
      %max3A_793 = vector.broadcast %max3A_792 : f32 to vector<8x1152xf32>
      %max3A_794 = arith.maximumf %sub3A_791, %max3A_793 : vector<8x1152xf32>
      %sub3A_795 = arith.subf %min3A_790, %max3A_786 : vector<8x1152xf32>
      %max3A_796 = arith.constant 0.000000e+00 : f32
      %max3A_797 = vector.broadcast %max3A_796 : f32 to vector<8x1152xf32>
      %max3A_798 = arith.maximumf %sub3A_795, %max3A_797 : vector<8x1152xf32>
      %mul3A_799 = arith.mulf %max3A_794, %max3A_798 : vector<8x1152xf32>
      %sub3A_800 = arith.subf %get3A_778, %get3A_770 : f32
      %max3A_801 = arith.constant 0.000000e+00 : f32
      %max3A_802 = arith.maximumf %sub3A_800, %max3A_801 : f32
      %sub3A_803 = arith.subf %get3A_782, %get3A_774 : f32
      %max3A_804 = arith.constant 0.000000e+00 : f32
      %max3A_805 = arith.maximumf %sub3A_803, %max3A_804 : f32
      %mul3A_806 = arith.mulf %max3A_802, %max3A_805 : f32
      %add3A_807 = vector.broadcast %mul3A_806 : f32 to vector<8x1152xf32>
      %add3A_808 = arith.addf %add3A_807, %get3A_43 : vector<8x1152xf32>
      %sub3A_809 = arith.subf %add3A_808, %mul3A_799 : vector<8x1152xf32>
      %max3A_810 = arith.constant 9.99999993E-9 : f32
      %max3A_811 = vector.broadcast %max3A_810 : f32 to vector<8x1152xf32>
      %max3A_812 = arith.maximumf %sub3A_809, %max3A_811 : vector<8x1152xf32>
      %div3A_813 = arith.divf %mul3A_799, %max3A_812 : vector<8x1152xf32>
      %reduce_max3A_814 = vector.shape_cast %div3A_813 : vector<8x1152xf32> to vector<1x8x1152xf32>
      %reduce_max3A_815 = arith.constant dense<0xFF800000> : vector<1xf32>
      %reduce_max3A_816 = vector.multi_reduction <maximumf>, %reduce_max3A_814, %reduce_max3A_815 [1, 2] : vector<1x8x1152xf32> to vector<1xf32>
      %reduce_max3A_817 = vector.shape_cast %reduce_max3A_816 : vector<1xf32> to vector<1x1x1xf32>
      %reduce_max3A_818 = vector.extract %reduce_max3A_817[0, 0, 0] : f32 from vector<1x1x1xf32>
      %broadcast_in_dim3A_819 = vector.broadcast %reduce_max3A_818 : f32 to vector<1x1xf32>
      %eq3A_820 = vector.broadcast %broadcast_in_dim3A_819 : vector<1x1xf32> to vector<8x1152xf32>
      %eq3A_821 = arith.cmpf oeq, %div3A_813, %eq3A_820 : vector<8x1152xf32>
      %jit3A_822 = arith.constant 1073741824 : i32
      %broadcast_in_dim3A_823 = vector.broadcast %jit3A_822 : i32 to vector<8x1152xi32>
      %select_n3A_824 = arith.select %eq3A_821, %add3A, %broadcast_in_dim3A_823 : vector<8x1152xi1>, vector<8x1152xi32>
      %reduce_min3A_825 = vector.shape_cast %select_n3A_824 : vector<8x1152xi32> to vector<1x8x1152xi32>
      %reduce_min3A_826 = arith.constant dense<2147483647> : vector<1xi32>
      %reduce_min3A_827 = vector.multi_reduction <minsi>, %reduce_min3A_825, %reduce_min3A_826 [1, 2] : vector<1x8x1152xi32> to vector<1xi32>
      %reduce_min3A_828 = vector.shape_cast %reduce_min3A_827 : vector<1xi32> to vector<1x1x1xi32>
      %reduce_min3A_829 = vector.extract %reduce_min3A_828[0, 0, 0] : i32 from vector<1x1x1xi32>
      %broadcast_in_dim3A_830 = vector.broadcast %reduce_min3A_829 : i32 to vector<1x1xi32>
      %add3A_831 = arith.constant 2 : i32
      %add3A_832 = arith.addi %mul3A_695, %add3A_831 : i32
      %sub3A_833 = arith.constant 1 : i32
      %sub3A_834 = arith.subi %get3A_52, %sub3A_833 : i32
      %min3A_835 = arith.minsi %add3A_832, %sub3A_834 : i32
      %get3A_836 = arith.constant 0 : index
      %get3A_837 = arith.index_cast %min3A_835 : i32 to index
      %get3A_838 = arith.constant 0 : index
      %get3A_839 = memref.load %arg3[%get3A_836, %get3A_837, %get3A_838] : memref<1x50x5xf32, #tpu.memory_space<smem>>
      %get3A_840 = arith.constant 0 : index
      %get3A_841 = arith.index_cast %min3A_835 : i32 to index
      %get3A_842 = arith.constant 1 : index
      %get3A_843 = memref.load %arg3[%get3A_840, %get3A_841, %get3A_842] : memref<1x50x5xf32, #tpu.memory_space<smem>>
      %get3A_844 = arith.constant 0 : index
      %get3A_845 = arith.index_cast %min3A_835 : i32 to index
      %get3A_846 = arith.constant 2 : index
      %get3A_847 = memref.load %arg3[%get3A_844, %get3A_845, %get3A_846] : memref<1x50x5xf32, #tpu.memory_space<smem>>
      %get3A_848 = arith.constant 0 : index
      %get3A_849 = arith.index_cast %min3A_835 : i32 to index
      %get3A_850 = arith.constant 3 : index
      %get3A_851 = memref.load %arg3[%get3A_848, %get3A_849, %get3A_850] : memref<1x50x5xf32, #tpu.memory_space<smem>>
      %max3A_852 = vector.broadcast %get3A_839 : f32 to vector<8x1152xf32>
      %max3A_853 = arith.maximumf %max3A_852, %get3A_3 : vector<8x1152xf32>
      %max3A_854 = vector.broadcast %get3A_843 : f32 to vector<8x1152xf32>
      %max3A_855 = arith.maximumf %max3A_854, %get3A_8 : vector<8x1152xf32>
      %min3A_856 = vector.broadcast %get3A_847 : f32 to vector<8x1152xf32>
      %min3A_857 = arith.minimumf %min3A_856, %get3A_13 : vector<8x1152xf32>
      %min3A_858 = vector.broadcast %get3A_851 : f32 to vector<8x1152xf32>
      %min3A_859 = arith.minimumf %min3A_858, %get3A_18 : vector<8x1152xf32>
      %sub3A_860 = arith.subf %min3A_857, %max3A_853 : vector<8x1152xf32>
      %max3A_861 = arith.constant 0.000000e+00 : f32
      %max3A_862 = vector.broadcast %max3A_861 : f32 to vector<8x1152xf32>
      %max3A_863 = arith.maximumf %sub3A_860, %max3A_862 : vector<8x1152xf32>
      %sub3A_864 = arith.subf %min3A_859, %max3A_855 : vector<8x1152xf32>
      %max3A_865 = arith.constant 0.000000e+00 : f32
      %max3A_866 = vector.broadcast %max3A_865 : f32 to vector<8x1152xf32>
      %max3A_867 = arith.maximumf %sub3A_864, %max3A_866 : vector<8x1152xf32>
      %mul3A_868 = arith.mulf %max3A_863, %max3A_867 : vector<8x1152xf32>
      %sub3A_869 = arith.subf %get3A_847, %get3A_839 : f32
      %max3A_870 = arith.constant 0.000000e+00 : f32
      %max3A_871 = arith.maximumf %sub3A_869, %max3A_870 : f32
      %sub3A_872 = arith.subf %get3A_851, %get3A_843 : f32
      %max3A_873 = arith.constant 0.000000e+00 : f32
      %max3A_874 = arith.maximumf %sub3A_872, %max3A_873 : f32
      %mul3A_875 = arith.mulf %max3A_871, %max3A_874 : f32
      %add3A_876 = vector.broadcast %mul3A_875 : f32 to vector<8x1152xf32>
      %add3A_877 = arith.addf %add3A_876, %get3A_43 : vector<8x1152xf32>
      %sub3A_878 = arith.subf %add3A_877, %mul3A_868 : vector<8x1152xf32>
      %max3A_879 = arith.constant 9.99999993E-9 : f32
      %max3A_880 = vector.broadcast %max3A_879 : f32 to vector<8x1152xf32>
      %max3A_881 = arith.maximumf %sub3A_878, %max3A_880 : vector<8x1152xf32>
      %div3A_882 = arith.divf %mul3A_868, %max3A_881 : vector<8x1152xf32>
      %reduce_max3A_883 = vector.shape_cast %div3A_882 : vector<8x1152xf32> to vector<1x8x1152xf32>
      %reduce_max3A_884 = arith.constant dense<0xFF800000> : vector<1xf32>
      %reduce_max3A_885 = vector.multi_reduction <maximumf>, %reduce_max3A_883, %reduce_max3A_884 [1, 2] : vector<1x8x1152xf32> to vector<1xf32>
      %reduce_max3A_886 = vector.shape_cast %reduce_max3A_885 : vector<1xf32> to vector<1x1x1xf32>
      %reduce_max3A_887 = vector.extract %reduce_max3A_886[0, 0, 0] : f32 from vector<1x1x1xf32>
      %broadcast_in_dim3A_888 = vector.broadcast %reduce_max3A_887 : f32 to vector<1x1xf32>
      %eq3A_889 = vector.broadcast %broadcast_in_dim3A_888 : vector<1x1xf32> to vector<8x1152xf32>
      %eq3A_890 = arith.cmpf oeq, %div3A_882, %eq3A_889 : vector<8x1152xf32>
      %jit3A_891 = arith.constant 1073741824 : i32
      %broadcast_in_dim3A_892 = vector.broadcast %jit3A_891 : i32 to vector<8x1152xi32>
      %select_n3A_893 = arith.select %eq3A_890, %add3A, %broadcast_in_dim3A_892 : vector<8x1152xi1>, vector<8x1152xi32>
      %reduce_min3A_894 = vector.shape_cast %select_n3A_893 : vector<8x1152xi32> to vector<1x8x1152xi32>
      %reduce_min3A_895 = arith.constant dense<2147483647> : vector<1xi32>
      %reduce_min3A_896 = vector.multi_reduction <minsi>, %reduce_min3A_894, %reduce_min3A_895 [1, 2] : vector<1x8x1152xi32> to vector<1xi32>
      %reduce_min3A_897 = vector.shape_cast %reduce_min3A_896 : vector<1xi32> to vector<1x1x1xi32>
      %reduce_min3A_898 = vector.extract %reduce_min3A_897[0, 0, 0] : i32 from vector<1x1x1xi32>
      %broadcast_in_dim3A_899 = vector.broadcast %reduce_min3A_898 : i32 to vector<1x1xi32>
      %add3A_900 = arith.constant 3 : i32
      %add3A_901 = arith.addi %mul3A_695, %add3A_900 : i32
      %sub3A_902 = arith.constant 1 : i32
      %sub3A_903 = arith.subi %get3A_52, %sub3A_902 : i32
      %min3A_904 = arith.minsi %add3A_901, %sub3A_903 : i32
      %get3A_905 = arith.constant 0 : index
      %get3A_906 = arith.index_cast %min3A_904 : i32 to index
      %get3A_907 = arith.constant 0 : index
      %get3A_908 = memref.load %arg3[%get3A_905, %get3A_906, %get3A_907] : memref<1x50x5xf32, #tpu.memory_space<smem>>
      %get3A_909 = arith.constant 0 : index
      %get3A_910 = arith.index_cast %min3A_904 : i32 to index
      %get3A_911 = arith.constant 1 : index
      %get3A_912 = memref.load %arg3[%get3A_909, %get3A_910, %get3A_911] : memref<1x50x5xf32, #tpu.memory_space<smem>>
      %get3A_913 = arith.constant 0 : index
      %get3A_914 = arith.index_cast %min3A_904 : i32 to index
      %get3A_915 = arith.constant 2 : index
      %get3A_916 = memref.load %arg3[%get3A_913, %get3A_914, %get3A_915] : memref<1x50x5xf32, #tpu.memory_space<smem>>
      %get3A_917 = arith.constant 0 : index
      %get3A_918 = arith.index_cast %min3A_904 : i32 to index
      %get3A_919 = arith.constant 3 : index
      %get3A_920 = memref.load %arg3[%get3A_917, %get3A_918, %get3A_919] : memref<1x50x5xf32, #tpu.memory_space<smem>>
      %max3A_921 = vector.broadcast %get3A_908 : f32 to vector<8x1152xf32>
      %max3A_922 = arith.maximumf %max3A_921, %get3A_3 : vector<8x1152xf32>
      %max3A_923 = vector.broadcast %get3A_912 : f32 to vector<8x1152xf32>
      %max3A_924 = arith.maximumf %max3A_923, %get3A_8 : vector<8x1152xf32>
      %min3A_925 = vector.broadcast %get3A_916 : f32 to vector<8x1152xf32>
      %min3A_926 = arith.minimumf %min3A_925, %get3A_13 : vector<8x1152xf32>
      %min3A_927 = vector.broadcast %get3A_920 : f32 to vector<8x1152xf32>
      %min3A_928 = arith.minimumf %min3A_927, %get3A_18 : vector<8x1152xf32>
      %sub3A_929 = arith.subf %min3A_926, %max3A_922 : vector<8x1152xf32>
      %max3A_930 = arith.constant 0.000000e+00 : f32
      %max3A_931 = vector.broadcast %max3A_930 : f32 to vector<8x1152xf32>
      %max3A_932 = arith.maximumf %sub3A_929, %max3A_931 : vector<8x1152xf32>
      %sub3A_933 = arith.subf %min3A_928, %max3A_924 : vector<8x1152xf32>
      %max3A_934 = arith.constant 0.000000e+00 : f32
      %max3A_935 = vector.broadcast %max3A_934 : f32 to vector<8x1152xf32>
      %max3A_936 = arith.maximumf %sub3A_933, %max3A_935 : vector<8x1152xf32>
      %mul3A_937 = arith.mulf %max3A_932, %max3A_936 : vector<8x1152xf32>
      %sub3A_938 = arith.subf %get3A_916, %get3A_908 : f32
      %max3A_939 = arith.constant 0.000000e+00 : f32
      %max3A_940 = arith.maximumf %sub3A_938, %max3A_939 : f32
      %sub3A_941 = arith.subf %get3A_920, %get3A_912 : f32
      %max3A_942 = arith.constant 0.000000e+00 : f32
      %max3A_943 = arith.maximumf %sub3A_941, %max3A_942 : f32
      %mul3A_944 = arith.mulf %max3A_940, %max3A_943 : f32
      %add3A_945 = vector.broadcast %mul3A_944 : f32 to vector<8x1152xf32>
      %add3A_946 = arith.addf %add3A_945, %get3A_43 : vector<8x1152xf32>
      %sub3A_947 = arith.subf %add3A_946, %mul3A_937 : vector<8x1152xf32>
      %max3A_948 = arith.constant 9.99999993E-9 : f32
      %max3A_949 = vector.broadcast %max3A_948 : f32 to vector<8x1152xf32>
      %max3A_950 = arith.maximumf %sub3A_947, %max3A_949 : vector<8x1152xf32>
      %div3A_951 = arith.divf %mul3A_937, %max3A_950 : vector<8x1152xf32>
      %reduce_max3A_952 = vector.shape_cast %div3A_951 : vector<8x1152xf32> to vector<1x8x1152xf32>
      %reduce_max3A_953 = arith.constant dense<0xFF800000> : vector<1xf32>
      %reduce_max3A_954 = vector.multi_reduction <maximumf>, %reduce_max3A_952, %reduce_max3A_953 [1, 2] : vector<1x8x1152xf32> to vector<1xf32>
      %reduce_max3A_955 = vector.shape_cast %reduce_max3A_954 : vector<1xf32> to vector<1x1x1xf32>
      %reduce_max3A_956 = vector.extract %reduce_max3A_955[0, 0, 0] : f32 from vector<1x1x1xf32>
      %broadcast_in_dim3A_957 = vector.broadcast %reduce_max3A_956 : f32 to vector<1x1xf32>
      %eq3A_958 = vector.broadcast %broadcast_in_dim3A_957 : vector<1x1xf32> to vector<8x1152xf32>
      %eq3A_959 = arith.cmpf oeq, %div3A_951, %eq3A_958 : vector<8x1152xf32>
      %jit3A_960 = arith.constant 1073741824 : i32
      %broadcast_in_dim3A_961 = vector.broadcast %jit3A_960 : i32 to vector<8x1152xi32>
      %select_n3A_962 = arith.select %eq3A_959, %add3A, %broadcast_in_dim3A_961 : vector<8x1152xi1>, vector<8x1152xi32>
      %reduce_min3A_963 = vector.shape_cast %select_n3A_962 : vector<8x1152xi32> to vector<1x8x1152xi32>
      %reduce_min3A_964 = arith.constant dense<2147483647> : vector<1xi32>
      %reduce_min3A_965 = vector.multi_reduction <minsi>, %reduce_min3A_963, %reduce_min3A_964 [1, 2] : vector<1x8x1152xi32> to vector<1xi32>
      %reduce_min3A_966 = vector.shape_cast %reduce_min3A_965 : vector<1xi32> to vector<1x1x1xi32>
      %reduce_min3A_967 = vector.extract %reduce_min3A_966[0, 0, 0] : i32 from vector<1x1x1xi32>
      %broadcast_in_dim3A_968 = vector.broadcast %reduce_min3A_967 : i32 to vector<1x1xi32>
      %add3A_969 = arith.constant 0 : i32
      %add3A_970 = arith.addi %mul3A_695, %add3A_969 : i32
      %sub3A_971 = arith.constant 1 : i32
      %sub3A_972 = arith.subi %get3A_52, %sub3A_971 : i32
      %min3A_973 = arith.minsi %add3A_970, %sub3A_972 : i32
      %add3A_974 = arith.constant 0 : i32
      %add3A_975 = arith.addi %mul3A_695, %add3A_974 : i32
      %lt3A_976 = arith.cmpi slt, %add3A_975, %get3A_52 : i32
      %gt3A_977 = arith.cmpf ogt, %div3A_746, %while3A_688 : vector<8x1152xf32>
      %and3A_978 = vector.broadcast %lt3A_976 : i1 to vector<8x1152xi1>
      %and3A_979 = arith.andi %and3A_978, %gt3A_977 : vector<8x1152xi1>
      %eq3A_980 = vector.broadcast %broadcast_in_dim3A_761 : vector<1x1xi32> to vector<8x1152xi32>
      %eq3A_981 = arith.cmpi eq, %add3A, %eq3A_980 : vector<8x1152xi32>
      %and3A_982 = vector.broadcast %lt3A_976 : i1 to vector<8x1152xi1>
      %and3A_983 = arith.andi %and3A_982, %eq3A_981 : vector<8x1152xi1>
      %or3A = arith.ori %and3A_979, %and3A_983 : vector<8x1152xi1>
      %get3A_984 = arith.constant 0 : index
      %get3A_985 = arith.index_cast %min3A_973 : i32 to index
      %get3A_986 = arith.constant 4 : index
      %get3A_987 = memref.load %arg3[%get3A_984, %get3A_985, %get3A_986] : memref<1x50x5xf32, #tpu.memory_space<smem>>
      %broadcast_in_dim3A_988 = vector.broadcast %get3A_987 : f32 to vector<8x1152xf32>
      %select_n3A_989 = arith.select %or3A, %broadcast_in_dim3A_988, %while3A_689 : vector<8x1152xi1>, vector<8x1152xf32>
      %get3A_990 = arith.constant 0 : index
      %get3A_991 = arith.index_cast %min3A_973 : i32 to index
      %get3A_992 = arith.constant 0 : index
      %get3A_993 = memref.load %arg3[%get3A_990, %get3A_991, %get3A_992] : memref<1x50x5xf32, #tpu.memory_space<smem>>
      %broadcast_in_dim3A_994 = vector.broadcast %get3A_993 : f32 to vector<8x1152xf32>
      %select_n3A_995 = arith.select %or3A, %broadcast_in_dim3A_994, %while3A_690 : vector<8x1152xi1>, vector<8x1152xf32>
      %get3A_996 = arith.constant 0 : index
      %get3A_997 = arith.index_cast %min3A_973 : i32 to index
      %get3A_998 = arith.constant 1 : index
      %get3A_999 = memref.load %arg3[%get3A_996, %get3A_997, %get3A_998] : memref<1x50x5xf32, #tpu.memory_space<smem>>
      %broadcast_in_dim3A_1000 = vector.broadcast %get3A_999 : f32 to vector<8x1152xf32>
      %select_n3A_1001 = arith.select %or3A, %broadcast_in_dim3A_1000, %while3A_691 : vector<8x1152xi1>, vector<8x1152xf32>
      %get3A_1002 = arith.constant 0 : index
      %get3A_1003 = arith.index_cast %min3A_973 : i32 to index
      %get3A_1004 = arith.constant 2 : index
      %get3A_1005 = memref.load %arg3[%get3A_1002, %get3A_1003, %get3A_1004] : memref<1x50x5xf32, #tpu.memory_space<smem>>
      %broadcast_in_dim3A_1006 = vector.broadcast %get3A_1005 : f32 to vector<8x1152xf32>
      %select_n3A_1007 = arith.select %or3A, %broadcast_in_dim3A_1006, %while3A_692 : vector<8x1152xi1>, vector<8x1152xf32>
      %get3A_1008 = arith.constant 0 : index
      %get3A_1009 = arith.index_cast %min3A_973 : i32 to index
      %get3A_1010 = arith.constant 3 : index
      %get3A_1011 = memref.load %arg3[%get3A_1008, %get3A_1009, %get3A_1010] : memref<1x50x5xf32, #tpu.memory_space<smem>>
      %broadcast_in_dim3A_1012 = vector.broadcast %get3A_1011 : f32 to vector<8x1152xf32>
      %select_n3A_1013 = arith.select %or3A, %broadcast_in_dim3A_1012, %while3A_693 : vector<8x1152xi1>, vector<8x1152xf32>
      %select_n3A_1014 = arith.select %and3A_979, %div3A_746, %while3A_688 : vector<8x1152xi1>, vector<8x1152xf32>
      %jit3A_1015 = arith.constant 2.000000e+00 : f32
      %broadcast_in_dim3A_1016 = vector.broadcast %jit3A_1015 : f32 to vector<8x1152xf32>
      %select_n3A_1017 = arith.select %and3A_983, %broadcast_in_dim3A_1016, %select_n3A_1014 : vector<8x1152xi1>, vector<8x1152xf32>
      %add3A_1018 = arith.constant 1 : i32
      %add3A_1019 = arith.addi %mul3A_695, %add3A_1018 : i32
      %sub3A_1020 = arith.constant 1 : i32
      %sub3A_1021 = arith.subi %get3A_52, %sub3A_1020 : i32
      %min3A_1022 = arith.minsi %add3A_1019, %sub3A_1021 : i32
      %add3A_1023 = arith.constant 1 : i32
      %add3A_1024 = arith.addi %mul3A_695, %add3A_1023 : i32
      %lt3A_1025 = arith.cmpi slt, %add3A_1024, %get3A_52 : i32
      %gt3A_1026 = arith.cmpf ogt, %div3A_813, %select_n3A_1017 : vector<8x1152xf32>
      %and3A_1027 = vector.broadcast %lt3A_1025 : i1 to vector<8x1152xi1>
      %and3A_1028 = arith.andi %and3A_1027, %gt3A_1026 : vector<8x1152xi1>
      %eq3A_1029 = vector.broadcast %broadcast_in_dim3A_830 : vector<1x1xi32> to vector<8x1152xi32>
      %eq3A_1030 = arith.cmpi eq, %add3A, %eq3A_1029 : vector<8x1152xi32>
      %and3A_1031 = vector.broadcast %lt3A_1025 : i1 to vector<8x1152xi1>
      %and3A_1032 = arith.andi %and3A_1031, %eq3A_1030 : vector<8x1152xi1>
      %or3A_1033 = arith.ori %and3A_1028, %and3A_1032 : vector<8x1152xi1>
      %get3A_1034 = arith.constant 0 : index
      %get3A_1035 = arith.index_cast %min3A_1022 : i32 to index
      %get3A_1036 = arith.constant 4 : index
      %get3A_1037 = memref.load %arg3[%get3A_1034, %get3A_1035, %get3A_1036] : memref<1x50x5xf32, #tpu.memory_space<smem>>
      %broadcast_in_dim3A_1038 = vector.broadcast %get3A_1037 : f32 to vector<8x1152xf32>
      %select_n3A_1039 = arith.select %or3A_1033, %broadcast_in_dim3A_1038, %select_n3A_989 : vector<8x1152xi1>, vector<8x1152xf32>
      %get3A_1040 = arith.constant 0 : index
      %get3A_1041 = arith.index_cast %min3A_1022 : i32 to index
      %get3A_1042 = arith.constant 0 : index
      %get3A_1043 = memref.load %arg3[%get3A_1040, %get3A_1041, %get3A_1042] : memref<1x50x5xf32, #tpu.memory_space<smem>>
      %broadcast_in_dim3A_1044 = vector.broadcast %get3A_1043 : f32 to vector<8x1152xf32>
      %select_n3A_1045 = arith.select %or3A_1033, %broadcast_in_dim3A_1044, %select_n3A_995 : vector<8x1152xi1>, vector<8x1152xf32>
      %get3A_1046 = arith.constant 0 : index
      %get3A_1047 = arith.index_cast %min3A_1022 : i32 to index
      %get3A_1048 = arith.constant 1 : index
      %get3A_1049 = memref.load %arg3[%get3A_1046, %get3A_1047, %get3A_1048] : memref<1x50x5xf32, #tpu.memory_space<smem>>
      %broadcast_in_dim3A_1050 = vector.broadcast %get3A_1049 : f32 to vector<8x1152xf32>
      %select_n3A_1051 = arith.select %or3A_1033, %broadcast_in_dim3A_1050, %select_n3A_1001 : vector<8x1152xi1>, vector<8x1152xf32>
      %get3A_1052 = arith.constant 0 : index
      %get3A_1053 = arith.index_cast %min3A_1022 : i32 to index
      %get3A_1054 = arith.constant 2 : index
      %get3A_1055 = memref.load %arg3[%get3A_1052, %get3A_1053, %get3A_1054] : memref<1x50x5xf32, #tpu.memory_space<smem>>
      %broadcast_in_dim3A_1056 = vector.broadcast %get3A_1055 : f32 to vector<8x1152xf32>
      %select_n3A_1057 = arith.select %or3A_1033, %broadcast_in_dim3A_1056, %select_n3A_1007 : vector<8x1152xi1>, vector<8x1152xf32>
      %get3A_1058 = arith.constant 0 : index
      %get3A_1059 = arith.index_cast %min3A_1022 : i32 to index
      %get3A_1060 = arith.constant 3 : index
      %get3A_1061 = memref.load %arg3[%get3A_1058, %get3A_1059, %get3A_1060] : memref<1x50x5xf32, #tpu.memory_space<smem>>
      %broadcast_in_dim3A_1062 = vector.broadcast %get3A_1061 : f32 to vector<8x1152xf32>
      %select_n3A_1063 = arith.select %or3A_1033, %broadcast_in_dim3A_1062, %select_n3A_1013 : vector<8x1152xi1>, vector<8x1152xf32>
      %select_n3A_1064 = arith.select %and3A_1028, %div3A_813, %select_n3A_1017 : vector<8x1152xi1>, vector<8x1152xf32>
      %jit3A_1065 = arith.constant 2.000000e+00 : f32
      %broadcast_in_dim3A_1066 = vector.broadcast %jit3A_1065 : f32 to vector<8x1152xf32>
      %select_n3A_1067 = arith.select %and3A_1032, %broadcast_in_dim3A_1066, %select_n3A_1064 : vector<8x1152xi1>, vector<8x1152xf32>
      %add3A_1068 = arith.constant 2 : i32
      %add3A_1069 = arith.addi %mul3A_695, %add3A_1068 : i32
      %sub3A_1070 = arith.constant 1 : i32
      %sub3A_1071 = arith.subi %get3A_52, %sub3A_1070 : i32
      %min3A_1072 = arith.minsi %add3A_1069, %sub3A_1071 : i32
      %add3A_1073 = arith.constant 2 : i32
      %add3A_1074 = arith.addi %mul3A_695, %add3A_1073 : i32
      %lt3A_1075 = arith.cmpi slt, %add3A_1074, %get3A_52 : i32
      %gt3A_1076 = arith.cmpf ogt, %div3A_882, %select_n3A_1067 : vector<8x1152xf32>
      %and3A_1077 = vector.broadcast %lt3A_1075 : i1 to vector<8x1152xi1>
      %and3A_1078 = arith.andi %and3A_1077, %gt3A_1076 : vector<8x1152xi1>
      %eq3A_1079 = vector.broadcast %broadcast_in_dim3A_899 : vector<1x1xi32> to vector<8x1152xi32>
      %eq3A_1080 = arith.cmpi eq, %add3A, %eq3A_1079 : vector<8x1152xi32>
      %and3A_1081 = vector.broadcast %lt3A_1075 : i1 to vector<8x1152xi1>
      %and3A_1082 = arith.andi %and3A_1081, %eq3A_1080 : vector<8x1152xi1>
      %or3A_1083 = arith.ori %and3A_1078, %and3A_1082 : vector<8x1152xi1>
      %get3A_1084 = arith.constant 0 : index
      %get3A_1085 = arith.index_cast %min3A_1072 : i32 to index
      %get3A_1086 = arith.constant 4 : index
      %get3A_1087 = memref.load %arg3[%get3A_1084, %get3A_1085, %get3A_1086] : memref<1x50x5xf32, #tpu.memory_space<smem>>
      %broadcast_in_dim3A_1088 = vector.broadcast %get3A_1087 : f32 to vector<8x1152xf32>
      %select_n3A_1089 = arith.select %or3A_1083, %broadcast_in_dim3A_1088, %select_n3A_1039 : vector<8x1152xi1>, vector<8x1152xf32>
      %get3A_1090 = arith.constant 0 : index
      %get3A_1091 = arith.index_cast %min3A_1072 : i32 to index
      %get3A_1092 = arith.constant 0 : index
      %get3A_1093 = memref.load %arg3[%get3A_1090, %get3A_1091, %get3A_1092] : memref<1x50x5xf32, #tpu.memory_space<smem>>
      %broadcast_in_dim3A_1094 = vector.broadcast %get3A_1093 : f32 to vector<8x1152xf32>
      %select_n3A_1095 = arith.select %or3A_1083, %broadcast_in_dim3A_1094, %select_n3A_1045 : vector<8x1152xi1>, vector<8x1152xf32>
      %get3A_1096 = arith.constant 0 : index
      %get3A_1097 = arith.index_cast %min3A_1072 : i32 to index
      %get3A_1098 = arith.constant 1 : index
      %get3A_1099 = memref.load %arg3[%get3A_1096, %get3A_1097, %get3A_1098] : memref<1x50x5xf32, #tpu.memory_space<smem>>
      %broadcast_in_dim3A_1100 = vector.broadcast %get3A_1099 : f32 to vector<8x1152xf32>
      %select_n3A_1101 = arith.select %or3A_1083, %broadcast_in_dim3A_1100, %select_n3A_1051 : vector<8x1152xi1>, vector<8x1152xf32>
      %get3A_1102 = arith.constant 0 : index
      %get3A_1103 = arith.index_cast %min3A_1072 : i32 to index
      %get3A_1104 = arith.constant 2 : index
      %get3A_1105 = memref.load %arg3[%get3A_1102, %get3A_1103, %get3A_1104] : memref<1x50x5xf32, #tpu.memory_space<smem>>
      %broadcast_in_dim3A_1106 = vector.broadcast %get3A_1105 : f32 to vector<8x1152xf32>
      %select_n3A_1107 = arith.select %or3A_1083, %broadcast_in_dim3A_1106, %select_n3A_1057 : vector<8x1152xi1>, vector<8x1152xf32>
      %get3A_1108 = arith.constant 0 : index
      %get3A_1109 = arith.index_cast %min3A_1072 : i32 to index
      %get3A_1110 = arith.constant 3 : index
      %get3A_1111 = memref.load %arg3[%get3A_1108, %get3A_1109, %get3A_1110] : memref<1x50x5xf32, #tpu.memory_space<smem>>
      %broadcast_in_dim3A_1112 = vector.broadcast %get3A_1111 : f32 to vector<8x1152xf32>
      %select_n3A_1113 = arith.select %or3A_1083, %broadcast_in_dim3A_1112, %select_n3A_1063 : vector<8x1152xi1>, vector<8x1152xf32>
      %select_n3A_1114 = arith.select %and3A_1078, %div3A_882, %select_n3A_1067 : vector<8x1152xi1>, vector<8x1152xf32>
      %jit3A_1115 = arith.constant 2.000000e+00 : f32
      %broadcast_in_dim3A_1116 = vector.broadcast %jit3A_1115 : f32 to vector<8x1152xf32>
      %select_n3A_1117 = arith.select %and3A_1082, %broadcast_in_dim3A_1116, %select_n3A_1114 : vector<8x1152xi1>, vector<8x1152xf32>
      %add3A_1118 = arith.constant 3 : i32
      %add3A_1119 = arith.addi %mul3A_695, %add3A_1118 : i32
      %sub3A_1120 = arith.constant 1 : i32
      %sub3A_1121 = arith.subi %get3A_52, %sub3A_1120 : i32
      %min3A_1122 = arith.minsi %add3A_1119, %sub3A_1121 : i32
      %add3A_1123 = arith.constant 3 : i32
      %add3A_1124 = arith.addi %mul3A_695, %add3A_1123 : i32
      %lt3A_1125 = arith.cmpi slt, %add3A_1124, %get3A_52 : i32
      %gt3A_1126 = arith.cmpf ogt, %div3A_951, %select_n3A_1117 : vector<8x1152xf32>
      %and3A_1127 = vector.broadcast %lt3A_1125 : i1 to vector<8x1152xi1>
      %and3A_1128 = arith.andi %and3A_1127, %gt3A_1126 : vector<8x1152xi1>
      %eq3A_1129 = vector.broadcast %broadcast_in_dim3A_968 : vector<1x1xi32> to vector<8x1152xi32>
      %eq3A_1130 = arith.cmpi eq, %add3A, %eq3A_1129 : vector<8x1152xi32>
      %and3A_1131 = vector.broadcast %lt3A_1125 : i1 to vector<8x1152xi1>
      %and3A_1132 = arith.andi %and3A_1131, %eq3A_1130 : vector<8x1152xi1>
      %or3A_1133 = arith.ori %and3A_1128, %and3A_1132 : vector<8x1152xi1>
      %get3A_1134 = arith.constant 0 : index
      %get3A_1135 = arith.index_cast %min3A_1122 : i32 to index
      %get3A_1136 = arith.constant 4 : index
      %get3A_1137 = memref.load %arg3[%get3A_1134, %get3A_1135, %get3A_1136] : memref<1x50x5xf32, #tpu.memory_space<smem>>
      %broadcast_in_dim3A_1138 = vector.broadcast %get3A_1137 : f32 to vector<8x1152xf32>
      %select_n3A_1139 = arith.select %or3A_1133, %broadcast_in_dim3A_1138, %select_n3A_1089 : vector<8x1152xi1>, vector<8x1152xf32>
      %get3A_1140 = arith.constant 0 : index
      %get3A_1141 = arith.index_cast %min3A_1122 : i32 to index
      %get3A_1142 = arith.constant 0 : index
      %get3A_1143 = memref.load %arg3[%get3A_1140, %get3A_1141, %get3A_1142] : memref<1x50x5xf32, #tpu.memory_space<smem>>
      %broadcast_in_dim3A_1144 = vector.broadcast %get3A_1143 : f32 to vector<8x1152xf32>
      %select_n3A_1145 = arith.select %or3A_1133, %broadcast_in_dim3A_1144, %select_n3A_1095 : vector<8x1152xi1>, vector<8x1152xf32>
      %get3A_1146 = arith.constant 0 : index
      %get3A_1147 = arith.index_cast %min3A_1122 : i32 to index
      %get3A_1148 = arith.constant 1 : index
      %get3A_1149 = memref.load %arg3[%get3A_1146, %get3A_1147, %get3A_1148] : memref<1x50x5xf32, #tpu.memory_space<smem>>
      %broadcast_in_dim3A_1150 = vector.broadcast %get3A_1149 : f32 to vector<8x1152xf32>
      %select_n3A_1151 = arith.select %or3A_1133, %broadcast_in_dim3A_1150, %select_n3A_1101 : vector<8x1152xi1>, vector<8x1152xf32>
      %get3A_1152 = arith.constant 0 : index
      %get3A_1153 = arith.index_cast %min3A_1122 : i32 to index
      %get3A_1154 = arith.constant 2 : index
      %get3A_1155 = memref.load %arg3[%get3A_1152, %get3A_1153, %get3A_1154] : memref<1x50x5xf32, #tpu.memory_space<smem>>
      %broadcast_in_dim3A_1156 = vector.broadcast %get3A_1155 : f32 to vector<8x1152xf32>
      %select_n3A_1157 = arith.select %or3A_1133, %broadcast_in_dim3A_1156, %select_n3A_1107 : vector<8x1152xi1>, vector<8x1152xf32>
      %get3A_1158 = arith.constant 0 : index
      %get3A_1159 = arith.index_cast %min3A_1122 : i32 to index
      %get3A_1160 = arith.constant 3 : index
      %get3A_1161 = memref.load %arg3[%get3A_1158, %get3A_1159, %get3A_1160] : memref<1x50x5xf32, #tpu.memory_space<smem>>
      %broadcast_in_dim3A_1162 = vector.broadcast %get3A_1161 : f32 to vector<8x1152xf32>
      %select_n3A_1163 = arith.select %or3A_1133, %broadcast_in_dim3A_1162, %select_n3A_1113 : vector<8x1152xi1>, vector<8x1152xf32>
      %select_n3A_1164 = arith.select %and3A_1128, %div3A_951, %select_n3A_1117 : vector<8x1152xi1>, vector<8x1152xf32>
      %jit3A_1165 = arith.constant 2.000000e+00 : f32
      %broadcast_in_dim3A_1166 = vector.broadcast %jit3A_1165 : f32 to vector<8x1152xf32>
      %select_n3A_1167 = arith.select %and3A_1132, %broadcast_in_dim3A_1166, %select_n3A_1164 : vector<8x1152xi1>, vector<8x1152xf32>
      scf.yield %select_n3A_1167, %select_n3A_1139, %select_n3A_1145, %select_n3A_1151, %select_n3A_1157, %select_n3A_1163 : vector<8x1152xf32>, vector<8x1152xf32>, vector<8x1152xf32>, vector<8x1152xf32>, vector<8x1152xf32>, vector<8x1152xf32>
    }
    %lt3A_84 = arith.constant 5.000000e-01 : f32
    %lt3A_85 = vector.broadcast %lt3A_84 : f32 to vector<8x1152xf32>
    %lt3A_86 = arith.cmpf olt, %while3A_83#0, %lt3A_85 : vector<8x1152xf32>
    %jit3A_87 = arith.constant 0.000000e+00 : f32
    %broadcast_in_dim3A_88 = vector.broadcast %jit3A_87 : f32 to vector<8x1152xf32>
    %select_n3A_89 = arith.select %lt3A_86, %broadcast_in_dim3A_88, %while3A_83#1 : vector<8x1152xi1>, vector<8x1152xf32>
    %gt3A = arith.constant 0.000000e+00 : f32
    %gt3A_90 = vector.broadcast %gt3A : f32 to vector<8x1152xf32>
    %gt3A_91 = arith.cmpf ogt, %select_n3A_89, %gt3A_90 : vector<8x1152xf32>
    %jit3A_92 = arith.constant 1.000000e+00 : f32
    %jit3A_93 = arith.constant 0.000000e+00 : f32
    %broadcast_in_dim3A_94 = vector.broadcast %jit3A_92 : f32 to vector<8x1152xf32>
    %broadcast_in_dim3A_95 = vector.broadcast %jit3A_93 : f32 to vector<8x1152xf32>
    %select_n3A_96 = arith.select %gt3A_91, %broadcast_in_dim3A_94, %broadcast_in_dim3A_95 : vector<8x1152xi1>, vector<8x1152xf32>
    %reduce_sum3A = vector.shape_cast %select_n3A_96 : vector<8x1152xf32> to vector<1x8x1152xf32>
    %reduce_sum3A_97 = arith.constant dense<0.000000e+00> : vector<1xf32>
    %reduce_sum3A_98 = vector.multi_reduction <add>, %reduce_sum3A, %reduce_sum3A_97 [1, 2] : vector<1x8x1152xf32> to vector<1xf32>
    %reduce_sum3A_99 = vector.shape_cast %reduce_sum3A_98 : vector<1xf32> to vector<1x1x1xf32>
    %reduce_sum3A_100 = vector.extract %reduce_sum3A_99[0, 0, 0] : f32 from vector<1x1x1xf32>
    %add3A_101 = arith.addf %while3A_83#2, %while3A_83#4 : vector<8x1152xf32>
    %mul3A_102 = arith.constant 5.000000e-01 : f32
    %mul3A_103 = vector.broadcast %mul3A_102 : f32 to vector<8x1152xf32>
    %mul3A_104 = arith.mulf %add3A_101, %mul3A_103 : vector<8x1152xf32>
    %add3A_105 = arith.addf %while3A_83#3, %while3A_83#5 : vector<8x1152xf32>
    %mul3A_106 = arith.constant 5.000000e-01 : f32
    %mul3A_107 = vector.broadcast %mul3A_106 : f32 to vector<8x1152xf32>
    %mul3A_108 = arith.mulf %add3A_105, %mul3A_107 : vector<8x1152xf32>
    %sub3A_109 = arith.subf %while3A_83#4, %while3A_83#2 : vector<8x1152xf32>
    %sub3A_110 = arith.subf %while3A_83#5, %while3A_83#3 : vector<8x1152xf32>
    %sub3A_111 = arith.subf %mul3A_104, %get3A_23 : vector<8x1152xf32>
    %mul3A_112 = arith.constant 1.000000e-01 : f32
    %mul3A_113 = vector.broadcast %mul3A_112 : f32 to vector<8x1152xf32>
    %mul3A_114 = arith.mulf %get3A_33, %mul3A_113 : vector<8x1152xf32>
    %div3A_115 = arith.divf %sub3A_111, %mul3A_114 : vector<8x1152xf32>
    %sub3A_116 = arith.subf %mul3A_108, %get3A_28 : vector<8x1152xf32>
    %mul3A_117 = arith.constant 1.000000e-01 : f32
    %mul3A_118 = vector.broadcast %mul3A_117 : f32 to vector<8x1152xf32>
    %mul3A_119 = arith.mulf %get3A_38, %mul3A_118 : vector<8x1152xf32>
    %div3A_120 = arith.divf %sub3A_116, %mul3A_119 : vector<8x1152xf32>
    %max3A = arith.constant 9.99999993E-9 : f32
    %max3A_121 = vector.broadcast %max3A : f32 to vector<8x1152xf32>
    %max3A_122 = arith.maximumf %sub3A_109, %max3A_121 : vector<8x1152xf32>
    %div3A_123 = arith.divf %max3A_122, %get3A_33 : vector<8x1152xf32>
    %log3A = math.log %div3A_123 : vector<8x1152xf32>
    %div3A_124 = arith.constant 2.000000e-01 : f32
    %div3A_125 = vector.broadcast %div3A_124 : f32 to vector<8x1152xf32>
    %div3A_126 = arith.divf %log3A, %div3A_125 : vector<8x1152xf32>
    %max3A_127 = arith.constant 9.99999993E-9 : f32
    %max3A_128 = vector.broadcast %max3A_127 : f32 to vector<8x1152xf32>
    %max3A_129 = arith.maximumf %sub3A_110, %max3A_128 : vector<8x1152xf32>
    %div3A_130 = arith.divf %max3A_129, %get3A_38 : vector<8x1152xf32>
    %log3A_131 = math.log %div3A_130 : vector<8x1152xf32>
    %div3A_132 = arith.constant 2.000000e-01 : f32
    %div3A_133 = vector.broadcast %div3A_132 : f32 to vector<8x1152xf32>
    %div3A_134 = arith.divf %log3A_131, %div3A_133 : vector<8x1152xf32>
    %get3A_135 = arith.constant 0 : index
    %get3A_136 = arith.constant 0 : index
    %get3A_137 = arith.constant 0 : index
    %get3A_138 = arith.constant 0 : index
    %get3A_139 = vector.load %arg2[%get3A_135, %get3A_136, %get3A_137, %get3A_138] : memref<1x4x8x1152xf32, #tpu.memory_space<vmem>>, vector<1x1x8x1152xf32>
    %get3A_140 = vector.shape_cast %get3A_139 : vector<1x1x8x1152xf32> to vector<8x1152xf32>
    %sub3A_141 = arith.subf %get3A_140, %div3A_115 : vector<8x1152xf32>
    %abs3A = math.absf %sub3A_141 : vector<8x1152xf32>
    %lt3A_142 = arith.constant 1.000000e+00 : f32
    %lt3A_143 = vector.broadcast %lt3A_142 : f32 to vector<8x1152xf32>
    %lt3A_144 = arith.cmpf olt, %abs3A, %lt3A_143 : vector<8x1152xf32>
    %mul3A_145 = arith.constant 5.000000e-01 : f32
    %mul3A_146 = vector.broadcast %mul3A_145 : f32 to vector<8x1152xf32>
    %mul3A_147 = arith.mulf %mul3A_146, %abs3A : vector<8x1152xf32>
    %mul3A_148 = arith.mulf %mul3A_147, %abs3A : vector<8x1152xf32>
    %sub3A_149 = arith.constant 5.000000e-01 : f32
    %sub3A_150 = vector.broadcast %sub3A_149 : f32 to vector<8x1152xf32>
    %sub3A_151 = arith.subf %abs3A, %sub3A_150 : vector<8x1152xf32>
    %select_n3A_152 = arith.select %lt3A_144, %mul3A_148, %sub3A_151 : vector<8x1152xi1>, vector<8x1152xf32>
    %jit3A_153 = arith.constant 0.000000e+00 : f32
    %broadcast_in_dim3A_154 = vector.broadcast %jit3A_153 : f32 to vector<8x1152xf32>
    %select_n3A_155 = arith.select %gt3A_91, %select_n3A_152, %broadcast_in_dim3A_154 : vector<8x1152xi1>, vector<8x1152xf32>
    %reduce_sum3A_156 = vector.shape_cast %select_n3A_155 : vector<8x1152xf32> to vector<1x8x1152xf32>
    %reduce_sum3A_157 = arith.constant dense<0.000000e+00> : vector<1xf32>
    %reduce_sum3A_158 = vector.multi_reduction <add>, %reduce_sum3A_156, %reduce_sum3A_157 [1, 2] : vector<1x8x1152xf32> to vector<1xf32>
    %reduce_sum3A_159 = vector.shape_cast %reduce_sum3A_158 : vector<1xf32> to vector<1x1x1xf32>
    %reduce_sum3A_160 = vector.extract %reduce_sum3A_159[0, 0, 0] : f32 from vector<1x1x1xf32>
    %add3A_161 = arith.constant 0.000000e+00 : f32
    %add3A_162 = arith.addf %add3A_161, %reduce_sum3A_160 : f32
    %get3A_163 = arith.constant 0 : index
    %get3A_164 = arith.constant 1 : index
    %get3A_165 = arith.constant 0 : index
    %get3A_166 = arith.constant 0 : index
    %get3A_167 = vector.load %arg2[%get3A_163, %get3A_164, %get3A_165, %get3A_166] : memref<1x4x8x1152xf32, #tpu.memory_space<vmem>>, vector<1x1x8x1152xf32>
    %get3A_168 = vector.shape_cast %get3A_167 : vector<1x1x8x1152xf32> to vector<8x1152xf32>
    %sub3A_169 = arith.subf %get3A_168, %div3A_120 : vector<8x1152xf32>
    %abs3A_170 = math.absf %sub3A_169 : vector<8x1152xf32>
    %lt3A_171 = arith.constant 1.000000e+00 : f32
    %lt3A_172 = vector.broadcast %lt3A_171 : f32 to vector<8x1152xf32>
    %lt3A_173 = arith.cmpf olt, %abs3A_170, %lt3A_172 : vector<8x1152xf32>
    %mul3A_174 = arith.constant 5.000000e-01 : f32
    %mul3A_175 = vector.broadcast %mul3A_174 : f32 to vector<8x1152xf32>
    %mul3A_176 = arith.mulf %mul3A_175, %abs3A_170 : vector<8x1152xf32>
    %mul3A_177 = arith.mulf %mul3A_176, %abs3A_170 : vector<8x1152xf32>
    %sub3A_178 = arith.constant 5.000000e-01 : f32
    %sub3A_179 = vector.broadcast %sub3A_178 : f32 to vector<8x1152xf32>
    %sub3A_180 = arith.subf %abs3A_170, %sub3A_179 : vector<8x1152xf32>
    %select_n3A_181 = arith.select %lt3A_173, %mul3A_177, %sub3A_180 : vector<8x1152xi1>, vector<8x1152xf32>
    %jit3A_182 = arith.constant 0.000000e+00 : f32
    %broadcast_in_dim3A_183 = vector.broadcast %jit3A_182 : f32 to vector<8x1152xf32>
    %select_n3A_184 = arith.select %gt3A_91, %select_n3A_181, %broadcast_in_dim3A_183 : vector<8x1152xi1>, vector<8x1152xf32>
    %reduce_sum3A_185 = vector.shape_cast %select_n3A_184 : vector<8x1152xf32> to vector<1x8x1152xf32>
    %reduce_sum3A_186 = arith.constant dense<0.000000e+00> : vector<1xf32>
    %reduce_sum3A_187 = vector.multi_reduction <add>, %reduce_sum3A_185, %reduce_sum3A_186 [1, 2] : vector<1x8x1152xf32> to vector<1xf32>
    %reduce_sum3A_188 = vector.shape_cast %reduce_sum3A_187 : vector<1xf32> to vector<1x1x1xf32>
    %reduce_sum3A_189 = vector.extract %reduce_sum3A_188[0, 0, 0] : f32 from vector<1x1x1xf32>
    %add3A_190 = arith.addf %add3A_162, %reduce_sum3A_189 : f32
    %get3A_191 = arith.constant 0 : index
    %get3A_192 = arith.constant 2 : index
    %get3A_193 = arith.constant 0 : index
    %get3A_194 = arith.constant 0 : index
    %get3A_195 = vector.load %arg2[%get3A_191, %get3A_192, %get3A_193, %get3A_194] : memref<1x4x8x1152xf32, #tpu.memory_space<vmem>>, vector<1x1x8x1152xf32>
    %get3A_196 = vector.shape_cast %get3A_195 : vector<1x1x8x1152xf32> to vector<8x1152xf32>
    %sub3A_197 = arith.subf %get3A_196, %div3A_126 : vector<8x1152xf32>
    %abs3A_198 = math.absf %sub3A_197 : vector<8x1152xf32>
    %lt3A_199 = arith.constant 1.000000e+00 : f32
    %lt3A_200 = vector.broadcast %lt3A_199 : f32 to vector<8x1152xf32>
    %lt3A_201 = arith.cmpf olt, %abs3A_198, %lt3A_200 : vector<8x1152xf32>
    %mul3A_202 = arith.constant 5.000000e-01 : f32
    %mul3A_203 = vector.broadcast %mul3A_202 : f32 to vector<8x1152xf32>
    %mul3A_204 = arith.mulf %mul3A_203, %abs3A_198 : vector<8x1152xf32>
    %mul3A_205 = arith.mulf %mul3A_204, %abs3A_198 : vector<8x1152xf32>
    %sub3A_206 = arith.constant 5.000000e-01 : f32
    %sub3A_207 = vector.broadcast %sub3A_206 : f32 to vector<8x1152xf32>
    %sub3A_208 = arith.subf %abs3A_198, %sub3A_207 : vector<8x1152xf32>
    %select_n3A_209 = arith.select %lt3A_201, %mul3A_205, %sub3A_208 : vector<8x1152xi1>, vector<8x1152xf32>
    %jit3A_210 = arith.constant 0.000000e+00 : f32
    %broadcast_in_dim3A_211 = vector.broadcast %jit3A_210 : f32 to vector<8x1152xf32>
    %select_n3A_212 = arith.select %gt3A_91, %select_n3A_209, %broadcast_in_dim3A_211 : vector<8x1152xi1>, vector<8x1152xf32>
    %reduce_sum3A_213 = vector.shape_cast %select_n3A_212 : vector<8x1152xf32> to vector<1x8x1152xf32>
    %reduce_sum3A_214 = arith.constant dense<0.000000e+00> : vector<1xf32>
    %reduce_sum3A_215 = vector.multi_reduction <add>, %reduce_sum3A_213, %reduce_sum3A_214 [1, 2] : vector<1x8x1152xf32> to vector<1xf32>
    %reduce_sum3A_216 = vector.shape_cast %reduce_sum3A_215 : vector<1xf32> to vector<1x1x1xf32>
    %reduce_sum3A_217 = vector.extract %reduce_sum3A_216[0, 0, 0] : f32 from vector<1x1x1xf32>
    %add3A_218 = arith.addf %add3A_190, %reduce_sum3A_217 : f32
    %get3A_219 = arith.constant 0 : index
    %get3A_220 = arith.constant 3 : index
    %get3A_221 = arith.constant 0 : index
    %get3A_222 = arith.constant 0 : index
    %get3A_223 = vector.load %arg2[%get3A_219, %get3A_220, %get3A_221, %get3A_222] : memref<1x4x8x1152xf32, #tpu.memory_space<vmem>>, vector<1x1x8x1152xf32>
    %get3A_224 = vector.shape_cast %get3A_223 : vector<1x1x8x1152xf32> to vector<8x1152xf32>
    %sub3A_225 = arith.subf %get3A_224, %div3A_134 : vector<8x1152xf32>
    %abs3A_226 = math.absf %sub3A_225 : vector<8x1152xf32>
    %lt3A_227 = arith.constant 1.000000e+00 : f32
    %lt3A_228 = vector.broadcast %lt3A_227 : f32 to vector<8x1152xf32>
    %lt3A_229 = arith.cmpf olt, %abs3A_226, %lt3A_228 : vector<8x1152xf32>
    %mul3A_230 = arith.constant 5.000000e-01 : f32
    %mul3A_231 = vector.broadcast %mul3A_230 : f32 to vector<8x1152xf32>
    %mul3A_232 = arith.mulf %mul3A_231, %abs3A_226 : vector<8x1152xf32>
    %mul3A_233 = arith.mulf %mul3A_232, %abs3A_226 : vector<8x1152xf32>
    %sub3A_234 = arith.constant 5.000000e-01 : f32
    %sub3A_235 = vector.broadcast %sub3A_234 : f32 to vector<8x1152xf32>
    %sub3A_236 = arith.subf %abs3A_226, %sub3A_235 : vector<8x1152xf32>
    %select_n3A_237 = arith.select %lt3A_229, %mul3A_233, %sub3A_236 : vector<8x1152xi1>, vector<8x1152xf32>
    %jit3A_238 = arith.constant 0.000000e+00 : f32
    %broadcast_in_dim3A_239 = vector.broadcast %jit3A_238 : f32 to vector<8x1152xf32>
    %select_n3A_240 = arith.select %gt3A_91, %select_n3A_237, %broadcast_in_dim3A_239 : vector<8x1152xi1>, vector<8x1152xf32>
    %reduce_sum3A_241 = vector.shape_cast %select_n3A_240 : vector<8x1152xf32> to vector<1x8x1152xf32>
    %reduce_sum3A_242 = arith.constant dense<0.000000e+00> : vector<1xf32>
    %reduce_sum3A_243 = vector.multi_reduction <add>, %reduce_sum3A_241, %reduce_sum3A_242 [1, 2] : vector<1x8x1152xf32> to vector<1xf32>
    %reduce_sum3A_244 = vector.shape_cast %reduce_sum3A_243 : vector<1xf32> to vector<1x1x1xf32>
    %reduce_sum3A_245 = vector.extract %reduce_sum3A_244[0, 0, 0] : f32 from vector<1x1x1xf32>
    %add3A_246 = arith.addf %add3A_218, %reduce_sum3A_245 : f32
    %get3A_247 = arith.constant 0 : index
    %get3A_248 = arith.constant 0 : index
    %get3A_249 = arith.constant 0 : index
    %get3A_250 = arith.constant 0 : index
    %get3A_251 = vector.load %arg1[%get3A_247, %get3A_248, %get3A_249, %get3A_250] : memref<1x21x8x1152xf32, #tpu.memory_space<vmem>>, vector<1x1x8x1152xf32>
    %get3A_252 = vector.shape_cast %get3A_251 : vector<1x1x8x1152xf32> to vector<8x1152xf32>
    %get3A_253 = arith.constant 0 : index
    %get3A_254 = arith.constant 1 : index
    %get3A_255 = arith.constant 0 : index
    %get3A_256 = arith.constant 0 : index
    %get3A_257 = vector.load %arg1[%get3A_253, %get3A_254, %get3A_255, %get3A_256] : memref<1x21x8x1152xf32, #tpu.memory_space<vmem>>, vector<1x1x8x1152xf32>
    %get3A_258 = vector.shape_cast %get3A_257 : vector<1x1x8x1152xf32> to vector<8x1152xf32>
    %max3A_259 = arith.maximumf %get3A_252, %get3A_258 : vector<8x1152xf32>
    %get3A_260 = arith.constant 0 : index
    %get3A_261 = arith.constant 2 : index
    %get3A_262 = arith.constant 0 : index
    %get3A_263 = arith.constant 0 : index
    %get3A_264 = vector.load %arg1[%get3A_260, %get3A_261, %get3A_262, %get3A_263] : memref<1x21x8x1152xf32, #tpu.memory_space<vmem>>, vector<1x1x8x1152xf32>
    %get3A_265 = vector.shape_cast %get3A_264 : vector<1x1x8x1152xf32> to vector<8x1152xf32>
    %max3A_266 = arith.maximumf %max3A_259, %get3A_265 : vector<8x1152xf32>
    %get3A_267 = arith.constant 0 : index
    %get3A_268 = arith.constant 3 : index
    %get3A_269 = arith.constant 0 : index
    %get3A_270 = arith.constant 0 : index
    %get3A_271 = vector.load %arg1[%get3A_267, %get3A_268, %get3A_269, %get3A_270] : memref<1x21x8x1152xf32, #tpu.memory_space<vmem>>, vector<1x1x8x1152xf32>
    %get3A_272 = vector.shape_cast %get3A_271 : vector<1x1x8x1152xf32> to vector<8x1152xf32>
    %max3A_273 = arith.maximumf %max3A_266, %get3A_272 : vector<8x1152xf32>
    %get3A_274 = arith.constant 0 : index
    %get3A_275 = arith.constant 4 : index
    %get3A_276 = arith.constant 0 : index
    %get3A_277 = arith.constant 0 : index
    %get3A_278 = vector.load %arg1[%get3A_274, %get3A_275, %get3A_276, %get3A_277] : memref<1x21x8x1152xf32, #tpu.memory_space<vmem>>, vector<1x1x8x1152xf32>
    %get3A_279 = vector.shape_cast %get3A_278 : vector<1x1x8x1152xf32> to vector<8x1152xf32>
    %max3A_280 = arith.maximumf %max3A_273, %get3A_279 : vector<8x1152xf32>
    %get3A_281 = arith.constant 0 : index
    %get3A_282 = arith.constant 5 : index
    %get3A_283 = arith.constant 0 : index
    %get3A_284 = arith.constant 0 : index
    %get3A_285 = vector.load %arg1[%get3A_281, %get3A_282, %get3A_283, %get3A_284] : memref<1x21x8x1152xf32, #tpu.memory_space<vmem>>, vector<1x1x8x1152xf32>
    %get3A_286 = vector.shape_cast %get3A_285 : vector<1x1x8x1152xf32> to vector<8x1152xf32>
    %max3A_287 = arith.maximumf %max3A_280, %get3A_286 : vector<8x1152xf32>
    %get3A_288 = arith.constant 0 : index
    %get3A_289 = arith.constant 6 : index
    %get3A_290 = arith.constant 0 : index
    %get3A_291 = arith.constant 0 : index
    %get3A_292 = vector.load %arg1[%get3A_288, %get3A_289, %get3A_290, %get3A_291] : memref<1x21x8x1152xf32, #tpu.memory_space<vmem>>, vector<1x1x8x1152xf32>
    %get3A_293 = vector.shape_cast %get3A_292 : vector<1x1x8x1152xf32> to vector<8x1152xf32>
    %max3A_294 = arith.maximumf %max3A_287, %get3A_293 : vector<8x1152xf32>
    %get3A_295 = arith.constant 0 : index
    %get3A_296 = arith.constant 7 : index
    %get3A_297 = arith.constant 0 : index
    %get3A_298 = arith.constant 0 : index
    %get3A_299 = vector.load %arg1[%get3A_295, %get3A_296, %get3A_297, %get3A_298] : memref<1x21x8x1152xf32, #tpu.memory_space<vmem>>, vector<1x1x8x1152xf32>
    %get3A_300 = vector.shape_cast %get3A_299 : vector<1x1x8x1152xf32> to vector<8x1152xf32>
    %max3A_301 = arith.maximumf %max3A_294, %get3A_300 : vector<8x1152xf32>
    %get3A_302 = arith.constant 0 : index
    %get3A_303 = arith.constant 8 : index
    %get3A_304 = arith.constant 0 : index
    %get3A_305 = arith.constant 0 : index
    %get3A_306 = vector.load %arg1[%get3A_302, %get3A_303, %get3A_304, %get3A_305] : memref<1x21x8x1152xf32, #tpu.memory_space<vmem>>, vector<1x1x8x1152xf32>
    %get3A_307 = vector.shape_cast %get3A_306 : vector<1x1x8x1152xf32> to vector<8x1152xf32>
    %max3A_308 = arith.maximumf %max3A_301, %get3A_307 : vector<8x1152xf32>
    %get3A_309 = arith.constant 0 : index
    %get3A_310 = arith.constant 9 : index
    %get3A_311 = arith.constant 0 : index
    %get3A_312 = arith.constant 0 : index
    %get3A_313 = vector.load %arg1[%get3A_309, %get3A_310, %get3A_311, %get3A_312] : memref<1x21x8x1152xf32, #tpu.memory_space<vmem>>, vector<1x1x8x1152xf32>
    %get3A_314 = vector.shape_cast %get3A_313 : vector<1x1x8x1152xf32> to vector<8x1152xf32>
    %max3A_315 = arith.maximumf %max3A_308, %get3A_314 : vector<8x1152xf32>
    %get3A_316 = arith.constant 0 : index
    %get3A_317 = arith.constant 10 : index
    %get3A_318 = arith.constant 0 : index
    %get3A_319 = arith.constant 0 : index
    %get3A_320 = vector.load %arg1[%get3A_316, %get3A_317, %get3A_318, %get3A_319] : memref<1x21x8x1152xf32, #tpu.memory_space<vmem>>, vector<1x1x8x1152xf32>
    %get3A_321 = vector.shape_cast %get3A_320 : vector<1x1x8x1152xf32> to vector<8x1152xf32>
    %max3A_322 = arith.maximumf %max3A_315, %get3A_321 : vector<8x1152xf32>
    %get3A_323 = arith.constant 0 : index
    %get3A_324 = arith.constant 11 : index
    %get3A_325 = arith.constant 0 : index
    %get3A_326 = arith.constant 0 : index
    %get3A_327 = vector.load %arg1[%get3A_323, %get3A_324, %get3A_325, %get3A_326] : memref<1x21x8x1152xf32, #tpu.memory_space<vmem>>, vector<1x1x8x1152xf32>
    %get3A_328 = vector.shape_cast %get3A_327 : vector<1x1x8x1152xf32> to vector<8x1152xf32>
    %max3A_329 = arith.maximumf %max3A_322, %get3A_328 : vector<8x1152xf32>
    %get3A_330 = arith.constant 0 : index
    %get3A_331 = arith.constant 12 : index
    %get3A_332 = arith.constant 0 : index
    %get3A_333 = arith.constant 0 : index
    %get3A_334 = vector.load %arg1[%get3A_330, %get3A_331, %get3A_332, %get3A_333] : memref<1x21x8x1152xf32, #tpu.memory_space<vmem>>, vector<1x1x8x1152xf32>
    %get3A_335 = vector.shape_cast %get3A_334 : vector<1x1x8x1152xf32> to vector<8x1152xf32>
    %max3A_336 = arith.maximumf %max3A_329, %get3A_335 : vector<8x1152xf32>
    %get3A_337 = arith.constant 0 : index
    %get3A_338 = arith.constant 13 : index
    %get3A_339 = arith.constant 0 : index
    %get3A_340 = arith.constant 0 : index
    %get3A_341 = vector.load %arg1[%get3A_337, %get3A_338, %get3A_339, %get3A_340] : memref<1x21x8x1152xf32, #tpu.memory_space<vmem>>, vector<1x1x8x1152xf32>
    %get3A_342 = vector.shape_cast %get3A_341 : vector<1x1x8x1152xf32> to vector<8x1152xf32>
    %max3A_343 = arith.maximumf %max3A_336, %get3A_342 : vector<8x1152xf32>
    %get3A_344 = arith.constant 0 : index
    %get3A_345 = arith.constant 14 : index
    %get3A_346 = arith.constant 0 : index
    %get3A_347 = arith.constant 0 : index
    %get3A_348 = vector.load %arg1[%get3A_344, %get3A_345, %get3A_346, %get3A_347] : memref<1x21x8x1152xf32, #tpu.memory_space<vmem>>, vector<1x1x8x1152xf32>
    %get3A_349 = vector.shape_cast %get3A_348 : vector<1x1x8x1152xf32> to vector<8x1152xf32>
    %max3A_350 = arith.maximumf %max3A_343, %get3A_349 : vector<8x1152xf32>
    %get3A_351 = arith.constant 0 : index
    %get3A_352 = arith.constant 15 : index
    %get3A_353 = arith.constant 0 : index
    %get3A_354 = arith.constant 0 : index
    %get3A_355 = vector.load %arg1[%get3A_351, %get3A_352, %get3A_353, %get3A_354] : memref<1x21x8x1152xf32, #tpu.memory_space<vmem>>, vector<1x1x8x1152xf32>
    %get3A_356 = vector.shape_cast %get3A_355 : vector<1x1x8x1152xf32> to vector<8x1152xf32>
    %max3A_357 = arith.maximumf %max3A_350, %get3A_356 : vector<8x1152xf32>
    %get3A_358 = arith.constant 0 : index
    %get3A_359 = arith.constant 16 : index
    %get3A_360 = arith.constant 0 : index
    %get3A_361 = arith.constant 0 : index
    %get3A_362 = vector.load %arg1[%get3A_358, %get3A_359, %get3A_360, %get3A_361] : memref<1x21x8x1152xf32, #tpu.memory_space<vmem>>, vector<1x1x8x1152xf32>
    %get3A_363 = vector.shape_cast %get3A_362 : vector<1x1x8x1152xf32> to vector<8x1152xf32>
    %max3A_364 = arith.maximumf %max3A_357, %get3A_363 : vector<8x1152xf32>
    %get3A_365 = arith.constant 0 : index
    %get3A_366 = arith.constant 17 : index
    %get3A_367 = arith.constant 0 : index
    %get3A_368 = arith.constant 0 : index
    %get3A_369 = vector.load %arg1[%get3A_365, %get3A_366, %get3A_367, %get3A_368] : memref<1x21x8x1152xf32, #tpu.memory_space<vmem>>, vector<1x1x8x1152xf32>
    %get3A_370 = vector.shape_cast %get3A_369 : vector<1x1x8x1152xf32> to vector<8x1152xf32>
    %max3A_371 = arith.maximumf %max3A_364, %get3A_370 : vector<8x1152xf32>
    %get3A_372 = arith.constant 0 : index
    %get3A_373 = arith.constant 18 : index
    %get3A_374 = arith.constant 0 : index
    %get3A_375 = arith.constant 0 : index
    %get3A_376 = vector.load %arg1[%get3A_372, %get3A_373, %get3A_374, %get3A_375] : memref<1x21x8x1152xf32, #tpu.memory_space<vmem>>, vector<1x1x8x1152xf32>
    %get3A_377 = vector.shape_cast %get3A_376 : vector<1x1x8x1152xf32> to vector<8x1152xf32>
    %max3A_378 = arith.maximumf %max3A_371, %get3A_377 : vector<8x1152xf32>
    %get3A_379 = arith.constant 0 : index
    %get3A_380 = arith.constant 19 : index
    %get3A_381 = arith.constant 0 : index
    %get3A_382 = arith.constant 0 : index
    %get3A_383 = vector.load %arg1[%get3A_379, %get3A_380, %get3A_381, %get3A_382] : memref<1x21x8x1152xf32, #tpu.memory_space<vmem>>, vector<1x1x8x1152xf32>
    %get3A_384 = vector.shape_cast %get3A_383 : vector<1x1x8x1152xf32> to vector<8x1152xf32>
    %max3A_385 = arith.maximumf %max3A_378, %get3A_384 : vector<8x1152xf32>
    %get3A_386 = arith.constant 0 : index
    %get3A_387 = arith.constant 20 : index
    %get3A_388 = arith.constant 0 : index
    %get3A_389 = arith.constant 0 : index
    %get3A_390 = vector.load %arg1[%get3A_386, %get3A_387, %get3A_388, %get3A_389] : memref<1x21x8x1152xf32, #tpu.memory_space<vmem>>, vector<1x1x8x1152xf32>
    %get3A_391 = vector.shape_cast %get3A_390 : vector<1x1x8x1152xf32> to vector<8x1152xf32>
    %max3A_392 = arith.maximumf %max3A_385, %get3A_391 : vector<8x1152xf32>
    %sub3A_393 = arith.subf %get3A_252, %max3A_392 : vector<8x1152xf32>
    %exp3A = math.exp %sub3A_393 : vector<8x1152xf32>
    %get3A_394 = arith.constant 0 : index
    %get3A_395 = arith.constant 1 : index
    %get3A_396 = arith.constant 0 : index
    %get3A_397 = arith.constant 0 : index
    %get3A_398 = vector.load %arg1[%get3A_394, %get3A_395, %get3A_396, %get3A_397] : memref<1x21x8x1152xf32, #tpu.memory_space<vmem>>, vector<1x1x8x1152xf32>
    %get3A_399 = vector.shape_cast %get3A_398 : vector<1x1x8x1152xf32> to vector<8x1152xf32>
    %sub3A_400 = arith.subf %get3A_399, %max3A_392 : vector<8x1152xf32>
    %exp3A_401 = math.exp %sub3A_400 : vector<8x1152xf32>
    %add3A_402 = arith.addf %exp3A, %exp3A_401 : vector<8x1152xf32>
    %eq3A = arith.constant 1.000000e+00 : f32
    %eq3A_403 = vector.broadcast %eq3A : f32 to vector<8x1152xf32>
    %eq3A_404 = arith.cmpf oeq, %select_n3A_89, %eq3A_403 : vector<8x1152xf32>
    %select_n3A_405 = arith.select %eq3A_404, %get3A_399, %get3A_252 : vector<8x1152xi1>, vector<8x1152xf32>
    %get3A_406 = arith.constant 0 : index
    %get3A_407 = arith.constant 2 : index
    %get3A_408 = arith.constant 0 : index
    %get3A_409 = arith.constant 0 : index
    %get3A_410 = vector.load %arg1[%get3A_406, %get3A_407, %get3A_408, %get3A_409] : memref<1x21x8x1152xf32, #tpu.memory_space<vmem>>, vector<1x1x8x1152xf32>
    %get3A_411 = vector.shape_cast %get3A_410 : vector<1x1x8x1152xf32> to vector<8x1152xf32>
    %sub3A_412 = arith.subf %get3A_411, %max3A_392 : vector<8x1152xf32>
    %exp3A_413 = math.exp %sub3A_412 : vector<8x1152xf32>
    %add3A_414 = arith.addf %add3A_402, %exp3A_413 : vector<8x1152xf32>
    %eq3A_415 = arith.constant 2.000000e+00 : f32
    %eq3A_416 = vector.broadcast %eq3A_415 : f32 to vector<8x1152xf32>
    %eq3A_417 = arith.cmpf oeq, %select_n3A_89, %eq3A_416 : vector<8x1152xf32>
    %select_n3A_418 = arith.select %eq3A_417, %get3A_411, %select_n3A_405 : vector<8x1152xi1>, vector<8x1152xf32>
    %get3A_419 = arith.constant 0 : index
    %get3A_420 = arith.constant 3 : index
    %get3A_421 = arith.constant 0 : index
    %get3A_422 = arith.constant 0 : index
    %get3A_423 = vector.load %arg1[%get3A_419, %get3A_420, %get3A_421, %get3A_422] : memref<1x21x8x1152xf32, #tpu.memory_space<vmem>>, vector<1x1x8x1152xf32>
    %get3A_424 = vector.shape_cast %get3A_423 : vector<1x1x8x1152xf32> to vector<8x1152xf32>
    %sub3A_425 = arith.subf %get3A_424, %max3A_392 : vector<8x1152xf32>
    %exp3A_426 = math.exp %sub3A_425 : vector<8x1152xf32>
    %add3A_427 = arith.addf %add3A_414, %exp3A_426 : vector<8x1152xf32>
    %eq3A_428 = arith.constant 3.000000e+00 : f32
    %eq3A_429 = vector.broadcast %eq3A_428 : f32 to vector<8x1152xf32>
    %eq3A_430 = arith.cmpf oeq, %select_n3A_89, %eq3A_429 : vector<8x1152xf32>
    %select_n3A_431 = arith.select %eq3A_430, %get3A_424, %select_n3A_418 : vector<8x1152xi1>, vector<8x1152xf32>
    %get3A_432 = arith.constant 0 : index
    %get3A_433 = arith.constant 4 : index
    %get3A_434 = arith.constant 0 : index
    %get3A_435 = arith.constant 0 : index
    %get3A_436 = vector.load %arg1[%get3A_432, %get3A_433, %get3A_434, %get3A_435] : memref<1x21x8x1152xf32, #tpu.memory_space<vmem>>, vector<1x1x8x1152xf32>
    %get3A_437 = vector.shape_cast %get3A_436 : vector<1x1x8x1152xf32> to vector<8x1152xf32>
    %sub3A_438 = arith.subf %get3A_437, %max3A_392 : vector<8x1152xf32>
    %exp3A_439 = math.exp %sub3A_438 : vector<8x1152xf32>
    %add3A_440 = arith.addf %add3A_427, %exp3A_439 : vector<8x1152xf32>
    %eq3A_441 = arith.constant 4.000000e+00 : f32
    %eq3A_442 = vector.broadcast %eq3A_441 : f32 to vector<8x1152xf32>
    %eq3A_443 = arith.cmpf oeq, %select_n3A_89, %eq3A_442 : vector<8x1152xf32>
    %select_n3A_444 = arith.select %eq3A_443, %get3A_437, %select_n3A_431 : vector<8x1152xi1>, vector<8x1152xf32>
    %get3A_445 = arith.constant 0 : index
    %get3A_446 = arith.constant 5 : index
    %get3A_447 = arith.constant 0 : index
    %get3A_448 = arith.constant 0 : index
    %get3A_449 = vector.load %arg1[%get3A_445, %get3A_446, %get3A_447, %get3A_448] : memref<1x21x8x1152xf32, #tpu.memory_space<vmem>>, vector<1x1x8x1152xf32>
    %get3A_450 = vector.shape_cast %get3A_449 : vector<1x1x8x1152xf32> to vector<8x1152xf32>
    %sub3A_451 = arith.subf %get3A_450, %max3A_392 : vector<8x1152xf32>
    %exp3A_452 = math.exp %sub3A_451 : vector<8x1152xf32>
    %add3A_453 = arith.addf %add3A_440, %exp3A_452 : vector<8x1152xf32>
    %eq3A_454 = arith.constant 5.000000e+00 : f32
    %eq3A_455 = vector.broadcast %eq3A_454 : f32 to vector<8x1152xf32>
    %eq3A_456 = arith.cmpf oeq, %select_n3A_89, %eq3A_455 : vector<8x1152xf32>
    %select_n3A_457 = arith.select %eq3A_456, %get3A_450, %select_n3A_444 : vector<8x1152xi1>, vector<8x1152xf32>
    %get3A_458 = arith.constant 0 : index
    %get3A_459 = arith.constant 6 : index
    %get3A_460 = arith.constant 0 : index
    %get3A_461 = arith.constant 0 : index
    %get3A_462 = vector.load %arg1[%get3A_458, %get3A_459, %get3A_460, %get3A_461] : memref<1x21x8x1152xf32, #tpu.memory_space<vmem>>, vector<1x1x8x1152xf32>
    %get3A_463 = vector.shape_cast %get3A_462 : vector<1x1x8x1152xf32> to vector<8x1152xf32>
    %sub3A_464 = arith.subf %get3A_463, %max3A_392 : vector<8x1152xf32>
    %exp3A_465 = math.exp %sub3A_464 : vector<8x1152xf32>
    %add3A_466 = arith.addf %add3A_453, %exp3A_465 : vector<8x1152xf32>
    %eq3A_467 = arith.constant 6.000000e+00 : f32
    %eq3A_468 = vector.broadcast %eq3A_467 : f32 to vector<8x1152xf32>
    %eq3A_469 = arith.cmpf oeq, %select_n3A_89, %eq3A_468 : vector<8x1152xf32>
    %select_n3A_470 = arith.select %eq3A_469, %get3A_463, %select_n3A_457 : vector<8x1152xi1>, vector<8x1152xf32>
    %get3A_471 = arith.constant 0 : index
    %get3A_472 = arith.constant 7 : index
    %get3A_473 = arith.constant 0 : index
    %get3A_474 = arith.constant 0 : index
    %get3A_475 = vector.load %arg1[%get3A_471, %get3A_472, %get3A_473, %get3A_474] : memref<1x21x8x1152xf32, #tpu.memory_space<vmem>>, vector<1x1x8x1152xf32>
    %get3A_476 = vector.shape_cast %get3A_475 : vector<1x1x8x1152xf32> to vector<8x1152xf32>
    %sub3A_477 = arith.subf %get3A_476, %max3A_392 : vector<8x1152xf32>
    %exp3A_478 = math.exp %sub3A_477 : vector<8x1152xf32>
    %add3A_479 = arith.addf %add3A_466, %exp3A_478 : vector<8x1152xf32>
    %eq3A_480 = arith.constant 7.000000e+00 : f32
    %eq3A_481 = vector.broadcast %eq3A_480 : f32 to vector<8x1152xf32>
    %eq3A_482 = arith.cmpf oeq, %select_n3A_89, %eq3A_481 : vector<8x1152xf32>
    %select_n3A_483 = arith.select %eq3A_482, %get3A_476, %select_n3A_470 : vector<8x1152xi1>, vector<8x1152xf32>
    %get3A_484 = arith.constant 0 : index
    %get3A_485 = arith.constant 8 : index
    %get3A_486 = arith.constant 0 : index
    %get3A_487 = arith.constant 0 : index
    %get3A_488 = vector.load %arg1[%get3A_484, %get3A_485, %get3A_486, %get3A_487] : memref<1x21x8x1152xf32, #tpu.memory_space<vmem>>, vector<1x1x8x1152xf32>
    %get3A_489 = vector.shape_cast %get3A_488 : vector<1x1x8x1152xf32> to vector<8x1152xf32>
    %sub3A_490 = arith.subf %get3A_489, %max3A_392 : vector<8x1152xf32>
    %exp3A_491 = math.exp %sub3A_490 : vector<8x1152xf32>
    %add3A_492 = arith.addf %add3A_479, %exp3A_491 : vector<8x1152xf32>
    %eq3A_493 = arith.constant 8.000000e+00 : f32
    %eq3A_494 = vector.broadcast %eq3A_493 : f32 to vector<8x1152xf32>
    %eq3A_495 = arith.cmpf oeq, %select_n3A_89, %eq3A_494 : vector<8x1152xf32>
    %select_n3A_496 = arith.select %eq3A_495, %get3A_489, %select_n3A_483 : vector<8x1152xi1>, vector<8x1152xf32>
    %get3A_497 = arith.constant 0 : index
    %get3A_498 = arith.constant 9 : index
    %get3A_499 = arith.constant 0 : index
    %get3A_500 = arith.constant 0 : index
    %get3A_501 = vector.load %arg1[%get3A_497, %get3A_498, %get3A_499, %get3A_500] : memref<1x21x8x1152xf32, #tpu.memory_space<vmem>>, vector<1x1x8x1152xf32>
    %get3A_502 = vector.shape_cast %get3A_501 : vector<1x1x8x1152xf32> to vector<8x1152xf32>
    %sub3A_503 = arith.subf %get3A_502, %max3A_392 : vector<8x1152xf32>
    %exp3A_504 = math.exp %sub3A_503 : vector<8x1152xf32>
    %add3A_505 = arith.addf %add3A_492, %exp3A_504 : vector<8x1152xf32>
    %eq3A_506 = arith.constant 9.000000e+00 : f32
    %eq3A_507 = vector.broadcast %eq3A_506 : f32 to vector<8x1152xf32>
    %eq3A_508 = arith.cmpf oeq, %select_n3A_89, %eq3A_507 : vector<8x1152xf32>
    %select_n3A_509 = arith.select %eq3A_508, %get3A_502, %select_n3A_496 : vector<8x1152xi1>, vector<8x1152xf32>
    %get3A_510 = arith.constant 0 : index
    %get3A_511 = arith.constant 10 : index
    %get3A_512 = arith.constant 0 : index
    %get3A_513 = arith.constant 0 : index
    %get3A_514 = vector.load %arg1[%get3A_510, %get3A_511, %get3A_512, %get3A_513] : memref<1x21x8x1152xf32, #tpu.memory_space<vmem>>, vector<1x1x8x1152xf32>
    %get3A_515 = vector.shape_cast %get3A_514 : vector<1x1x8x1152xf32> to vector<8x1152xf32>
    %sub3A_516 = arith.subf %get3A_515, %max3A_392 : vector<8x1152xf32>
    %exp3A_517 = math.exp %sub3A_516 : vector<8x1152xf32>
    %add3A_518 = arith.addf %add3A_505, %exp3A_517 : vector<8x1152xf32>
    %eq3A_519 = arith.constant 1.000000e+01 : f32
    %eq3A_520 = vector.broadcast %eq3A_519 : f32 to vector<8x1152xf32>
    %eq3A_521 = arith.cmpf oeq, %select_n3A_89, %eq3A_520 : vector<8x1152xf32>
    %select_n3A_522 = arith.select %eq3A_521, %get3A_515, %select_n3A_509 : vector<8x1152xi1>, vector<8x1152xf32>
    %get3A_523 = arith.constant 0 : index
    %get3A_524 = arith.constant 11 : index
    %get3A_525 = arith.constant 0 : index
    %get3A_526 = arith.constant 0 : index
    %get3A_527 = vector.load %arg1[%get3A_523, %get3A_524, %get3A_525, %get3A_526] : memref<1x21x8x1152xf32, #tpu.memory_space<vmem>>, vector<1x1x8x1152xf32>
    %get3A_528 = vector.shape_cast %get3A_527 : vector<1x1x8x1152xf32> to vector<8x1152xf32>
    %sub3A_529 = arith.subf %get3A_528, %max3A_392 : vector<8x1152xf32>
    %exp3A_530 = math.exp %sub3A_529 : vector<8x1152xf32>
    %add3A_531 = arith.addf %add3A_518, %exp3A_530 : vector<8x1152xf32>
    %eq3A_532 = arith.constant 1.100000e+01 : f32
    %eq3A_533 = vector.broadcast %eq3A_532 : f32 to vector<8x1152xf32>
    %eq3A_534 = arith.cmpf oeq, %select_n3A_89, %eq3A_533 : vector<8x1152xf32>
    %select_n3A_535 = arith.select %eq3A_534, %get3A_528, %select_n3A_522 : vector<8x1152xi1>, vector<8x1152xf32>
    %get3A_536 = arith.constant 0 : index
    %get3A_537 = arith.constant 12 : index
    %get3A_538 = arith.constant 0 : index
    %get3A_539 = arith.constant 0 : index
    %get3A_540 = vector.load %arg1[%get3A_536, %get3A_537, %get3A_538, %get3A_539] : memref<1x21x8x1152xf32, #tpu.memory_space<vmem>>, vector<1x1x8x1152xf32>
    %get3A_541 = vector.shape_cast %get3A_540 : vector<1x1x8x1152xf32> to vector<8x1152xf32>
    %sub3A_542 = arith.subf %get3A_541, %max3A_392 : vector<8x1152xf32>
    %exp3A_543 = math.exp %sub3A_542 : vector<8x1152xf32>
    %add3A_544 = arith.addf %add3A_531, %exp3A_543 : vector<8x1152xf32>
    %eq3A_545 = arith.constant 1.200000e+01 : f32
    %eq3A_546 = vector.broadcast %eq3A_545 : f32 to vector<8x1152xf32>
    %eq3A_547 = arith.cmpf oeq, %select_n3A_89, %eq3A_546 : vector<8x1152xf32>
    %select_n3A_548 = arith.select %eq3A_547, %get3A_541, %select_n3A_535 : vector<8x1152xi1>, vector<8x1152xf32>
    %get3A_549 = arith.constant 0 : index
    %get3A_550 = arith.constant 13 : index
    %get3A_551 = arith.constant 0 : index
    %get3A_552 = arith.constant 0 : index
    %get3A_553 = vector.load %arg1[%get3A_549, %get3A_550, %get3A_551, %get3A_552] : memref<1x21x8x1152xf32, #tpu.memory_space<vmem>>, vector<1x1x8x1152xf32>
    %get3A_554 = vector.shape_cast %get3A_553 : vector<1x1x8x1152xf32> to vector<8x1152xf32>
    %sub3A_555 = arith.subf %get3A_554, %max3A_392 : vector<8x1152xf32>
    %exp3A_556 = math.exp %sub3A_555 : vector<8x1152xf32>
    %add3A_557 = arith.addf %add3A_544, %exp3A_556 : vector<8x1152xf32>
    %eq3A_558 = arith.constant 1.300000e+01 : f32
    %eq3A_559 = vector.broadcast %eq3A_558 : f32 to vector<8x1152xf32>
    %eq3A_560 = arith.cmpf oeq, %select_n3A_89, %eq3A_559 : vector<8x1152xf32>
    %select_n3A_561 = arith.select %eq3A_560, %get3A_554, %select_n3A_548 : vector<8x1152xi1>, vector<8x1152xf32>
    %get3A_562 = arith.constant 0 : index
    %get3A_563 = arith.constant 14 : index
    %get3A_564 = arith.constant 0 : index
    %get3A_565 = arith.constant 0 : index
    %get3A_566 = vector.load %arg1[%get3A_562, %get3A_563, %get3A_564, %get3A_565] : memref<1x21x8x1152xf32, #tpu.memory_space<vmem>>, vector<1x1x8x1152xf32>
    %get3A_567 = vector.shape_cast %get3A_566 : vector<1x1x8x1152xf32> to vector<8x1152xf32>
    %sub3A_568 = arith.subf %get3A_567, %max3A_392 : vector<8x1152xf32>
    %exp3A_569 = math.exp %sub3A_568 : vector<8x1152xf32>
    %add3A_570 = arith.addf %add3A_557, %exp3A_569 : vector<8x1152xf32>
    %eq3A_571 = arith.constant 1.400000e+01 : f32
    %eq3A_572 = vector.broadcast %eq3A_571 : f32 to vector<8x1152xf32>
    %eq3A_573 = arith.cmpf oeq, %select_n3A_89, %eq3A_572 : vector<8x1152xf32>
    %select_n3A_574 = arith.select %eq3A_573, %get3A_567, %select_n3A_561 : vector<8x1152xi1>, vector<8x1152xf32>
    %get3A_575 = arith.constant 0 : index
    %get3A_576 = arith.constant 15 : index
    %get3A_577 = arith.constant 0 : index
    %get3A_578 = arith.constant 0 : index
    %get3A_579 = vector.load %arg1[%get3A_575, %get3A_576, %get3A_577, %get3A_578] : memref<1x21x8x1152xf32, #tpu.memory_space<vmem>>, vector<1x1x8x1152xf32>
    %get3A_580 = vector.shape_cast %get3A_579 : vector<1x1x8x1152xf32> to vector<8x1152xf32>
    %sub3A_581 = arith.subf %get3A_580, %max3A_392 : vector<8x1152xf32>
    %exp3A_582 = math.exp %sub3A_581 : vector<8x1152xf32>
    %add3A_583 = arith.addf %add3A_570, %exp3A_582 : vector<8x1152xf32>
    %eq3A_584 = arith.constant 1.500000e+01 : f32
    %eq3A_585 = vector.broadcast %eq3A_584 : f32 to vector<8x1152xf32>
    %eq3A_586 = arith.cmpf oeq, %select_n3A_89, %eq3A_585 : vector<8x1152xf32>
    %select_n3A_587 = arith.select %eq3A_586, %get3A_580, %select_n3A_574 : vector<8x1152xi1>, vector<8x1152xf32>
    %get3A_588 = arith.constant 0 : index
    %get3A_589 = arith.constant 16 : index
    %get3A_590 = arith.constant 0 : index
    %get3A_591 = arith.constant 0 : index
    %get3A_592 = vector.load %arg1[%get3A_588, %get3A_589, %get3A_590, %get3A_591] : memref<1x21x8x1152xf32, #tpu.memory_space<vmem>>, vector<1x1x8x1152xf32>
    %get3A_593 = vector.shape_cast %get3A_592 : vector<1x1x8x1152xf32> to vector<8x1152xf32>
    %sub3A_594 = arith.subf %get3A_593, %max3A_392 : vector<8x1152xf32>
    %exp3A_595 = math.exp %sub3A_594 : vector<8x1152xf32>
    %add3A_596 = arith.addf %add3A_583, %exp3A_595 : vector<8x1152xf32>
    %eq3A_597 = arith.constant 1.600000e+01 : f32
    %eq3A_598 = vector.broadcast %eq3A_597 : f32 to vector<8x1152xf32>
    %eq3A_599 = arith.cmpf oeq, %select_n3A_89, %eq3A_598 : vector<8x1152xf32>
    %select_n3A_600 = arith.select %eq3A_599, %get3A_593, %select_n3A_587 : vector<8x1152xi1>, vector<8x1152xf32>
    %get3A_601 = arith.constant 0 : index
    %get3A_602 = arith.constant 17 : index
    %get3A_603 = arith.constant 0 : index
    %get3A_604 = arith.constant 0 : index
    %get3A_605 = vector.load %arg1[%get3A_601, %get3A_602, %get3A_603, %get3A_604] : memref<1x21x8x1152xf32, #tpu.memory_space<vmem>>, vector<1x1x8x1152xf32>
    %get3A_606 = vector.shape_cast %get3A_605 : vector<1x1x8x1152xf32> to vector<8x1152xf32>
    %sub3A_607 = arith.subf %get3A_606, %max3A_392 : vector<8x1152xf32>
    %exp3A_608 = math.exp %sub3A_607 : vector<8x1152xf32>
    %add3A_609 = arith.addf %add3A_596, %exp3A_608 : vector<8x1152xf32>
    %eq3A_610 = arith.constant 1.700000e+01 : f32
    %eq3A_611 = vector.broadcast %eq3A_610 : f32 to vector<8x1152xf32>
    %eq3A_612 = arith.cmpf oeq, %select_n3A_89, %eq3A_611 : vector<8x1152xf32>
    %select_n3A_613 = arith.select %eq3A_612, %get3A_606, %select_n3A_600 : vector<8x1152xi1>, vector<8x1152xf32>
    %get3A_614 = arith.constant 0 : index
    %get3A_615 = arith.constant 18 : index
    %get3A_616 = arith.constant 0 : index
    %get3A_617 = arith.constant 0 : index
    %get3A_618 = vector.load %arg1[%get3A_614, %get3A_615, %get3A_616, %get3A_617] : memref<1x21x8x1152xf32, #tpu.memory_space<vmem>>, vector<1x1x8x1152xf32>
    %get3A_619 = vector.shape_cast %get3A_618 : vector<1x1x8x1152xf32> to vector<8x1152xf32>
    %sub3A_620 = arith.subf %get3A_619, %max3A_392 : vector<8x1152xf32>
    %exp3A_621 = math.exp %sub3A_620 : vector<8x1152xf32>
    %add3A_622 = arith.addf %add3A_609, %exp3A_621 : vector<8x1152xf32>
    %eq3A_623 = arith.constant 1.800000e+01 : f32
    %eq3A_624 = vector.broadcast %eq3A_623 : f32 to vector<8x1152xf32>
    %eq3A_625 = arith.cmpf oeq, %select_n3A_89, %eq3A_624 : vector<8x1152xf32>
    %select_n3A_626 = arith.select %eq3A_625, %get3A_619, %select_n3A_613 : vector<8x1152xi1>, vector<8x1152xf32>
    %get3A_627 = arith.constant 0 : index
    %get3A_628 = arith.constant 19 : index
    %get3A_629 = arith.constant 0 : index
    %get3A_630 = arith.constant 0 : index
    %get3A_631 = vector.load %arg1[%get3A_627, %get3A_628, %get3A_629, %get3A_630] : memref<1x21x8x1152xf32, #tpu.memory_space<vmem>>, vector<1x1x8x1152xf32>
    %get3A_632 = vector.shape_cast %get3A_631 : vector<1x1x8x1152xf32> to vector<8x1152xf32>
    %sub3A_633 = arith.subf %get3A_632, %max3A_392 : vector<8x1152xf32>
    %exp3A_634 = math.exp %sub3A_633 : vector<8x1152xf32>
    %add3A_635 = arith.addf %add3A_622, %exp3A_634 : vector<8x1152xf32>
    %eq3A_636 = arith.constant 1.900000e+01 : f32
    %eq3A_637 = vector.broadcast %eq3A_636 : f32 to vector<8x1152xf32>
    %eq3A_638 = arith.cmpf oeq, %select_n3A_89, %eq3A_637 : vector<8x1152xf32>
    %select_n3A_639 = arith.select %eq3A_638, %get3A_632, %select_n3A_626 : vector<8x1152xi1>, vector<8x1152xf32>
    %get3A_640 = arith.constant 0 : index
    %get3A_641 = arith.constant 20 : index
    %get3A_642 = arith.constant 0 : index
    %get3A_643 = arith.constant 0 : index
    %get3A_644 = vector.load %arg1[%get3A_640, %get3A_641, %get3A_642, %get3A_643] : memref<1x21x8x1152xf32, #tpu.memory_space<vmem>>, vector<1x1x8x1152xf32>
    %get3A_645 = vector.shape_cast %get3A_644 : vector<1x1x8x1152xf32> to vector<8x1152xf32>
    %sub3A_646 = arith.subf %get3A_645, %max3A_392 : vector<8x1152xf32>
    %exp3A_647 = math.exp %sub3A_646 : vector<8x1152xf32>
    %add3A_648 = arith.addf %add3A_635, %exp3A_647 : vector<8x1152xf32>
    %eq3A_649 = arith.constant 2.000000e+01 : f32
    %eq3A_650 = vector.broadcast %eq3A_649 : f32 to vector<8x1152xf32>
    %eq3A_651 = arith.cmpf oeq, %select_n3A_89, %eq3A_650 : vector<8x1152xf32>
    %select_n3A_652 = arith.select %eq3A_651, %get3A_645, %select_n3A_639 : vector<8x1152xi1>, vector<8x1152xf32>
    %log3A_653 = math.log %add3A_648 : vector<8x1152xf32>
    %add3A_654 = arith.addf %log3A_653, %max3A_392 : vector<8x1152xf32>
    %sub3A_655 = arith.subf %add3A_654, %select_n3A_652 : vector<8x1152xf32>
    %jit3A_656 = arith.constant 0.000000e+00 : f32
    %broadcast_in_dim3A_657 = vector.broadcast %jit3A_656 : f32 to vector<8x1152xf32>
    %select_n3A_658 = arith.select %gt3A_91, %sub3A_655, %broadcast_in_dim3A_657 : vector<8x1152xi1>, vector<8x1152xf32>
    %reduce_sum3A_659 = vector.shape_cast %select_n3A_658 : vector<8x1152xf32> to vector<1x8x1152xf32>
    %reduce_sum3A_660 = arith.constant dense<0.000000e+00> : vector<1xf32>
    %reduce_sum3A_661 = vector.multi_reduction <add>, %reduce_sum3A_659, %reduce_sum3A_660 [1, 2] : vector<1x8x1152xf32> to vector<1xf32>
    %reduce_sum3A_662 = vector.shape_cast %reduce_sum3A_661 : vector<1xf32> to vector<1x1x1xf32>
    %reduce_sum3A_663 = vector.extract %reduce_sum3A_662[0, 0, 0] : f32 from vector<1x1x1xf32>
    %not3A = arith.constant dense<true> : vector<8x1152xi1>
    %not3A_664 = arith.xori %gt3A_91, %not3A : vector<8x1152xi1>
    %and3A_665 = arith.andi %lt3A_48, %not3A_664 : vector<8x1152xi1>
    %sub3A_666 = arith.subf %add3A_654, %get3A_252 : vector<8x1152xf32>
    %jit3A_667 = arith.constant 0xFF800000 : f32
    %broadcast_in_dim3A_668 = vector.broadcast %jit3A_667 : f32 to vector<8x1152xf32>
    %select_n3A_669 = arith.select %and3A_665, %sub3A_666, %broadcast_in_dim3A_668 : vector<8x1152xi1>, vector<8x1152xf32>
    %swap3A = arith.constant 0 : index
    %swap3A_670 = arith.constant 0 : index
    %swap3A_671 = arith.constant 0 : index
    %swap3A_672 = vector.load %arg6[%swap3A, %swap3A_670, %swap3A_671] : memref<1x8x1152xf32, #tpu.memory_space<vmem>>, vector<1x8x1152xf32>
    %swap3A_673 = vector.shape_cast %swap3A_672 : vector<1x8x1152xf32> to vector<8x1152xf32>
    %swap3A_674 = vector.shape_cast %select_n3A_669 : vector<8x1152xf32> to vector<1x8x1152xf32>
    tpu.vector_store %arg6[%swap3A, %swap3A_670, %swap3A_671], %swap3A_674 {strides = array<i32>} : memref<1x8x1152xf32, #tpu.memory_space<vmem>>, vector<1x8x1152xf32>,
    %swap3A_675 = arith.constant 0 : index
    %swap3A_676 = arith.constant 0 : index
    %swap3A_677 = arith.constant 0 : index
    %swap3A_678 = memref.load %arg7[%swap3A_675, %swap3A_676, %swap3A_677] : memref<1x1x3xf32, #tpu.memory_space<smem>>
    memref.store %add3A_246, %arg7[%swap3A_675, %swap3A_676, %swap3A_677] : memref<1x1x3xf32, #tpu.memory_space<smem>>
    %swap3A_679 = arith.constant 0 : index
    %swap3A_680 = arith.constant 0 : index
    %swap3A_681 = arith.constant 1 : index
    %swap3A_682 = memref.load %arg7[%swap3A_679, %swap3A_680, %swap3A_681] : memref<1x1x3xf32, #tpu.memory_space<smem>>
    memref.store %reduce_sum3A_663, %arg7[%swap3A_679, %swap3A_680, %swap3A_681] : memref<1x1x3xf32, #tpu.memory_space<smem>>
    %swap3A_683 = arith.constant 0 : index
    %swap3A_684 = arith.constant 0 : index
    %swap3A_685 = arith.constant 2 : index
    %swap3A_686 = memref.load %arg7[%swap3A_683, %swap3A_684, %swap3A_685] : memref<1x1x3xf32, #tpu.memory_space<smem>>
    memref.store %reduce_sum3A_100, %arg7[%swap3A_683, %swap3A_684, %swap3A_685] : memref<1x1x3xf32, #tpu.memory_space<smem>>
    return
  }
  func.func @transform_0(%arg0: i32) -> (i32, i32, i32, i32) {
    %c0_i32 = arith.constant 0 : i32
    %c0_i32_0 = arith.constant 0 : i32
    %c0_i32_1 = arith.constant 0 : i32
    %c0_i32_2 = arith.constant 0 : i32
    return %arg0, %c0_i32, %c0_i32_0, %c0_i32_1 : i32, i32, i32, i32
  }
  func.func @transform_1(%arg0: i32) -> (i32, i32, i32, i32) {
    %c0_i32 = arith.constant 0 : i32
    %c0_i32_0 = arith.constant 0 : i32
    %c0_i32_1 = arith.constant 0 : i32
    %c0_i32_2 = arith.constant 0 : i32
    return %arg0, %c0_i32, %c0_i32_0, %c0_i32_1 : i32, i32, i32, i32
  }
  func.func @transform_2(%arg0: i32) -> (i32, i32, i32) {
    %c0_i32 = arith.constant 0 : i32
    %c0_i32_0 = arith.constant 0 : i32
    %c0_i32_1 = arith.constant 0 : i32
    return %arg0, %c0_i32, %c0_i32_0 : i32, i32, i32
  }
  func.func @transform_3(%arg0: i32) -> (i32, i32, i32) {
    %c0_i32 = arith.constant 0 : i32
    %c0_i32_0 = arith.constant 0 : i32
    %c0_i32_1 = arith.constant 0 : i32
    return %arg0, %c0_i32, %c0_i32_0 : i32, i32, i32
  }
  func.func @transform_4(%arg0: i32) -> (i32, i32, i32) {
    %c0_i32 = arith.constant 0 : i32
    %c0_i32_0 = arith.constant 0 : i32
    %c0_i32_1 = arith.constant 0 : i32
    %c0_i32_2 = arith.constant 0 : i32
    return %c0_i32, %c0_i32_0, %c0_i32_1 : i32, i32, i32
  }
  func.func @transform_5(%arg0: i32) -> (i32, i32, i32) {
    %c0_i32 = arith.constant 0 : i32
    %c0_i32_0 = arith.constant 0 : i32
    %c0_i32_1 = arith.constant 0 : i32
    return %arg0, %c0_i32, %c0_i32_0 : i32, i32, i32
  }
  func.func @transform_6(%arg0: i32) -> (i32, i32, i32) {
    %c0_i32 = arith.constant 0 : i32
    %c0_i32_0 = arith.constant 0 : i32
    %c0_i32_1 = arith.constant 0 : i32
    return %arg0, %c0_i32, %c0_i32_0 : i32, i32, i32
  }
}

</mosaic_0001>

<sc_bundles>
// kernel: kernel.4.cloned.1.call-start
scs
__scs_entry_jumppad:
0x0: {  	(pc) =	sbr.rel $0x88, $3  }
0x1: {  	(tag) =	ssettag $0x0;
	lr =	simm.s32 $0x1  }
0x2: {  	[smem:$0x3F9C] =	sst lr;
	_ =	strace $0xD0000000  }
0x3: {  	_ = 	snop  }
0x4: {  	_ = 	snop  }
0x5: {  	_ = 	snop  }
0x6: {  	_ = 	snop  }
0x7: {  	_ = 	snop  }
__scs_overlays_trampoline_lowered:
0x8: {  	[smem:$0x3FAB] =	sst s0  }
0x9: {  	[smem:$0x3FAC] =	sst s1  }
0xa: {  	[smem:$0x3FAD] =	sst s2  }
0xb: {  	[smem:$0x3FAE] =	sst s3  }
0xc: {  	[smem:$0x3FAF] =	sst s4  }
0xd: {  	[smem:$0x3FB0] =	sst s5  }
0xe: {  	[smem:$0x3FB1] =	sst s6  }
0xf: {  	[smem:$0x3FB2] =	sst s7  }
0x10: {  	[smem:$0x3FB3] =	sst s8  }
0x11: {  	[smem:$0x3FB4] =	sst s9;
	s0 =	simm.s32 @!p0 $0x0  }
0x12: {  	s1 =	sld [smem:$0x3F9A];
	s0 =	simm.s32 @p0 $0x1  }
0x13: {  	[smem:$0x3FB5] =	sst s0;
	s0 =	simm.s32 @!p1 $0x0  }
0x14: {  	s2 =	sld [smem:$0x3F99];
	s0 =	simm.s32 @p1 $0x1  }
0x15: {  	[smem:$0x3FB6] =	sst s0;
	s0 =	simm.s32 @!p2 $0x0  }
0x16: {  	s3 =	sld [smem:$0x3FDB];
	s0 =	simm.s32 @p2 $0x1  }
0x17: {  	s4 =	simm.s32 $0x1BF5;
	[smem:$0x3FB8] =	sst s0  }
0x18: {  	s0 =	sld [smem:$0x3F9B];
	_ =	swait.ge [sflag:s4], $0x0  }
0x19: {  	s7 =	sld [smem:$0x3F9C]  }
0x1a: {  	s8 =	sadd.s32 $0xFFFFE003, lr  }
0x1b: {  	s9 =	sadd.s32 $0xFFFFFEF7, lr;
	s5 =	simm.s32 $0xFFFFFFFF;
	p2 =	slt.u32 s8, $0xFFFFF086  }
0x1c: {  	p1 =	slt.u32 s9, $0xF7A;
	s5 =	simm.s32 @!p2 $0x0  }
0x1d: {  	s5 =	simm.s32 @p1 $0x1;
	p0 =	seq.s32 s7, s2  }
0x1e: {  	s7 =	smul.u32 @!p0 $0xF7A, s2;
	p2 =	seq.s32 @!p0 s5, $0x0  }
0x1f: {  	s9 =	smul.u32 $0xF7A, s1;
	s8 =	simm.s32 @!p0 $0x1BF5;
	p2 =	por !p2, p0  }
0x20: {  	[sflag:s8] =	ssyncset.s32 @!p0 $0xFFFFF086;
	s6 =	sadd.s32 @!p0 s3, s7;
	s7 =	simm.s32 @!p0 $0x108  }
0x21: {  	s3 =	sadd.s32 s3, s9;
	s6 =	sadd.s32 @!p0 $0x88, s6;
	s7 =	simm.s32 @p2 $0x1082  }
0x22: {  	[simem:s7], [sflag:s8] =	dma.local @!p0 [hbm:s6], $0xF7A  }
0x23: {  	s9 =	sor.u32 $0xD0000000, s2;
	s6 =	simm.s32 $0x108;
	_ =	swait.ge @!p0 [sflag:s8], $0x0  }
0x24: {  	s3 =	sadd.s32 $0x88, s3;
	s6 =	simm.s32 @!p1 $0x1082;
	[sflag:s4] =	ssyncset.s32 $0xFFFFF086  }
0x25: {  	[simem:s6], [sflag:s4] =	dma.local [hbm:s3], $0xF7A  }
0x26: {  	[smem:$0x3F9C] =	sst s1;
	(tag) =	ssettag s2;
	_ =	strace s9  }
0x27: {  	s1 =	sld [smem:$0x3FAC]  }
0x28: {  	s2 =	sld [smem:$0x3FAD]  }
0x29: {  	s4 =	sld [smem:$0x3FAF]  }
0x2a: {  	p0 =	seq.s32 s5, $0x0;
	s5 =	sld [smem:$0x3FB0]  }
0x2b: {  	s6 =	sld [smem:$0x3FB1]  }
0x2c: {  	s7 =	sld [smem:$0x3FB2]  }
0x2d: {  	s3 =	simm.s32 $0x108;
	s8 =	sld [smem:$0x3FB3]  }
0x2e: {  	s3 =	simm.s32 @!p0 $0x1082;
	s9 =	sld [smem:$0x3FB4]  }
0x2f: {  	lr =	sadd.s32 s0, s3;
	s0 =	sld [smem:$0x3FAB]  }
0x30: {  	s3 =	sld [smem:$0x3FAE]  }
0x31: {  	[smem:$0x3FB7] =	sst s10  }
0x32: {  	s10 =	sld [smem:$0x3FB5];
	_ =	sdelay $0x3  }
0x33: {  	p0 =	seq.s32 s10, $0x1;
	s10 =	sld [smem:$0x3FB7];
	_ =	sdelay $0x3  }
0x34: {  	[smem:$0x3FB7] =	sst s10  }
0x35: {  	s10 =	sld [smem:$0x3FB6];
	_ =	sdelay $0x3  }
0x36: {  	p1 =	seq.s32 s10, $0x1;
	s10 =	sld [smem:$0x3FB7];
	_ =	sdelay $0x3  }
0x37: {  	[smem:$0x3FB7] =	sst s10  }
0x38: {  	s10 =	sld [smem:$0x3FB8]  }
0x39: {  	_ = 	snop;
	(pc) =	sbr.ind lr, $3  }
0x3a: {  	_ = 	snop  }
0x3b: {  	_ = 	snop  }
0x3c: {  	p2 =	seq.s32 s10, $0x1;
	s10 =	sld [smem:$0x3FB7]  }
0x3d: {  	_ =	shalt  }
0x3e: {  	_ =	shalt  }
0x3f: {  	_ =	shalt  }
0x40: {  	_ =	shalt  }
0x41: {  	_ =	shalt  }
0x42: {  	_ =	shalt  }
0x43: {  	_ =	shalt  }
0x44: {  	_ =	shalt  }
0x45: {  	_ =	shalt  }
0x46: {  	_ =	shalt  }
0x47: {  	_ =	shalt  }
0x48: {  	_ =	shalt  }
0x49: {  	_ =	shalt  }
0x4a: {  	_ =	shalt  }
0x4b: {  	_ =	shalt  }
0x4c: {  	_ =	shalt  }
0x4d: {  	_ =	shalt  }
0x4e: {  	_ =	shalt  }
0x4f: {  	_ =	shalt  }
0x50: {  	_ =	shalt  }
0x51: {  	_ =	shalt  }
0x52: {  	_ =	shalt  }
0x53: {  	_ =	shalt  }
0x54: {  	_ =	shalt  }
0x55: {  	_ =	shalt  }
0x56: {  	_ =	shalt  }
0x57: {  	_ =	shalt  }
0x58: {  	_ =	shalt  }
0x59: {  	_ =	shalt  }
0x5a: {  	_ =	shalt  }
0x5b: {  	_ =	shalt  }
0x5c: {  	_ =	shalt  }
0x5d: {  	_ =	shalt  }
0x5e: {  	_ =	shalt  }
0x5f: {  	_ =	shalt  }
0x60: {  	_ =	shalt  }
0x61: {  	_ =	shalt  }
0x62: {  	_ =	shalt  }
0x63: {  	_ =	shalt  }
0x64: {  	_ =	shalt  }
0x65: {  	_ =	shalt  }
0x66: {  	_ =	shalt  }
0x67: {  	_ =	shalt  }
0x68: {  	_ =	shalt  }
0x69: {  	_ =	shalt  }
0x6a: {  	_ =	shalt  }
0x6b: {  	_ =	shalt  }
0x6c: {  	_ =	shalt  }
0x6d: {  	_ =	shalt  }
0x6e: {  	_ =	shalt  }
0x6f: {  	_ =	shalt  }
0x70: {  	_ =	shalt  }
0x71: {  	_ =	shalt  }
0x72: {  	_ =	shalt  }
0x73: {  	_ =	shalt  }
0x74: {  	_ =	shalt  }
0x75: {  	_ =	shalt  }
0x76: {  	_ =	shalt  }
0x77: {  	_ =	shalt  }
0x78: {  	_ =	shalt  }
0x79: {  	_ =	shalt  }
0x7a: {  	_ =	shalt  }
0x7b: {  	_ =	shalt  }
0x7c: {  	_ =	shalt  }
0x7d: {  	_ =	shalt  }
0x7e: {  	_ =	shalt  }
0x7f: {  	_ =	shalt  }
0x80: {  	_ =	shalt  }
0x81: {  	_ =	shalt  }
0x82: {  	_ =	shalt  }
0x83: {  	_ =	shalt  }
0x84: {  	_ =	shalt  }
0x85: {  	_ =	shalt  }
0x86: {  	_ =	shalt  }
0x87: {  	_ =	shalt  }
.Lfunc_end0:
.L_simem_size_0:
called_computation_lowered:
.L_overlay_start_0:
0x88: {  	s2 =	sld [smem:$0x3FD9]  }
0x89: {  	s3 =	sld [smem:$0x3FFE];
	_ =	sdelay $0x1  }
0x8a: {  	s1 =	srdreg.scid  }
0x8b: {  	s0 =	sand.u32 $0x1, s1  }
0x8c: {  	s16 =	sshll.u32 s0, $0xA;
	s2 =	sadd.s32 s3, s2  }
0x8d: {  	s2 =	sadd.s32 s2, s16  }
0x8e: {  	[smem:$0x3FC3] =	sst s2  }
0x8f: {  	_ = 	snop  }
0x90: {  	(tm) =	ssettm $0x1  }
0x91: {  	s17 =	sld [smem:$0x3FFB];
	_ =	sdelay $0x3  }
0x92: {  	_ =	strace s17  }
0x93: {  	s2 =	sld [smem:$0x3FFC];
	_ =	sdelay $0x3  }
0x94: {  	_ =	strace s2  }
0x95: {  	s2 =	sld [smem:$0x3FFD];
	_ =	sdelay $0x3  }
0x96: {  	_ =	strace s2  }
0x97: {  	_ =	strace $0x8FFFFFFF  }
0x98: {  	s18 =	sld [smem:$0x3FDB];
	_ =	sdelay $0x1  }
0x99: {  	s19 =	simm.s32 $_scs_section_size  }
0x9a: {  	s4 =	simm.s32 $_size__tile_overlayer_lowered;
	s5 =	simm.s32 $_tile_overlayer_lowered  }
0x9b: {  	s22 =	simm.s32 $0x1BFF;
	s21 =	sshll.u32 s5, $0x1;
	s2 =	sadd.s32 s19, s18  }
0x9c: {  	s6 =	simm.s32 $0x0;
	s20 =	sshll.u32 s4, $0x1;
	s4 =	sadd.s32 s21, s2  }
0x9d: {  	[timem:s6], [sflag:s22] =	dma.local [hbm:s4], s20  }
0x9e: {  	_ =	swait.ge [sflag:s22], s20  }
0x9f: {  	s3 =	ssub.s32 $0x0, s20;
	[sflag:s22] =	ssyncset.done $0x0  }
0xa0: {  	[sflag:s22] =	ssyncadd.s32 s3;
	_ =	sdelay $0x1  }
0xa1: {  	s23 =	simm.s32 $0x1B8B  }
0xa2: {  	_ =	swait.ge [sflag:s23], $0x1  }
0xa3: {  	[sflag:s23] =	ssyncset.done $0x0  }
0xa4: {  	s25 =	simm.s32 $0x1B8E;
	s24 =	sld [smem:$0x3FFE];
	[sflag:s23] =	ssyncadd.s32 $0xFFFFFFFF  }
0xa5: {  	s26 =	simm.s32 $execute0_lowered;
	[smem:$0x3FD2] =	sst s25  }
0xa6: {  	s4 =	sshll.u32 s26, $0x1;
	_ =	strace $0x80000046;
	[dreg:$0x1] =	wrdreg $0xFFFFFFFF  }
0xa7: {  	s28 =	simm.s32 $_size_execute0_lowered;
	s2 =	sadd.s32 s2, s4;
	[dreg:$0x0] =	wrdreg $0x0  }
0xa8: {  	s4 =	sshll.u32 s28, $0x1;
	[dreg:$0x2] =	wrdreg s2  }
0xa9: {  	[dreg:$0x3] =	wrdreg s4  }
0xaa: {  	[dreg:$0x4] =	wrdreg $0xC0  }
0xab: {  	_ =	task [dreg:s6], $0x5FFFF  }
0xac: {  	[dreg:$0x1] =	wrdreg $0xFFFFFFFF  }
0xad: {  	[dreg:$0x0] =	wrdreg $0x60  }
0xae: {  	[dreg:$0x2] =	wrdreg s24  }
0xaf: {  	[dreg:$0x3] =	wrdreg $0x9  }
0xb0: {  	_ =	task.clear_ibuf [dreg:s6], $0x4FFFF;
	_ =	strace $0x90000046  }
0xb1: {  	s29 =	simm.s32 $0x9;
	_ =	strace $0x80000048  }
0xb2: {  	_ =	swait.ge [sflag:s29], $0x1  }
0xb3: {  	[sflag:s29] =	ssyncadd.s32 $0xFFFFFFFF  }
0xb4: {  	_ =	strace $0x90000048  }
0xb5: {  	_ =	sfence  }
0xb6: {  	s30 =	sld [smem:$0x0];
	_ =	sdelay $0x2  }
0xb7: {  	s31 =	sshll.u32 s1, $0xD;
	s1 =	sshrl.u32 s1, $0x2  }
0xb8: {  	s3 =	sand.u32 $0x4000, s31;
	s1 =	sadd.s32 s1, s30  }
0xb9: {  	s0 =	sor.u32 s3, s0;
	s1 =	sshll.u32 s1, $0x11  }
0xba: {  	s0 =	sor.u32 s1, s0  }
0xbb: {  	s0 =	sadd.s32 $0x8F2B, s0  }
0xbc: {  	[sflag:s0] =	ssyncadd.remote.s32 $0x1  }
0xbd: {  	_ =	sfence.sel $0xFFFF  }
0xbe: {  	[dreg:$0x0] =	wrdreg $0xFFFFFFFF;
	(pc) =	sbr.abs _section_cstart, $3  }
0xbf: {  	[dreg:$0x1] =	wrdreg $0xFFFFFFFF  }
0xc0: {  	_ =	task.clear_ibuf [dreg:s6], $0x2FFFF;
	_ =	strace $0x9FFFFFFF  }
0xc1: {  	(tm) =	ssettm $0x7FFFFFFF  }
tec
execute0_lowered:
.L_overlay_start_1:
0x0: {  	(tag) =	ssettag $0x1  }
0x1: {  	s0 =	rddreg [dreg:$0x0];
	s1 =	srdreg.scid  }
0x2: {  	s6 =	simm.s32 $0x0;
	s3 =	stileid.u32;
	s1 =	sand.u32 $0x1, s1  }
0x3: {  	s2 =	sshrl.u32 s3, $0x2;
	s3 =	sshll.u32 s3, $0x8;
	[smem:$0x7FF] =	sst s6  }
0x4: {  	s4 =	smul.u32 $0x12000, s2;
	s5 =	sshll.u32 s1, $0x7;
	s3 =	sand.u32 $0x300, s3  }
0x5: {  	_ =	strace $0x80000047;
	s1 =	ssub.s32 $0x2, s1;
	s3 =	sor.u32 s5, s3  }
0x6: {  	s2 =	sshll.u32 s2, $0xA;
	s28 =	sshrl.u32 s1, $0x1;
	s4 =	sor.u32 s4, s3  }
0x7: {  	s2 =	sor.u32 s2, s3;
	s1 =	ssub.s32 s1, s28;
	s4 =	sshrl.u32 s4, $0x3  }
0x8: {  	s2 =	sshrl.u32 s2, $0x3;
	s31 =	smax.u32 s1, $0x1;
	s26 =	sadd.s32 s4, s0  }
0x9: {  	s0 =	sadd.s32 s2, s0;
	[dreg:$0x5] =	wrdreg s31;
	s29 =	sadd.s32 $0x600, s26  }
0xa: {  	s11 =	simm.s32 $0x4800;
	s30 =	sadd.s32 $0x9600, s0;
	[dreg:$0x2] =	wrdreg s29  }
0xb: {  	v0 =	vimm.f32 $0.0e+00;
	v1 =	vimm.f32 $1.000000000e+00;
	vm0 =	vcmask $0xB10;
	s3 =	simm.s32 $0x1;
	s0 =	sadd.s32 $0x9800, s0;
	[dreg:$0x3] =	wrdreg s30  }
0xc: {  	v2 =	vlaneseq.u32;
	vm1 =	vmmov $0x1;
	vm2 =	vcmask $0x300;
	s1 =	simm.s32 $0x0;
	s4 =	simm.s32 $0x5000;
	[dreg:$0x4] =	wrdreg s0  }
.LBB2_1:
0xd: {  	[dreg:$0x6] =	wrdreg s1  }
0xe: {  	s0 =	rddreg [dreg:$0x2];
	s30 =	simm.s32 $0x80;
	s2 =	simm.s32 $0x400  }
0xf: {  	[tilespmem:s6], [sflag:$0x1] =	stream.strided.gather [hbm4b:s0+s30], $0x2400, s2, s30, $0x38;
	[tilespmem:$0x5080] =	vst v63  }
0x10: {  	_ =	swait.ge [sflag:s3], $0x2400  }
0x11: {  	[sflag:s3] =	ssyncset.done $0x0  }
0x12: {  	s31 =	rddreg [dreg:$0x3];
	[sflag:s3] =	ssyncadd.s32 $0xFFFFDC00  }
0x13: {  	[tilespmem:s4], [sflag:$0x1] =	stream.linear.gather [hbm4b:s31+s6], $0x80, $0x38;
	[tilespmem:$0x5080] =	vst v63  }
0x14: {  	_ =	swait.ge [sflag:s3], $0x80  }
0x15: {  	[sflag:s3] =	ssyncset.done $0x0  }
0x16: {  	s0 =	simm.s32 $0x0;
	[sflag:s3] =	ssyncadd.s32 $0xFFFFFF80  }
0x17: {  	v4 =	vld [tilespmem:s0+$0x0]  }
0x18: {  	s1 =	simm.s32 $0x40;
	v3 =	vld [tilespmem:$0x5000]  }
.LBB2_2:
0x19: {  	p0 =	sne.s32 s1, $0x8FC0  }
.Ltmp0:
0x1a: {  	_ = 	snop;
	(pc) =	sbr.rel @p0 .LBB2_2-.Ltmp0, $4  }
0x1b: {  	_ = 	snop  }
0x1c: {  	s2 =	sshra.s32 s1, $0x2;
	s1 =	sadd.s32 $0x40, s1;
	v5 =	vxor.u32 $0xFFFFFFFF, v4;
	v6 =	vor.u32 $0x80000000, v4;
	vm3 =	vlt.s32 v4, $0x0  }
0x1d: {  	v4 =	vld [tilespmem:s2+$0x0];
	v5 =	vsel vm3, v5, v6  }
0x1e: {  	[tilespmem:s0+$0x2400] =	vst v5;
	s0 =	smov.u32 s2  }
0x1f: {  	_ =	sdelay $0x2  }
0x20: {  	v5 =	vxor.u32 $0xFFFFFFFF, v4;
	v6 =	vor.u32 $0x80000000, v4;
	vm3 =	vlt.s32 v4, $0x0  }
0x21: {  	v4 =	vsel vm3, v5, v6  }
0x22: {  	s1 =	simm.s32 $0x0;
	[tilespmem:s0+$0x2400] =	vst v4;
	s0 =	simm.s32 $0x40  }
.LBB2_4:
0x23: {  	p0 =	seq.s32 s0, $0x1FC0;
	[tilespmem:s1+$0x4800] =	vst v0;
	s1 =	smov.u32 s0;
	s0 =	sadd.s32 $0x40, s0  }
.Ltmp1:
0x24: {  	(pc) =	sbr.rel @!p0 .LBB2_4-.Ltmp1, $2  }
0x25: {  	_ =	sdelay $0x2  }
0x26: {  	s1 =	sshra.s32 s1, $0x2  }
0x27: {  	[tilespmem:s1+$0x4800] =	vst v0;
	s1 =	simm.s32 $0x0;
	s0 =	simm.s32 $0x40  }
.LBB2_6:
0x28: {  	p0 =	seq.s32 s0, $0x8FC0;
	v4 =	vld [tilespmem:s1+$0x2400];
	_ =	sdelay $0x4  }
0x29: {  	v4 =	vshrl.u32 v4, $0x15  }
.Ltmp2:
0x2a: {  	(pc) =	sbr.rel @!p0 .LBB2_6-.Ltmp2, $2  }
0x2b: {  	_ =	sdelay $0x2  }
0x2c: {  	s1 =	sshra.s32 s0, $0x2;
	s0 =	sadd.s32 $0x40, s0;
	[tilespmem:v4+s11+$0x0] =	vst.idx.add.f32.msk $0xffff, v1  }
0x2d: {  	v4 =	vld [tilespmem:s1+$0x2400];
	_ =	sdelay $0x4  }
0x2e: {  	v4 =	vshrl.u32 v4, $0x15;
	_ =	sdelay $0x4  }
0x2f: {  	s0 =	simm.s32 $0x4FF0;
	[tilespmem:v4+s11+$0x0] =	vst.idx.add.f32.msk $0xffff, v1  }
0x30: {  	v7 =	vld [tilespmem:s0+$0x0];
	_ =	sdelay $0x2  }
0x31: {  	v3 =	vsel vm0, $0x0, v3  }
0x32: {  	(xrf2) =	vadd.scan.msk.f32 $0xffff, v3  }
0x33: {  	s21 =	simm.s32 $0x4FE0;
	(xrf2) =	vadd.scan.msk.f32 $0xffff, v7  }
0x34: {  	v13 =	vld [tilespmem:s21+$0x0];
	_ =	sdelay $0x4  }
0x35: {  	(xrf2) =	vadd.scan.msk.f32 $0xffff, v13;
	_ =	sdelay $0x2  }
0x36: {  	v3, _, _ =	vpop (xrf2)  }
0x37: {  	(v2sf) =	vpush v3, $0xF;
	v4, _, _ =	vpop (xrf2)  }
0x38: {  	(v2sf) =	vpush v4, $0xF;
	_ =	sdelay $0x1  }
0x39: {  	s22 =	simm.s32 $0x4FD0;
	v5 =	vbroadcast v4, $0xF  }
0x3a: {  	v11 =	vld [tilespmem:s22+$0x0]  }
0x3b: {  	v4 =	vsub.f32 v5, v4  }
0x3c: {  	v6, _, _ =	vpop (xrf2)  }
0x3d: {  	(v2sf) =	vpush v6, $0xF;
	v8 =	vadd.f32 v4, v7  }
0x3e: {  	s30 =	simm.f32 $0.0e+00  }
0x3f: {  	v3 =	vbroadcast v3, $0xF;
	(xrf2) =	vadd.scan.msk.f32 $0xffff, v11;
	v4 =	vadd.f32 s30, v8;
	_ =	sdelay $0x1  }
0x40: {  	vm3 =	vge.f32 v4, v3  }
0x41: {  	v4 =	vsel vm3, $0x3F800000, v0  }
0x42: {  	(xrf2) =	vadd.scan.msk.f32 $0xffff, v4;
	v4 =	vbroadcast v6, $0xF;
	_ =	sdelay $0x1  }
0x43: {  	s13 =	spop (v2sf);
	v4 =	vsub.f32 v4, v6  }
0x44: {  	s23 =	spop (v2sf)  }
0x45: {  	s19 =	sadd.f32 s23, s30  }
0x46: {  	s24 =	simm.s32 $0x4FC0  }
0x47: {  	v5 =	vld [tilespmem:s24+$0x0];
	v14 =	vadd.f32 v4, v13;
	v4, _, _ =	vpop (xrf2);
	p0 =	sge.f32 s19, s13  }
0x48: {  	v9 =	vbroadcast v4, $0xF  }
0x49: {  	p1 =	por $0x0, $0x0;
	(v2sf) =	vpush v4, $0xF;
	s19 =	smov.u32 @p0 s30  }
0x4a: {  	s25 =	spop (v2sf);
	s19 =	smov.u32 @p1 s30  }
0x4b: {  	p3 =	por $0x1, $0x1;
	s17 =	sadd.f32 s25, s19  }
0x4c: {  	s26 =	simm.s32 $0x4FB0;
	(xrf2) =	vadd.scan.msk.f32 $0xffff, v5;
	v4 =	vsub.f32 v9, v4;
	p0 =	por !p3, !p0;
	v9, _, _ =	vpop (xrf2)  }
0x4d: {  	s16 =	simm.s32 $0x0;
	v6 =	vld [tilespmem:s26+$0x0];
	p0 =	por !p0, !p0;
	v10 =	vadd.f32 s19, v14;
	(v2sf) =	vpush v9, $0xF;
	p1 =	sge.f32 s17, s13  }
0x4e: {  	s16 =	simm.s32 @p0 $0x1  }
0x4f: {  	v12 =	vadd.f32 v4, v11;
	p2 =	sne.s32 s16, $0x0;
	vm3 =	vge.f32 v10, v3;
	s17 =	smov.u32 @p1 s19  }
0x50: {  	v10 =	vsel vm3, $0x3F800000, v0;
	s17 =	smov.u32 @p2 s19  }
0x51: {  	(xrf2) =	vadd.scan.msk.f32 $0xffff, v10;
	v9 =	vadd.f32 s17, v12  }
0x52: {  	s31 =	simm.s32 $0x4FA0;
	(xrf2) =	vadd.scan.msk.f32 $0xffff, v6  }
0x53: {  	v4 =	vld [tilespmem:s31+$0x0];
	vm3 =	vge.f32 v9, v3  }
0x54: {  	v10 =	vsel vm3, $0x3F800000, v0  }
0x55: {  	(xrf2) =	vadd.scan.msk.f32 $0xffff, v10  }
0x56: {  	v9, _, _ =	vpop (xrf2)  }
0x57: {  	(v2sf) =	vpush v9, $0xF  }
0x58: {  	s1 =	spop (v2sf);
	(xrf2) =	vadd.scan.msk.f32 $0xffff, v4  }
0x59: {  	p4 =	seq.s32 s16, $0x0;
	v15 =	vbroadcast v9, $0xF;
	s18 =	sadd.f32 s1, s17  }
0x5a: {  	s0 =	simm.s32 @!p0 $0x0;
	p1 =	por !p4, !p1  }
0x5b: {  	s0 =	simm.s32 @p0 $0x1;
	p1 =	por !p1, !p1;
	v9 =	vsub.f32 v15, v9;
	p2 =	sge.f32 s18, s13;
	v10, _, _ =	vpop (xrf2)  }
0x5c: {  	[smem:$0x7FB] =	sst s0;
	s16 =	simm.s32 @p1 $0x1;
	(v2sf) =	vpush v10, $0xF;
	v10, _, _ =	vpop (xrf2);
	s2 =	spop (v2sf)  }
0x5d: {  	p3 =	sne.s32 s16, $0x0;
	v9 =	vadd.f32 v9, v5;
	s18 =	smov.u32 @p2 s17;
	(v2sf) =	vpush v10, $0xF;
	s0 =	sadd.f32 $-1.000000000e+00, s2  }
0x5e: {  	s18 =	smov.u32 @p3 s17  }
0x5f: {  	v16 =	vadd.f32 s18, v9;
	s0 =	scvt.f32.s32 s0;
	v15, _, _ =	vpop (xrf2)  }
0x60: {  	(v2sf) =	vpush v15, $0xF  }
0x61: {  	vm3 =	vge.f32 v16, v3;
	v16 =	vmov s0  }
0x62: {  	v17 =	vsel vm3, $0x3F800000, v0;
	v15, _, _ =	vpop (xrf2);
	vm3 =	veq.s32 v16, v2  }
0x63: {  	(xrf2) =	vadd.scan.msk.f32 $0xffff, v17;
	(v2sf) =	vpush v15, $0xF;
	v8 =	vnsel vm3, $0x0, v8  }
0x64: {  	(xrf2) =	vadd.scan.msk.f32 $0xffff, v8  }
0x65: {  	s15 =	simm.f32 $1.000000000e+00;
	v7 =	vnsel vm3, $0x0, v7  }
0x66: {  	s14 =	simm.s32 $0x0;
	s5 =	simm.s32 $0x4F90;
	(xrf2) =	vadd.scan.msk.f32 $0xffff, v7;
	s3 =	spop (v2sf)  }
0x67: {  	s7 =	simm.s32 $0x4F80;
	p5 =	seq.s32 s16, $0x0;
	s21 =	sadd.f32 s3, s18  }
0x68: {  	s29 =	simm.s32 $0x7C0;
	s28 =	simm.s32 $0x7B0;
	p2 =	por !p5, !p2;
	v8 =	vbroadcast v10, $0xF  }
0x69: {  	s22 =	simm.s32 $0x770;
	p2 =	por !p2, !p2;
	p3 =	sge.f32 s21, s13  }
0x6a: {  	s24 =	simm.s32 $0x790;
	s26 =	simm.s32 $0x7A0;
	s16 =	simm.s32 @p2 $0x1;
	v8 =	vsub.f32 v8, v10  }
0x6b: {  	p4 =	sne.s32 s16, $0x0;
	s4 =	spop (v2sf);
	s21 =	smov.u32 @p3 s18  }
0x6c: {  	v7 =	vld [tilespmem:s5+$0x0];
	s2 =	spop (v2sf);
	s1 =	sadd.f32 $-1.000000000e+00, s4;
	s21 =	smov.u32 @p4 s18  }
0x6d: {  	s23 =	simm.s32 $0x780;
	p6 =	seq.s32 s16, $0x0;
	v10 =	vadd.f32 v8, v6;
	v16, _, _ =	vpop (xrf2);
	s20 =	sadd.f32 s2, s21  }
0x6e: {  	p1 =	por p1, p1;
	p3 =	por !p6, !p3;
	v8, _, _ =	vpop (xrf2);
	s1 =	scvt.f32.s32 s1  }
0x6f: {  	p4 =	por !p3, !p3;
	p3 =	sge.f32 s20, s13;
	s6 =	spop (v2sf);
	(v2sf) =	vpush v8, $0xF;
	v8 =	vadd.f32 s21, v10  }
0x70: {  	s8 =	sld [smem:$0x7FB];
	p1 =	por p1, p1;
	s16 =	simm.s32 @p4 $0x1;
	(v2sf) =	vpush v16, $0xF;
	v16, _, _ =	vpop (xrf2)  }
0x71: {  	p1 =	por p1, p1;
	(xrf2) =	vadd.scan.msk.f32 $0xffff, v7;
	p5 =	sne.s32 s16, $0x0;
	s20 =	smov.u32 @p3 s21;
	(v2sf) =	vpush v16, $0xF;
	vm3 =	vge.f32 v8, v3;
	v16 =	vmov s1  }
0x72: {  	p0 =	seq.s32 s16, $0x0;
	s3 =	spop (v2sf);
	s20 =	smov.u32 @p5 s21;
	v17 =	vsel vm3, $0x3F800000, v0;
	vm3 =	veq.s32 v16, v2  }
0x73: {  	p2 =	por p2, p2;
	p3 =	por !p0, !p3;
	v8 =	vld [tilespmem:s7+$0x0];
	s25 =	sadd.f32 s3, s20;
	(xrf2) =	vadd.scan.msk.f32 $0xffff, v17;
	v14 =	vnsel vm3, $0x0, v14  }
0x74: {  	p2 =	por p2, p2;
	s0 =	sadd.s32 $0x7F0, s0;
	p5 =	por !p3, !p3;
	(xrf2) =	vadd.scan.msk.f32 $0xffff, v14  }
0x75: {  	s9 =	sadd.f32 $-1.000000000e+00, s6;
	s16 =	simm.s32 @p5 $0x1;
	p3 =	sge.f32 s25, s13;
	v14 =	vbroadcast v15, $0xF  }
0x76: {  	s1 =	sadd.s32 $0x7E0, s1;
	p6 =	seq.s32 s16, $0x0;
	p0 =	sne.s32 s16, $0x0;
	v13 =	vnsel vm3, $0x0, v13  }
0x77: {  	(xrf2) =	vadd.scan.msk.f32 $0xffff, v13;
	s25 =	smov.u32 @p3 s20;
	p3 =	por !p6, !p3;
	p6 =	seq.s32 s8, $0x1;
	v13 =	vsub.f32 v14, v15  }
0x78: {  	s7 =	simm.s32 $0x4F70;
	(xrf2) =	vadd.scan.msk.f32 $0xffff, v8;
	s25 =	smov.u32 @p0 s20;
	p0 =	por p6, p6  }
0x79: {  	s10 =	scvt.f32.s32 s9;
	p6 =	por p4, p4;
	p0 =	por p0, p0;
	v13 =	vadd.f32 v13, v4  }
0x7a: {  	p4 =	por p1, p1;
	p1 =	por p2, p2;
	p0 =	por p0, p0  }
0x7b: {  	p2 =	por p5, p5;
	p5 =	por !p3, !p3;
	v14, _, _ =	vpop (xrf2);
	p0 =	por p0, p0;
	v16 =	vadd.f32 s20, v13  }
0x7c: {  	s2 =	simm.s32 @!p2 $0x0;
	v15 =	vbroadcast v14, $0xF;
	s14 =	smov.u32 @p0 s0;
	p0 =	por p0, p0  }
0x7d: {  	p6 =	por p6, p6;
	s2 =	simm.s32 @p2 $0x1;
	(v2sf) =	vpush v14, $0xF;
	vm3 =	vge.f32 v16, v3;
	p0 =	por p0, p0;
	v16 =	vmov s10;
	v17, _, _ =	vpop (xrf2)  }
0x7e: {  	p1 =	por p1, p1;
	[smem:$0x7FC] =	sst s2;
	v15 =	vsub.f32 v15, v14;
	s2 =	simm.s32 @!p0 $0x0;
	v18 =	vsel vm3, $0x3F800000, v0;
	vm3 =	veq.s32 v16, v2;
	v14, _, _ =	vpop (xrf2)  }
0x7f: {  	s16 =	simm.s32 @p5 $0x1;
	s2 =	simm.s32 @p0 $0x1;
	s12 =	spop (v2sf);
	(v2sf) =	vpush v14, $0xF;
	v14 =	vnsel vm3, $0x0, v12  }
0x80: {  	p3 =	por p6, p6;
	s0 =	simm.s32 $0x760;
	[smem:$0x7FD] =	sst s2  }
0x81: {  	s14 =	smov.u32 @p4 s1;
	(xrf2) =	vadd.scan.msk.f32 $0xffff, v18;
	s2 =	sadd.f32 s12, s30;
	s30 =	spop (v2sf);
	v16, _, _ =	vpop (xrf2);
	v12 =	vadd.f32 v15, v7  }
0x82: {  	s1 =	sadd.s32 $0x7D0, s10;
	v15 =	vnsel vm3, $0x0, v11;
	s31 =	spop (v2sf);
	(v2sf) =	vpush v17, $0xF;
	(xrf2) =	vadd.scan.msk.f32 $0xffff, v14;
	s4 =	sadd.f32 $-1.000000000e+00, s30;
	v14, _, _ =	vpop (xrf2)  }
0x83: {  	p4 =	por p4, p4;
	s14 =	smov.u32 @p1 s1;
	v11 =	vld [tilespmem:s7+$0x0];
	s1 =	ssub.f32 s2, s31;
	(v2sf) =	vpush v16, $0xF;
	(xrf2) =	vadd.scan.msk.f32 $0xffff, v15;
	v16 =	vadd.f32 s25, v12;
	v15 =	vbroadcast v14, $0xF  }
.LBB2_8:
0x84: {  	s6 =	sld [smem:$0x7FC]  }
0x85: {  	s2 =	smov.u32 s25;
	p6 =	seq.s32 s0, $0x0;
	s5 =	smov.u32 s0  }
0x86: {  	s0 =	sadd.s32 $0xFFFFFFF0, s0;
	s3 =	smov.u32 s17;
	s17 =	smov.u32 s18  }
0x87: {  	s18 =	smov.u32 s21;
	s9 =	sld [smem:$0x7FD];
	p2 =	seq.s32 s6, $0x1  }
0x88: {  	s21 =	smov.u32 s20;
	p0 =	por p2, p2;
	p2 =	por p5, p5  }
0x89: {  	s20 =	smov.u32 s25;
	s1 =	ssub.f32 s13, s1;
	s6 =	simm.s32 @!p2 $0x0  }
0x8a: {  	s7 =	sadd.s32 $0xFFFFFFF0, s7;
	s6 =	simm.s32 @p2 $0x1;
	p2 =	seq.s32 s9, $0x1  }
0x8b: {  	s4 =	scvt.f32.s32 s4;
	(xrf2) =	vadd.scan.msk.f32 $0xffff, v11;
	[smem:$0x7FC] =	sst s6;
	s15 =	smov.u32 @p2 s1  }
0x8c: {  	p2 =	por p4, p4;
	p4 =	por p1, p1;
	p1 =	por p3, p3  }
0x8d: {  	p3 =	por p0, p0;
	p0 =	sne.s32 s16, $0x0;
	s1 =	simm.s32 @!p2 $0x0  }
0x8e: {  	vm3 =	vge.f32 v16, v3;
	s1 =	simm.s32 @p2 $0x1;
	s10 =	spop (v2sf);
	p2 =	seq.s32 s16, $0x0  }
0x8f: {  	v16 =	vsel vm3, $0x3F800000, v0;
	[smem:$0x7FD] =	sst s1;
	s1 =	sadd.s32 s4, s29;
	s29 =	smov.u32 s28  }
0x90: {  	v17, _, _ =	vpop (xrf2);
	(xrf2) =	vadd.scan.msk.f32 $0xffff, v16;
	v16 =	vmov s4;
	s28 =	smov.u32 s26;
	s26 =	smov.u32 s24;
	s25 =	sadd.f32 s10, s25  }
0x91: {  	(v2sf) =	vpush v14, $0xF;
	v15 =	vsub.f32 v15, v14;
	vm3 =	veq.s32 v16, v2;
	v18, _, _ =	vpop (xrf2);
	s24 =	smov.u32 s23;
	s23 =	smov.u32 s22;
	s12 =	spop (v2sf)  }
.Ltmp3:
0x92: {  	v16 =	vnsel vm3, $0x0, v5;
	v5 =	vmovc v6;
	v6 =	vmovc v4;
	v4 =	vmov v7;
	(v2sf) =	vpush v18, $0xF;
	s22 =	smov.u32 s5;
	p5 =	sge.f32 s25, s13;
	(pc) =	sbr.rel @!p6 .LBB2_8-.Ltmp3, $4  }
0x93: {  	v7 =	vmov v8;
	v18 =	vnsel vm3, $0x0, v9;
	v9, _, _ =	vpop (xrf2);
	(v2sf) =	vpush v17, $0xF;
	s14 =	smov.u32 @p1 s1;
	s1 =	sadd.f32 s12, s19;
	s30 =	spop (v2sf)  }
0x94: {  	(v2sf) =	vpush v9, $0xF;
	v9 =	vmovc v10;
	v10 =	vmovc v13;
	v13 =	vmov v12;
	v12 =	vadd.f32 v15, v7;
	s31 =	spop (v2sf);
	p2 =	por !p2, !p5;
	s25 =	smov.u32 @p5 s2  }
0x95: {  	(xrf2) =	vadd.scan.msk.f32 $0xffff, v18;
	s4 =	sadd.f32 $-1.000000000e+00, s30;
	v14, _, _ =	vpop (xrf2);
	p5 =	por !p2, !p2;
	s25 =	smov.u32 @p0 s2  }
0x96: {  	v8 =	vmovc v11;
	v11 =	vld [tilespmem:s7+$0x0];
	s19 =	smov.u32 s3;
	s1 =	ssub.f32 s1, s31;
	(xrf2) =	vadd.scan.msk.f32 $0xffff, v16;
	v15 =	vbroadcast v14, $0xF;
	v16 =	vadd.f32 s25, v12;
	s16 =	simm.s32 @p5 $0x1  }
0x97: {  	_ =	sdelay $0x6  }
0x98: {  	(v2sf) =	vpush v14, $0xF;
	v17, _, _ =	vpop (xrf2)  }
0x99: {  	v18, _, _ =	vpop (xrf2)  }
0x9a: {  	(v2sf) =	vpush v18, $0xF;
	_ =	sdelay $0x1  }
0x9b: {  	(v2sf) =	vpush v17, $0xF  }
0x9c: {  	(xrf2) =	vadd.scan.msk.f32 $0xffff, v11;
	_ =	sdelay $0x3  }
0x9d: {  	s0 =	spop (v2sf)  }
0x9e: {  	s5 =	sadd.f32 s0, s25;
	_ =	sdelay $0x1  }
0x9f: {  	s3 =	spop (v2sf);
	p0 =	sge.f32 s5, s13  }
0xa0: {  	p2 =	seq.s32 s16, $0x0;
	p6 =	sne.s32 s16, $0x0;
	s2 =	spop (v2sf)  }
0xa1: {  	v46, _, _ =	vpop (xrf2);
	[dreg:$0xb] =	wrdreg s3;
	s6 =	spop (v2sf);
	s5 =	smov.u32 @p0 s25  }
0xa2: {  	v47 =	vsub.f32 v15, v14;
	p0 =	por !p2, !p0;
	v48, _, _ =	vpop (xrf2);
	s5 =	smov.u32 @p6 s25;
	s3 =	spop (v2sf)  }
0xa3: {  	s7 =	scvt.f32.s32 s4;
	v49 =	vbroadcast v48, $0xF;
	p0 =	por !p0, !p0;
	s30 =	sadd.f32 s3, s5  }
0xa4: {  	v14 =	vadd.f32 v47, v8;
	s2 =	sadd.f32 $-1.000000000e+00, s2;
	s4 =	simm.s32 @!p0 $0x0;
	s8 =	spop (v2sf)  }
0xa5: {  	vm3 =	vge.f32 v16, v3;
	v50 =	vmov s7;
	s16 =	simm.s32 @p0 $0x1;
	v18 =	vsub.f32 v49, v48;
	p6 =	sge.f32 s30, s13;
	[dreg:$0xe] =	wrdreg s8  }
0xa6: {  	v19 =	vsel vm3, $0x3F800000, v0;
	vm3 =	veq.s32 v50, v2;
	v51 =	vadd.f32 s5, v14;
	s4 =	simm.s32 @p0 $0x1;
	s8 =	scvt.f32.s32 s2;
	s9 =	spop (v2sf)  }
0xa7: {  	v9 =	vnsel vm3, $0x0, v9;
	(xrf2) =	vadd.scan.msk.f32 $0xffff, v19;
	p0 =	sne.s32 s16, $0x0;
	v18 =	vadd.f32 v18, v11;
	s30 =	smov.u32 @p6 s5;
	s2 =	sadd.f32 $-1.000000000e+00, s9  }
0xa8: {  	v5 =	vnsel vm3, $0x0, v5;
	(xrf2) =	vadd.scan.msk.f32 $0xffff, v9;
	vm3 =	vge.f32 v51, v3;
	s30 =	smov.u32 @p0 s5;
	v52 =	vmov s8  }
0xa9: {  	(xrf2) =	vadd.scan.msk.f32 $0xffff, v5;
	v53 =	vsel vm3, $0x3F800000, v0;
	v54 =	vadd.f32 s30, v18;
	vm3 =	veq.s32 v52, v2;
	s31 =	scvt.f32.s32 s2  }
0xaa: {  	(xrf2) =	vadd.scan.msk.f32 $0xffff, v53;
	v55 =	vnsel vm3, $0x0, v10  }
0xab: {  	v6 =	vnsel vm3, $0x0, v6;
	vm3 =	vge.f32 v54, v3;
	(xrf2) =	vadd.scan.msk.f32 $0xffff, v55;
	v3 =	vmov s31  }
0xac: {  	v56 =	vsel vm3, $0x3F800000, v0;
	(xrf2) =	vadd.scan.msk.f32 $0xffff, v6;
	vm3 =	veq.s32 v3, v2  }
0xad: {  	(xrf2) =	vadd.scan.msk.f32 $0xffff, v56;
	v3 =	vnsel vm3, $0x0, v13  }
0xae: {  	(xrf2) =	vadd.scan.msk.f32 $0xffff, v3;
	_ =	sdelay $0x2  }
0xaf: {  	(v2sf) =	vpush v46, $0xF;
	v3, _, _ =	vpop (xrf2)  }
0xb0: {  	(v2sf) =	vpush v48, $0xF;
	v57, _, _ =	vpop (xrf2)  }
0xb1: {  	(v2sf) =	vpush v57, $0xF;
	v58, _, _ =	vpop (xrf2)  }
0xb2: {  	(v2sf) =	vpush v3, $0xF;
	v3, _, _ =	vpop (xrf2)  }
0xb3: {  	(v2sf) =	vpush v58, $0xF;
	v59, _, _ =	vpop (xrf2)  }
0xb4: {  	(v2sf) =	vpush v59, $0xF;
	v60, _, _ =	vpop (xrf2)  }
0xb5: {  	(v2sf) =	vpush v3, $0xF;
	v3, _, _ =	vpop (xrf2)  }
0xb6: {  	(v2sf) =	vpush v60, $0xF;
	v61, _, _ =	vpop (xrf2)  }
0xb7: {  	(v2sf) =	vpush v61, $0xF  }
0xb8: {  	(v2sf) =	vpush v3, $0xF;
	_ =	sdelay $0x5  }
0xb9: {  	s3 =	spop (v2sf)  }
0xba: {  	s10 =	spop (v2sf)  }
0xbb: {  	[dreg:$0x7] =	wrdreg s7;
	s7 =	spop (v2sf)  }
0xbc: {  	[dreg:$0x9] =	wrdreg s6;
	s12 =	spop (v2sf)  }
0xbd: {  	[smem:$0x7FA] =	sst s4;
	s9 =	spop (v2sf)  }
0xbe: {  	s4 =	sadd.f32 $-1.000000000e+00, s12;
	s6 =	spop (v2sf)  }
0xbf: {  	[dreg:$0xd] =	wrdreg s10;
	s0 =	spop (v2sf)  }
0xc0: {  	s10 =	scvt.f32.s32 s4;
	s12 =	spop (v2sf)  }
0xc1: {  	v3 =	vnsel vm3, $0x0, v4;
	s4 =	sadd.f32 $-1.000000000e+00, s0;
	s2 =	spop (v2sf)  }
0xc2: {  	(xrf2) =	vadd.scan.msk.f32 $0xffff, v3;
	[dreg:$0x11] =	wrdreg s2;
	s2 =	spop (v2sf)  }
0xc3: {  	s0 =	sadd.f32 $-1.000000000e+00, s2  }
0xc4: {  	s1 =	ssub.f32 s13, s1  }
0xc5: {  	s2 =	rddreg [dreg:$0xb];
	s0 =	scvt.f32.s32 s0  }
0xc6: {  	v3 =	vmov s10;
	s2 =	sadd.f32 s2, s19  }
0xc7: {  	vm3 =	veq.s32 v3, v2;
	s4 =	scvt.f32.s32 s4;
	v63 =	vmov s0;
	s19 =	smov.u32 s0;
	s0 =	rddreg [dreg:$0x9]  }
0xc8: {  	v3 =	vnsel vm3, $0x0, v12;
	s0 =	ssub.f32 s2, s0  }
0xc9: {  	(xrf2) =	vadd.scan.msk.f32 $0xffff, v3;
	v3 =	vnsel vm3, $0x0, v7;
	v62 =	vmov s4;
	s2 =	rddreg [dreg:$0xe]  }
0xca: {  	vm3 =	veq.s32 v62, v2;
	s17 =	sadd.f32 s2, s17  }
0xcb: {  	(xrf2) =	vadd.scan.msk.f32 $0xffff, v3;
	v4 =	vnsel vm3, $0x0, v14;
	s0 =	ssub.f32 s13, s0  }
0xcc: {  	v3, _, _ =	vpop (xrf2);
	(xrf2) =	vadd.scan.msk.f32 $0xffff, v4;
	s2 =	ssub.f32 s17, s3  }
0xcd: {  	(v2sf) =	vpush v3, $0xF;
	v3 =	vnsel vm3, $0x0, v8;
	vm3 =	veq.s32 v63, v2;
	s17 =	sld [smem:$0x7FD]  }
0xce: {  	(xrf2) =	vadd.scan.msk.f32 $0xffff, v3;
	v3 =	vnsel vm3, $0x0, v18;
	s3 =	sadd.f32 s7, s18  }
0xcf: {  	p1 =	por p1, p1;
	p5 =	por p5, p5;
	(xrf2) =	vadd.scan.msk.f32 $0xffff, v3;
	s7 =	sadd.f32 s6, s21  }
0xd0: {  	p2 =	por p3, p3;
	p3 =	por p5, p5;
	v3 =	vnsel vm3, $0x0, v11;
	s18 =	sld [smem:$0x7FA]  }
0xd1: {  	p3 =	por p3, p3;
	(xrf2) =	vadd.scan.msk.f32 $0xffff, v3;
	p0 =	seq.s32 s17, $0x1;
	s17 =	rddreg [dreg:$0xd]  }
0xd2: {  	p3 =	por p3, p3;
	s15 =	smov.u32 @p0 s1;
	s1 =	ssub.f32 s13, s2  }
0xd3: {  	v3, _, _ =	vpop (xrf2);
	p0 =	por p4, p4;
	p4 =	seq.s32 s16, $0x0;
	s2 =	sld [smem:$0x7FC]  }
0xd4: {  	(v2sf) =	vpush v3, $0xF;
	s6 =	sadd.f32 s17, s30;
	s15 =	smov.u32 @p0 s0;
	p0 =	por p1, p1  }
0xd5: {  	v3, _, _ =	vpop (xrf2);
	p6 =	por !p4, !p6;
	s15 =	smov.u32 @p0 s1;
	s1 =	rddreg [dreg:$0x7]  }
0xd6: {  	(v2sf) =	vpush v3, $0xF;
	v3, _, _ =	vpop (xrf2);
	p1 =	por !p6, !p6;
	p6 =	seq.s32 s18, $0x1;
	p5 =	sge.f32 s6, s13  }
0xd7: {  	s0 =	sadd.s32 s1, s29;
	p4 =	seq.s32 s2, $0x1;
	(v2sf) =	vpush v3, $0xF;
	s1 =	sadd.s32 s31, s26  }
0xd8: {  	v3, _, _ =	vpop (xrf2);
	s2 =	ssub.f32 s7, s12;
	s16 =	simm.s32 @p1 $0x1;
	p1 =	por p1, p1  }
0xd9: {  	s14 =	smov.u32 @p2 s0;
	s0 =	sadd.s32 s8, s28;
	p0 =	por p4, p4;
	(v2sf) =	vpush v3, $0xF;
	v3, _, _ =	vpop (xrf2)  }
0xda: {  	s8 =	ssub.f32 s3, s9;
	p2 =	por p2, p2;
	p0 =	por p0, p0;
	(v2sf) =	vpush v3, $0xF  }
0xdb: {  	s9 =	rddreg [dreg:$0x11];
	p4 =	por p6, p6;
	p0 =	por p0, p0;
	v3, _, _ =	vpop (xrf2)  }
0xdc: {  	p6 =	seq.s32 s16, $0x0;
	s14 =	smov.u32 @p0 s0;
	s12 =	spop (v2sf);
	(v2sf) =	vpush v3, $0xF  }
0xdd: {  	p1 =	por p1, p1;
	s14 =	smov.u32 @p3 s1;
	s1 =	sadd.f32 s9, s20  }
0xde: {  	s3 =	sadd.s32 s4, s23;
	p1 =	por p1, p1;
	s0 =	ssub.f32 s13, s8  }
0xdf: {  	p2 =	por p2, p2;
	p1 =	por p1, p1;
	s20 =	ssub.f32 s1, s12  }
0xe0: {  	p0 =	por p0, p0;
	p3 =	por p3, p3;
	s1 =	ssub.f32 s13, s2  }
0xe1: {  	p0 =	por p0, p0;
	s15 =	smov.u32 @p2 s0;
	p3 =	por p3, p3  }
0xe2: {  	s2 =	sadd.s32 s10, s24;
	s0 =	ssub.f32 s13, s20;
	s15 =	smov.u32 @p0 s1  }
0xe3: {  	p0 =	por !p6, !p5;
	p5 =	por p4, p4;
	s21 =	spop (v2sf)  }
0xe4: {  	p0 =	por !p0, !p0;
	s15 =	smov.u32 @p3 s0;
	s0 =	sadd.f32 s21, s25  }
0xe5: {  	p2 =	por p5, p5;
	p0 =	por p0, p0;
	s25 =	spop (v2sf)  }
0xe6: {  	p2 =	por p2, p2;
	s0 =	ssub.f32 s0, s25;
	s26 =	spop (v2sf)  }
0xe7: {  	s14 =	smov.u32 @p2 s2;
	p0 =	por p0, p0;
	s1 =	sadd.f32 s26, s5  }
0xe8: {  	p2 =	por p2, p2;
	s0 =	ssub.f32 s13, s0;
	s28 =	spop (v2sf)  }
0xe9: {  	s14 =	smov.u32 @p1 s3;
	s29 =	spop (v2sf);
	s1 =	ssub.f32 s1, s28  }
0xea: {  	p0 =	por p0, p0;
	p2 =	por p2, p2;
	s30 =	sadd.f32 s29, s30  }
0xeb: {  	s15 =	smov.u32 @p2 s0;
	s31 =	spop (v2sf);
	s0 =	ssub.f32 s13, s1  }
0xec: {  	p1 =	por p1, p1;
	p0 =	por p0, p0;
	s2 =	ssub.f32 s30, s31  }
0xed: {  	p1 =	por p1, p1;
	p6 =	por p0, p0  }
0xee: {  	s15 =	smov.u32 @p1 s0;
	s0 =	sadd.s32 s19, s22;
	s1 =	ssub.f32 s13, s2  }
0xef: {  	p1 =	por p6, p6;
	s14 =	smov.u32 @p0 s0  }
0xf0: {  	s0 =	simm.s32 $0x40;
	s15 =	smov.u32 @p1 s1;
	s1 =	simm.s32 $0x0  }
.LBB2_10:
0xf1: {  	p0 =	seq.s32 s0, $0x1FC0;
	[tilespmem:s1+$0x4800] =	vst v0;
	s1 =	smov.u32 s0;
	s0 =	sadd.s32 $0x40, s0  }
.Ltmp4:
0xf2: {  	(pc) =	sbr.rel @!p0 .LBB2_10-.Ltmp4, $2  }
0xf3: {  	_ =	sdelay $0x2  }
0xf4: {  	s1 =	sshra.s32 s1, $0x2  }
0xf5: {  	[tilespmem:s1+$0x4800] =	vst v0;
	v3 =	vmov s14;
	s1 =	simm.s32 $0x0;
	s0 =	simm.s32 $0x40  }
.LBB2_12:
0xf6: {  	p0 =	seq.s32 s0, $0x8FC0;
	v4 =	vld [tilespmem:s1+$0x2400];
	_ =	sdelay $0x4  }
0xf7: {  	v5 =	vshrl.u32 v4, $0x15  }
0xf8: {  	v4 =	vshrl.u32 v4, $0xA;
	vm3 =	veq.s32 v5, v3  }
0xf9: {  	v4 =	vand.u32 $0x7FF, v4  }
.Ltmp5:
0xfa: {  	(pc) =	sbr.rel @!p0 .LBB2_12-.Ltmp5, $2  }
0xfb: {  	_ =	sdelay $0x2  }
0xfc: {  	s1 =	sshra.s32 s0, $0x2;
	s0 =	sadd.s32 $0x40, s0;
	[tilespmem:v4+s11+$0x0] =	vst.idx.add.f32.msk vm3, v1  }
0xfd: {  	v4 =	vld [tilespmem:s1+$0x2400];
	_ =	sdelay $0x4  }
0xfe: {  	v5 =	vshrl.u32 v4, $0x15  }
0xff: {  	v4 =	vshrl.u32 v4, $0xA;
	vm3 =	veq.s32 v5, v3  }
0x100: {  	v3 =	vand.u32 $0x7FF, v4;
	_ =	sdelay $0x4  }
0x101: {  	s23 =	simm.s32 $0x4FF0;
	[tilespmem:v3+s11+$0x0] =	vst.idx.add.f32.msk vm3, v1  }
0x102: {  	v7 =	vld [tilespmem:s23+$0x0];
	_ =	sdelay $0x4  }
0x103: {  	s24 =	simm.s32 $0x4FE0;
	(xrf2) =	vadd.scan.msk.f32 $0xffff, v7  }
0x104: {  	v13 =	vld [tilespmem:s24+$0x0];
	_ =	sdelay $0x4  }
0x105: {  	(xrf2) =	vadd.scan.msk.f32 $0xffff, v13;
	_ =	sdelay $0x3  }
0x106: {  	v4, _, _ =	vpop (xrf2)  }
0x107: {  	(v2sf) =	vpush v4, $0xF;
	_ =	sdelay $0x1  }
0x108: {  	s25 =	simm.s32 $0x4FD0;
	v5 =	vbroadcast v4, $0xF  }
0x109: {  	v11 =	vld [tilespmem:s25+$0x0]  }
0x10a: {  	v4 =	vsub.f32 v5, v4  }
0x10b: {  	v6, _, _ =	vpop (xrf2)  }
0x10c: {  	(v2sf) =	vpush v6, $0xF;
	v8 =	vadd.f32 v4, v7  }
0x10d: {  	s0 =	simm.f32 $0.0e+00  }
0x10e: {  	(xrf2) =	vadd.scan.msk.f32 $0xffff, v11;
	v4 =	vadd.f32 s0, v8  }
0x10f: {  	v3 =	vmov s15  }
0x110: {  	vm3 =	vge.f32 v4, v3  }
0x111: {  	v4 =	vsel vm3, $0x3F800000, v0  }
0x112: {  	(xrf2) =	vadd.scan.msk.f32 $0xffff, v4;
	v4 =	vbroadcast v6, $0xF;
	_ =	sdelay $0x1  }
0x113: {  	v4 =	vsub.f32 v4, v6  }
0x114: {  	s26 =	spop (v2sf)  }
0x115: {  	s21 =	sadd.f32 s26, s0  }
0x116: {  	s2 =	simm.s32 $0x4FC0  }
0x117: {  	v5 =	vld [tilespmem:s2+$0x0];
	v14 =	vadd.f32 v4, v13;
	v4, _, _ =	vpop (xrf2);
	p0 =	sge.f32 s21, s15  }
0x118: {  	v9 =	vbroadcast v4, $0xF  }
0x119: {  	p1 =	por $0x0, $0x0;
	(v2sf) =	vpush v4, $0xF;
	s21 =	smov.u32 @p0 s0  }
0x11a: {  	s3 =	spop (v2sf);
	s21 =	smov.u32 @p1 s0  }
0x11b: {  	p3 =	por $0x1, $0x1;
	s19 =	sadd.f32 s3, s21  }
0x11c: {  	s4 =	simm.s32 $0x4FB0;
	(xrf2) =	vadd.scan.msk.f32 $0xffff, v5;
	v4 =	vsub.f32 v9, v4;
	p0 =	por !p3, !p0;
	v9, _, _ =	vpop (xrf2)  }
0x11d: {  	s18 =	simm.s32 $0x0;
	v6 =	vld [tilespmem:s4+$0x0];
	p0 =	por !p0, !p0;
	v10 =	vadd.f32 s21, v14;
	(v2sf) =	vpush v9, $0xF;
	p1 =	sge.f32 s19, s15  }
0x11e: {  	s18 =	simm.s32 @p0 $0x1  }
0x11f: {  	v12 =	vadd.f32 v4, v11;
	p2 =	sne.s32 s18, $0x0;
	vm3 =	vge.f32 v10, v3;
	s19 =	smov.u32 @p1 s21  }
0x120: {  	v10 =	vsel vm3, $0x3F800000, v0;
	s19 =	smov.u32 @p2 s21  }
0x121: {  	(xrf2) =	vadd.scan.msk.f32 $0xffff, v10;
	v9 =	vadd.f32 s19, v12  }
0x122: {  	s5 =	simm.s32 $0x4FA0;
	(xrf2) =	vadd.scan.msk.f32 $0xffff, v6  }
0x123: {  	v4 =	vld [tilespmem:s5+$0x0];
	vm3 =	vge.f32 v9, v3  }
0x124: {  	v10 =	vsel vm3, $0x3F800000, v0  }
0x125: {  	(xrf2) =	vadd.scan.msk.f32 $0xffff, v10  }
0x126: {  	v9, _, _ =	vpop (xrf2)  }
0x127: {  	(v2sf) =	vpush v9, $0xF  }
0x128: {  	s6 =	spop (v2sf);
	(xrf2) =	vadd.scan.msk.f32 $0xffff, v4  }
0x129: {  	p4 =	seq.s32 s18, $0x0;
	v15 =	vbroadcast v9, $0xF;
	s20 =	sadd.f32 s6, s19  }
0x12a: {  	s1 =	simm.s32 @!p0 $0x0;
	p1 =	por !p4, !p1  }
0x12b: {  	s1 =	simm.s32 @p0 $0x1;
	p1 =	por !p1, !p1;
	v9 =	vsub.f32 v15, v9;
	p2 =	sge.f32 s20, s15;
	v10, _, _ =	vpop (xrf2)  }
0x12c: {  	[smem:$0x7F7] =	sst s1;
	s18 =	simm.s32 @p1 $0x1;
	(v2sf) =	vpush v10, $0xF;
	v10, _, _ =	vpop (xrf2);
	s7 =	spop (v2sf)  }
0x12d: {  	p3 =	sne.s32 s18, $0x0;
	v9 =	vadd.f32 v9, v5;
	s20 =	smov.u32 @p2 s19;
	(v2sf) =	vpush v10, $0xF;
	s1 =	sadd.f32 $-1.000000000e+00, s7  }
0x12e: {  	s20 =	smov.u32 @p3 s19  }
0x12f: {  	v16 =	vadd.f32 s20, v9;
	s1 =	scvt.f32.s32 s1;
	v15, _, _ =	vpop (xrf2)  }
0x130: {  	(v2sf) =	vpush v15, $0xF  }
0x131: {  	vm3 =	vge.f32 v16, v3;
	v16 =	vmov s1  }
0x132: {  	v17 =	vsel vm3, $0x3F800000, v0;
	v15, _, _ =	vpop (xrf2);
	vm3 =	veq.s32 v16, v2  }
0x133: {  	(xrf2) =	vadd.scan.msk.f32 $0xffff, v17;
	(v2sf) =	vpush v15, $0xF;
	v8 =	vnsel vm3, $0x0, v8  }
0x134: {  	(xrf2) =	vadd.scan.msk.f32 $0xffff, v8  }
0x135: {  	s17 =	simm.f32 $1.000000000e+00;
	v7 =	vnsel vm3, $0x0, v7  }
0x136: {  	s16 =	simm.s32 $0x0;
	s10 =	simm.s32 $0x4F90;
	(xrf2) =	vadd.scan.msk.f32 $0xffff, v7;
	s8 =	spop (v2sf)  }
0x137: {  	s31 =	simm.s32 $0x7C0;
	p5 =	seq.s32 s18, $0x0;
	s23 =	sadd.f32 s8, s20  }
0x138: {  	s30 =	simm.s32 $0x7B0;
	s29 =	simm.s32 $0x7A0;
	p2 =	por !p5, !p2;
	v8 =	vbroadcast v10, $0xF  }
0x139: {  	s25 =	simm.s32 $0x780;
	p2 =	por !p2, !p2;
	p3 =	sge.f32 s23, s15  }
0x13a: {  	s24 =	simm.s32 $0x770;
	s26 =	simm.s32 $0x790;
	s18 =	simm.s32 @p2 $0x1;
	v8 =	vsub.f32 v8, v10  }
0x13b: {  	p4 =	sne.s32 s18, $0x0;
	s9 =	spop (v2sf);
	s23 =	smov.u32 @p3 s20  }
0x13c: {  	v7 =	vld [tilespmem:s10+$0x0];
	s3 =	spop (v2sf);
	s2 =	sadd.f32 $-1.000000000e+00, s9;
	s23 =	smov.u32 @p4 s20  }
0x13d: {  	p1 =	por p1, p1;
	p6 =	seq.s32 s18, $0x0;
	v10 =	vadd.f32 v8, v6;
	v16, _, _ =	vpop (xrf2);
	s22 =	sadd.f32 s3, s23  }
0x13e: {  	p1 =	por p1, p1;
	p3 =	por !p6, !p3;
	v8, _, _ =	vpop (xrf2);
	s2 =	scvt.f32.s32 s2  }
0x13f: {  	p4 =	por !p3, !p3;
	p3 =	sge.f32 s22, s15;
	s12 =	spop (v2sf);
	(v2sf) =	vpush v8, $0xF;
	v8 =	vadd.f32 s23, v10  }
0x140: {  	s5 =	simm.s32 $0x4F80;
	p1 =	por p1, p1;
	s18 =	simm.s32 @p4 $0x1;
	(v2sf) =	vpush v16, $0xF;
	v16, _, _ =	vpop (xrf2)  }
0x141: {  	s6 =	sld [smem:$0x7F7];
	(xrf2) =	vadd.scan.msk.f32 $0xffff, v7;
	p5 =	sne.s32 s18, $0x0;
	s22 =	smov.u32 @p3 s23;
	(v2sf) =	vpush v16, $0xF;
	vm3 =	vge.f32 v8, v3;
	v16 =	vmov s2  }
0x142: {  	p0 =	seq.s32 s18, $0x0;
	s4 =	spop (v2sf);
	s22 =	smov.u32 @p5 s23;
	v17 =	vsel vm3, $0x3F800000, v0;
	vm3 =	veq.s32 v16, v2  }
0x143: {  	p2 =	por p2, p2;
	p3 =	por !p0, !p3;
	v8 =	vld [tilespmem:s5+$0x0];
	s28 =	sadd.f32 s4, s22;
	(xrf2) =	vadd.scan.msk.f32 $0xffff, v17;
	v14 =	vnsel vm3, $0x0, v14  }
0x144: {  	p2 =	por p2, p2;
	s1 =	sadd.s32 $0x7F0, s1;
	p5 =	por !p3, !p3;
	(xrf2) =	vadd.scan.msk.f32 $0xffff, v14  }
0x145: {  	s7 =	sadd.f32 $-1.000000000e+00, s12;
	s18 =	simm.s32 @p5 $0x1;
	p3 =	sge.f32 s28, s15;
	v14 =	vbroadcast v15, $0xF  }
0x146: {  	s2 =	sadd.s32 $0x7E0, s2;
	p6 =	seq.s32 s18, $0x0;
	p0 =	sne.s32 s18, $0x0;
	v13 =	vnsel vm3, $0x0, v13  }
0x147: {  	(xrf2) =	vadd.scan.msk.f32 $0xffff, v13;
	s28 =	smov.u32 @p3 s22;
	p3 =	por !p6, !p3;
	p6 =	seq.s32 s6, $0x1;
	v13 =	vsub.f32 v14, v15  }
0x148: {  	s8 =	scvt.f32.s32 s7;
	(xrf2) =	vadd.scan.msk.f32 $0xffff, v8;
	s28 =	smov.u32 @p0 s22;
	p0 =	por p6, p6  }
0x149: {  	p6 =	por p4, p4;
	p4 =	por p1, p1;
	p0 =	por p0, p0;
	v13 =	vadd.f32 v13, v4  }
0x14a: {  	p1 =	por p2, p2;
	p2 =	por p5, p5;
	p0 =	por p0, p0  }
0x14b: {  	p5 =	por !p3, !p3;
	v14, _, _ =	vpop (xrf2);
	p6 =	por p6, p6;
	p0 =	por p0, p0;
	v16 =	vadd.f32 s22, v13  }
0x14c: {  	s3 =	simm.s32 @!p2 $0x0;
	v15 =	vbroadcast v14, $0xF;
	s16 =	smov.u32 @p0 s1;
	p0 =	por p0, p0  }
0x14d: {  	p1 =	por p1, p1;
	s3 =	simm.s32 @p2 $0x1;
	(v2sf) =	vpush v14, $0xF;
	vm3 =	vge.f32 v16, v3;
	p0 =	por p0, p0;
	v16 =	vmov s8;
	v17, _, _ =	vpop (xrf2)  }
0x14e: {  	s18 =	simm.s32 @p5 $0x1;
	[smem:$0x7F8] =	sst s3;
	v15 =	vsub.f32 v15, v14;
	s3 =	simm.s32 @!p0 $0x0;
	v18 =	vsel vm3, $0x3F800000, v0;
	vm3 =	veq.s32 v16, v2;
	v14, _, _ =	vpop (xrf2)  }
0x14f: {  	p3 =	por p6, p6;
	s3 =	simm.s32 @p0 $0x1;
	s9 =	spop (v2sf);
	(v2sf) =	vpush v14, $0xF;
	v14 =	vnsel vm3, $0x0, v12  }
0x150: {  	s1 =	simm.s32 $0x760;
	s16 =	smov.u32 @p4 s2;
	(xrf2) =	vadd.scan.msk.f32 $0xffff, v18;
	[smem:$0x7F9] =	sst s3  }
0x151: {  	s2 =	sadd.s32 $0x7D0, s8;
	s3 =	sadd.f32 s9, s0;
	s10 =	spop (v2sf);
	v16, _, _ =	vpop (xrf2);
	v12 =	vadd.f32 v15, v7  }
0x152: {  	v15 =	vnsel vm3, $0x0, v11;
	s0 =	simm.s32 $0x4F70;
	s12 =	spop (v2sf);
	(v2sf) =	vpush v17, $0xF;
	(xrf2) =	vadd.scan.msk.f32 $0xffff, v14;
	s4 =	sadd.f32 $-1.000000000e+00, s10;
	v14, _, _ =	vpop (xrf2)  }
0x153: {  	p4 =	por p4, p4;
	s16 =	smov.u32 @p1 s2;
	v11 =	vld [tilespmem:s0+$0x0];
	s7 =	ssub.f32 s3, s12;
	(v2sf) =	vpush v16, $0xF;
	(xrf2) =	vadd.scan.msk.f32 $0xffff, v15;
	v16 =	vadd.f32 s28, v12;
	v15 =	vbroadcast v14, $0xF  }
.LBB2_14:
0x154: {  	s2 =	smov.u32 s28  }
0x155: {  	s3 =	smov.u32 s19;
	s19 =	smov.u32 s20;
	s20 =	sld [smem:$0x7F8]  }
0x156: {  	p6 =	seq.s32 s1, $0x0;
	s6 =	smov.u32 s1;
	s8 =	sld [smem:$0x7F9]  }
0x157: {  	s1 =	sadd.s32 $0xFFFFFFF0, s1;
	s0 =	sadd.s32 $0xFFFFFFF0, s0;
	s5 =	ssub.f32 s15, s7  }
0x158: {  	vm3 =	vge.f32 v16, v3;
	s4 =	scvt.f32.s32 s4;
	p2 =	seq.s32 s20, $0x1;
	s20 =	smov.u32 s23  }
0x159: {  	v16 =	vsel vm3, $0x3F800000, v0;
	s23 =	smov.u32 s22;
	(xrf2) =	vadd.scan.msk.f32 $0xffff, v11;
	p0 =	por p2, p2;
	p2 =	por p5, p5  }
0x15a: {  	s22 =	smov.u32 s28;
	v17, _, _ =	vpop (xrf2);
	s7 =	simm.s32 @!p2 $0x0;
	(xrf2) =	vadd.scan.msk.f32 $0xffff, v16;
	v16 =	vmov s4;
	s4 =	sadd.s32 s4, s31  }
0x15b: {  	s31 =	smov.u32 s30;
	s30 =	smov.u32 s29;
	s29 =	smov.u32 s26  }
0x15c: {  	s26 =	smov.u32 s25;
	s25 =	smov.u32 s24;
	s7 =	simm.s32 @p2 $0x1  }
0x15d: {  	s24 =	smov.u32 s6;
	p2 =	seq.s32 s8, $0x1;
	[smem:$0x7F8] =	sst s7  }
0x15e: {  	s17 =	smov.u32 @p2 s5;
	p2 =	por p4, p4;
	p4 =	por p1, p1  }
0x15f: {  	p1 =	por p3, p3;
	s5 =	simm.s32 @!p2 $0x0;
	s9 =	spop (v2sf)  }
0x160: {  	p3 =	por p0, p0;
	s5 =	simm.s32 @p2 $0x1;
	s28 =	sadd.f32 s9, s28  }
0x161: {  	(v2sf) =	vpush v14, $0xF;
	v15 =	vsub.f32 v15, v14;
	vm3 =	veq.s32 v16, v2;
	p0 =	sne.s32 s18, $0x0;
	v18, _, _ =	vpop (xrf2);
	[smem:$0x7F9] =	sst s5;
	s10 =	spop (v2sf)  }
.Ltmp6:
0x162: {  	v16 =	vnsel vm3, $0x0, v5;
	v5 =	vmovc v6;
	v6 =	vmovc v4;
	v4 =	vmov v7;
	s16 =	smov.u32 @p1 s4;
	(v2sf) =	vpush v18, $0xF;
	p5 =	sge.f32 s28, s15;
	(pc) =	sbr.rel @!p6 .LBB2_14-.Ltmp6, $4  }
0x163: {  	v7 =	vmov v8;
	v18 =	vnsel vm3, $0x0, v9;
	v9, _, _ =	vpop (xrf2);
	p2 =	seq.s32 s18, $0x0;
	(v2sf) =	vpush v17, $0xF;
	s4 =	sadd.f32 s10, s21;
	s12 =	spop (v2sf)  }
0x164: {  	(v2sf) =	vpush v9, $0xF;
	v9 =	vmovc v10;
	v10 =	vmovc v13;
	v13 =	vmov v12;
	v12 =	vadd.f32 v15, v7;
	s21 =	spop (v2sf);
	p2 =	por !p2, !p5;
	s28 =	smov.u32 @p5 s2  }
0x165: {  	(xrf2) =	vadd.scan.msk.f32 $0xffff, v18;
	s7 =	ssub.f32 s4, s21;
	v14, _, _ =	vpop (xrf2);
	p5 =	por !p2, !p2;
	s28 =	smov.u32 @p0 s2  }
0x166: {  	v8 =	vmovc v11;
	v11 =	vld [tilespmem:s0+$0x0];
	s4 =	sadd.f32 $-1.000000000e+00, s12;
	s21 =	smov.u32 s3;
	(xrf2) =	vadd.scan.msk.f32 $0xffff, v16;
	v15 =	vbroadcast v14, $0xF;
	v16 =	vadd.f32 s28, v12;
	s18 =	simm.s32 @p5 $0x1  }
0x167: {  	_ =	sdelay $0x5  }
0x168: {  	(v2sf) =	vpush v14, $0xF  }
0x169: {  	v17, _, _ =	vpop (xrf2)  }
0x16a: {  	v18, _, _ =	vpop (xrf2)  }
0x16b: {  	(v2sf) =	vpush v18, $0xF  }
0x16c: {  	(v2sf) =	vpush v17, $0xF  }
0x16d: {  	(xrf2) =	vadd.scan.msk.f32 $0xffff, v11;
	_ =	sdelay $0x2  }
0x16e: {  	s0 =	spop (v2sf)  }
0x16f: {  	s3 =	sadd.f32 s0, s28  }
0x170: {  	s9 =	spop (v2sf)  }
0x171: {  	s2 =	spop (v2sf);
	p0 =	sge.f32 s3, s15  }
0x172: {  	p2 =	seq.s32 s18, $0x0;
	p6 =	sne.s32 s18, $0x0;
	s10 =	spop (v2sf)  }
0x173: {  	s2 =	sadd.f32 $-1.000000000e+00, s2;
	s3 =	smov.u32 @p0 s28;
	p0 =	por !p2, !p0  }
0x174: {  	s12 =	scvt.f32.s32 s4;
	v46, _, _ =	vpop (xrf2);
	[dreg:$0xa] =	wrdreg s10;
	p0 =	por !p0, !p0  }
0x175: {  	v47 =	vsub.f32 v15, v14;
	v48, _, _ =	vpop (xrf2);
	s3 =	smov.u32 @p6 s28;
	s1 =	spop (v2sf);
	s4 =	simm.s32 @!p0 $0x0  }
0x176: {  	v49 =	vbroadcast v48, $0xF;
	s8 =	sadd.f32 s1, s3;
	s4 =	simm.s32 @p0 $0x1  }
0x177: {  	v14 =	vadd.f32 v47, v8;
	[smem:$0x7F6] =	sst s4  }
0x178: {  	vm3 =	vge.f32 v16, v3;
	v50 =	vmov s12;
	v18 =	vsub.f32 v49, v48;
	p6 =	sge.f32 s8, s15;
	s4 =	spop (v2sf)  }
0x179: {  	v19 =	vsel vm3, $0x3F800000, v0;
	vm3 =	veq.s32 v50, v2;
	s10 =	scvt.f32.s32 s2;
	s18 =	simm.s32 @p0 $0x1;
	v51 =	vadd.f32 s3, v14;
	s5 =	spop (v2sf)  }
0x17a: {  	(xrf2) =	vadd.scan.msk.f32 $0xffff, v19;
	v9 =	vnsel vm3, $0x0, v9;
	p0 =	sne.s32 s18, $0x0;
	v18 =	vadd.f32 v18, v11;
	s8 =	smov.u32 @p6 s3;
	s2 =	sadd.f32 $-1.000000000e+00, s5  }
0x17b: {  	v5 =	vnsel vm3, $0x0, v5;
	(xrf2) =	vadd.scan.msk.f32 $0xffff, v9;
	v52 =	vmov s10;
	vm3 =	vge.f32 v51, v3;
	s8 =	smov.u32 @p0 s3  }
0x17c: {  	(xrf2) =	vadd.scan.msk.f32 $0xffff, v5;
	[dreg:$0xc] =	wrdreg s9;
	v53 =	vsel vm3, $0x3F800000, v0;
	vm3 =	veq.s32 v52, v2;
	v54 =	vadd.f32 s8, v18;
	s9 =	scvt.f32.s32 s2  }
0x17d: {  	(xrf2) =	vadd.scan.msk.f32 $0xffff, v53;
	v55 =	vnsel vm3, $0x0, v10  }
0x17e: {  	v6 =	vnsel vm3, $0x0, v6;
	(xrf2) =	vadd.scan.msk.f32 $0xffff, v55;
	vm3 =	vge.f32 v54, v3;
	v3 =	vmov s9  }
0x17f: {  	(xrf2) =	vadd.scan.msk.f32 $0xffff, v6;
	v56 =	vsel vm3, $0x3F800000, v0;
	vm3 =	veq.s32 v3, v2  }
0x180: {  	(xrf2) =	vadd.scan.msk.f32 $0xffff, v56;
	v3 =	vnsel vm3, $0x0, v13  }
0x181: {  	(xrf2) =	vadd.scan.msk.f32 $0xffff, v3;
	_ =	sdelay $0x2  }
0x182: {  	(v2sf) =	vpush v46, $0xF;
	v3, _, _ =	vpop (xrf2)  }
0x183: {  	(v2sf) =	vpush v48, $0xF;
	v57, _, _ =	vpop (xrf2)  }
0x184: {  	(v2sf) =	vpush v57, $0xF;
	v58, _, _ =	vpop (xrf2)  }
0x185: {  	(v2sf) =	vpush v3, $0xF;
	v3, _, _ =	vpop (xrf2)  }
0x186: {  	(v2sf) =	vpush v58, $0xF;
	v59, _, _ =	vpop (xrf2)  }
0x187: {  	(v2sf) =	vpush v59, $0xF;
	v60, _, _ =	vpop (xrf2)  }
0x188: {  	(v2sf) =	vpush v3, $0xF;
	v3, _, _ =	vpop (xrf2)  }
0x189: {  	(v2sf) =	vpush v60, $0xF;
	v61, _, _ =	vpop (xrf2)  }
0x18a: {  	(v2sf) =	vpush v61, $0xF  }
0x18b: {  	(v2sf) =	vpush v3, $0xF;
	_ =	sdelay $0x5  }
0x18c: {  	s2 =	spop (v2sf)  }
0x18d: {  	[dreg:$0x8] =	wrdreg s12;
	s6 =	spop (v2sf)  }
0x18e: {  	[dreg:$0x10] =	wrdreg s4;
	s5 =	spop (v2sf)  }
0x18f: {  	[dreg:$0xf] =	wrdreg s6;
	s6 =	spop (v2sf)  }
0x190: {  	s6 =	sadd.f32 $-1.000000000e+00, s6;
	s12 =	spop (v2sf)  }
0x191: {  	[dreg:$0x14] =	wrdreg s12;
	s4 =	spop (v2sf)  }
0x192: {  	s12 =	scvt.f32.s32 s6;
	s6 =	spop (v2sf)  }
0x193: {  	s7 =	ssub.f32 s15, s7;
	s1 =	spop (v2sf)  }
0x194: {  	v3 =	vnsel vm3, $0x0, v4;
	[dreg:$0x13] =	wrdreg s1;
	s1 =	spop (v2sf)  }
0x195: {  	(xrf2) =	vadd.scan.msk.f32 $0xffff, v3;
	[dreg:$0x12] =	wrdreg s1;
	s1 =	spop (v2sf)  }
0x196: {  	s0 =	sadd.f32 $-1.000000000e+00, s1  }
0x197: {  	s6 =	sadd.f32 $-1.000000000e+00, s6  }
0x198: {  	s1 =	rddreg [dreg:$0xc];
	s0 =	scvt.f32.s32 s0  }
0x199: {  	v3 =	vmov s12;
	s1 =	sadd.f32 s1, s21  }
0x19a: {  	vm3 =	veq.s32 v3, v2;
	s6 =	scvt.f32.s32 s6;
	v63 =	vmov s0;
	s21 =	smov.u32 s0;
	s0 =	rddreg [dreg:$0xa]  }
0x19b: {  	v3 =	vnsel vm3, $0x0, v12;
	s0 =	ssub.f32 s1, s0  }
0x19c: {  	(xrf2) =	vadd.scan.msk.f32 $0xffff, v3;
	v3 =	vnsel vm3, $0x0, v7;
	v62 =	vmov s6;
	s1 =	rddreg [dreg:$0x10]  }
0x19d: {  	vm3 =	veq.s32 v62, v2;
	s19 =	sadd.f32 s1, s19  }
0x19e: {  	s20 =	sadd.f32 s5, s20;
	(xrf2) =	vadd.scan.msk.f32 $0xffff, v3;
	v4 =	vnsel vm3, $0x0, v14  }
0x19f: {  	v3, _, _ =	vpop (xrf2);
	(xrf2) =	vadd.scan.msk.f32 $0xffff, v4;
	s2 =	ssub.f32 s19, s2  }
0x1a0: {  	(v2sf) =	vpush v3, $0xF;
	v3 =	vnsel vm3, $0x0, v8;
	vm3 =	veq.s32 v63, v2;
	s19 =	sld [smem:$0x7F9]  }
0x1a1: {  	p1 =	por p1, p1;
	p5 =	por p5, p5;
	s4 =	sadd.f32 s4, s23;
	(xrf2) =	vadd.scan.msk.f32 $0xffff, v3;
	v3 =	vnsel vm3, $0x0, v18  }
0x1a2: {  	p2 =	por p3, p3;
	p3 =	por p5, p5;
	(xrf2) =	vadd.scan.msk.f32 $0xffff, v3;
	s0 =	ssub.f32 s15, s0  }
0x1a3: {  	p3 =	por p3, p3;
	v3 =	vnsel vm3, $0x0, v11;
	s2 =	ssub.f32 s15, s2;
	p0 =	seq.s32 s19, $0x1  }
0x1a4: {  	p3 =	por p3, p3;
	(xrf2) =	vadd.scan.msk.f32 $0xffff, v3;
	s19 =	sld [smem:$0x7F8];
	s17 =	smov.u32 @p0 s7  }
0x1a5: {  	p0 =	por p4, p4;
	p4 =	seq.s32 s18, $0x0;
	s7 =	rddreg [dreg:$0x8]  }
0x1a6: {  	v3, _, _ =	vpop (xrf2);
	s17 =	smov.u32 @p0 s0;
	p0 =	por p1, p1;
	p6 =	por !p4, !p6  }
0x1a7: {  	(v2sf) =	vpush v3, $0xF;
	s0 =	sadd.s32 s7, s31;
	s31 =	rddreg [dreg:$0x13];
	s17 =	smov.u32 @p0 s2  }
0x1a8: {  	v3, _, _ =	vpop (xrf2);
	s16 =	smov.u32 @p2 s0;
	s0 =	sadd.s32 s10, s30;
	s30 =	rddreg [dreg:$0x14]  }
0x1a9: {  	(v2sf) =	vpush v3, $0xF;
	v3, _, _ =	vpop (xrf2);
	p4 =	seq.s32 s19, $0x1;
	s2 =	sadd.s32 s9, s29;
	s4 =	ssub.f32 s4, s31  }
0x1aa: {  	(v2sf) =	vpush v3, $0xF;
	p2 =	por p2, p2;
	p1 =	por !p6, !p6;
	s9 =	rddreg [dreg:$0xf]  }
0x1ab: {  	s19 =	sld [smem:$0x7F6];
	p0 =	por p4, p4;
	v3, _, _ =	vpop (xrf2);
	s18 =	simm.s32 @p1 $0x1  }
0x1ac: {  	p2 =	por p2, p2;
	p1 =	por p1, p1;
	p0 =	por p0, p0;
	(v2sf) =	vpush v3, $0xF;
	v3, _, _ =	vpop (xrf2)  }
0x1ad: {  	s10 =	sadd.f32 s9, s8;
	p1 =	por p1, p1;
	p0 =	por p0, p0;
	(v2sf) =	vpush v3, $0xF  }
0x1ae: {  	p6 =	seq.s32 s19, $0x1;
	s16 =	smov.u32 @p0 s0;
	s0 =	ssub.f32 s20, s30;
	v3, _, _ =	vpop (xrf2)  }
0x1af: {  	s16 =	smov.u32 @p3 s2;
	s2 =	rddreg [dreg:$0x12];
	s7 =	spop (v2sf);
	(v2sf) =	vpush v3, $0xF  }
0x1b0: {  	p5 =	sge.f32 s10, s15;
	p1 =	por p1, p1;
	s0 =	ssub.f32 s15, s0  }
0x1b1: {  	p4 =	por p6, p6;
	p0 =	por p0, p0;
	s5 =	sadd.f32 s2, s22  }
0x1b2: {  	p6 =	seq.s32 s18, $0x0;
	p1 =	por p1, p1;
	s2 =	ssub.f32 s15, s4  }
0x1b3: {  	p0 =	por p0, p0;
	p3 =	por p3, p3;
	s20 =	ssub.f32 s5, s7  }
0x1b4: {  	p3 =	por p3, p3;
	s4 =	sadd.s32 s12, s26;
	s17 =	smov.u32 @p2 s0  }
0x1b5: {  	s5 =	sadd.s32 s6, s25;
	s17 =	smov.u32 @p0 s2;
	s0 =	ssub.f32 s15, s20  }
0x1b6: {  	p0 =	por !p6, !p5;
	p5 =	por p4, p4;
	s22 =	spop (v2sf)  }
0x1b7: {  	p0 =	por !p0, !p0;
	s17 =	smov.u32 @p3 s0;
	s0 =	sadd.f32 s22, s28  }
0x1b8: {  	p2 =	por p5, p5;
	p0 =	por p0, p0;
	s23 =	spop (v2sf)  }
0x1b9: {  	p2 =	por p2, p2;
	s0 =	ssub.f32 s0, s23;
	s26 =	spop (v2sf)  }
0x1ba: {  	s16 =	smov.u32 @p2 s4;
	p0 =	por p0, p0;
	s2 =	sadd.f32 s26, s3  }
0x1bb: {  	p2 =	por p2, p2;
	s0 =	ssub.f32 s15, s0;
	s28 =	spop (v2sf)  }
0x1bc: {  	s16 =	smov.u32 @p1 s5;
	s2 =	ssub.f32 s2, s28;
	s29 =	spop (v2sf)  }
0x1bd: {  	p0 =	por p0, p0;
	p2 =	por p2, p2;
	s30 =	sadd.f32 s29, s8  }
0x1be: {  	s17 =	smov.u32 @p2 s0;
	s31 =	spop (v2sf);
	s0 =	ssub.f32 s15, s2  }
0x1bf: {  	p1 =	por p1, p1;
	p0 =	por p0, p0;
	s1 =	ssub.f32 s30, s31  }
0x1c0: {  	p1 =	por p1, p1;
	p6 =	por p0, p0  }
0x1c1: {  	s17 =	smov.u32 @p1 s0;
	s0 =	sadd.s32 s21, s24;
	s1 =	ssub.f32 s15, s1  }
0x1c2: {  	p1 =	por p6, p6;
	s16 =	smov.u32 @p0 s0  }
0x1c3: {  	s0 =	simm.s32 $0x40;
	s17 =	smov.u32 @p1 s1;
	s1 =	simm.s32 $0x0  }
.LBB2_16:
0x1c4: {  	p0 =	seq.s32 s0, $0xFC0;
	[tilespmem:s1+$0x4800] =	vst v0;
	s1 =	smov.u32 s0;
	s0 =	sadd.s32 $0x40, s0  }
.Ltmp7:
0x1c5: {  	(pc) =	sbr.rel @!p0 .LBB2_16-.Ltmp7, $2  }
0x1c6: {  	_ =	sdelay $0x2  }
0x1c7: {  	s1 =	sshra.s32 s1, $0x2  }
0x1c8: {  	s0 =	sshll.u32 s14, $0xB  }
0x1c9: {  	s0 =	sor.u32 s0, s16  }
0x1ca: {  	[tilespmem:s1+$0x4800] =	vst v0;
	s1 =	simm.s32 $0x0;
	v3 =	vmov s0;
	s0 =	simm.s32 $0x40  }
.LBB2_18:
0x1cb: {  	p0 =	seq.s32 s0, $0x8FC0;
	v4 =	vld [tilespmem:s1+$0x2400];
	_ =	sdelay $0x4  }
0x1cc: {  	v5 =	vshrl.u32 v4, $0xA  }
0x1cd: {  	vm3 =	veq.s32 v5, v3  }
0x1ce: {  	v4 =	vand.u32 $0x3FF, v4  }
.Ltmp8:
0x1cf: {  	(pc) =	sbr.rel @!p0 .LBB2_18-.Ltmp8, $2  }
0x1d0: {  	_ =	sdelay $0x2  }
0x1d1: {  	s1 =	sshra.s32 s0, $0x2;
	s0 =	sadd.s32 $0x40, s0;
	[tilespmem:v4+s11+$0x0] =	vst.idx.add.f32.msk vm3, v1  }
0x1d2: {  	v4 =	vld [tilespmem:s1+$0x2400];
	_ =	sdelay $0x4  }
0x1d3: {  	v5 =	vshrl.u32 v4, $0xA  }
0x1d4: {  	vm3 =	veq.s32 v5, v3  }
0x1d5: {  	v3 =	vand.u32 $0x3FF, v4;
	_ =	sdelay $0x4  }
0x1d6: {  	s21 =	simm.s32 $0x4BF0;
	[tilespmem:v3+s11+$0x0] =	vst.idx.add.f32.msk vm3, v1  }
0x1d7: {  	v4 =	vld [tilespmem:s21+$0x0];
	_ =	sdelay $0x4  }
0x1d8: {  	s22 =	simm.s32 $0x4BE0;
	(xrf2) =	vadd.scan.msk.f32 $0xffff, v4  }
0x1d9: {  	v5 =	vld [tilespmem:s22+$0x0];
	_ =	sdelay $0x4  }
0x1da: {  	(xrf2) =	vadd.scan.msk.f32 $0xffff, v5;
	_ =	sdelay $0x3  }
0x1db: {  	v6, _, _ =	vpop (xrf2)  }
0x1dc: {  	(v2sf) =	vpush v6, $0xF;
	_ =	sdelay $0x3  }
0x1dd: {  	s23 =	simm.s32 $0x4BD0  }
0x1de: {  	v7 =	vld [tilespmem:s23+$0x0];
	v9, _, _ =	vpop (xrf2)  }
0x1df: {  	v8 =	vbroadcast v6, $0xF;
	(v2sf) =	vpush v9, $0xF;
	_ =	sdelay $0x1  }
0x1e0: {  	v6 =	vsub.f32 v8, v6  }
0x1e1: {  	s24 =	simm.s32 $0x4BC0  }
0x1e2: {  	(xrf2) =	vadd.scan.msk.f32 $0xffff, v7;
	v8 =	vld [tilespmem:s24+$0x0];
	v4 =	vadd.f32 v6, v4  }
0x1e3: {  	s0 =	simm.f32 $0.0e+00  }
0x1e4: {  	v4 =	vadd.f32 s0, v4  }
0x1e5: {  	v3 =	vmov s17  }
0x1e6: {  	vm3 =	vge.f32 v4, v3  }
0x1e7: {  	(xrf2) =	vadd.scan.msk.f32 $0xffff, v8;
	v4 =	vsel vm3, $0x3F800000, v0;
	s25 =	spop (v2sf)  }
0x1e8: {  	(xrf2) =	vadd.scan.msk.f32 $0xffff, v4;
	s1 =	sadd.f32 s25, s0;
	_ =	sdelay $0x1  }
0x1e9: {  	v6 =	vbroadcast v9, $0xF;
	p0 =	sge.f32 s1, s17;
	_ =	sdelay $0x1  }
0x1ea: {  	p1 =	por $0x0, $0x0;
	v6 =	vsub.f32 v6, v9;
	v4, _, _ =	vpop (xrf2);
	s1 =	smov.u32 @p0 s0  }
0x1eb: {  	s2 =	simm.s32 $0x4BB0;
	(v2sf) =	vpush v4, $0xF;
	s26 =	spop (v2sf);
	s1 =	smov.u32 @p1 s0  }
0x1ec: {  	p4 =	por $0x1, $0x1;
	v10 =	vld [tilespmem:s2+$0x0];
	v5 =	vadd.f32 v6, v5;
	v9 =	vbroadcast v4, $0xF;
	s2 =	sadd.f32 s26, s1  }
0x1ed: {  	s28 =	simm.s32 $0x4BA0;
	p0 =	por !p4, !p0  }
0x1ee: {  	s19 =	simm.s32 $0x0;
	v9 =	vsub.f32 v9, v4;
	v4 =	vld [tilespmem:s28+$0x0];
	p0 =	por !p0, !p0;
	v5 =	vadd.f32 s1, v5;
	p1 =	sge.f32 s2, s17  }
0x1ef: {  	v6, _, _ =	vpop (xrf2);
	s19 =	simm.s32 @p0 $0x1  }
0x1f0: {  	(v2sf) =	vpush v6, $0xF;
	v11, _, _ =	vpop (xrf2);
	p2 =	sne.s32 s19, $0x0;
	vm3 =	vge.f32 v5, v3;
	v5 =	vadd.f32 v9, v7;
	s2 =	smov.u32 @p1 s1  }
0x1f1: {  	(xrf2) =	vadd.scan.msk.f32 $0xffff, v10;
	(v2sf) =	vpush v11, $0xF;
	v7 =	vsel vm3, $0x3F800000, v0;
	s2 =	smov.u32 @p2 s1  }
0x1f2: {  	(xrf2) =	vadd.scan.msk.f32 $0xffff, v7;
	v5 =	vadd.f32 s2, v5  }
0x1f3: {  	(xrf2) =	vadd.scan.msk.f32 $0xffff, v4  }
0x1f4: {  	vm3 =	vge.f32 v5, v3  }
0x1f5: {  	v5 =	vsel vm3, $0x3F800000, v0  }
0x1f6: {  	(xrf2) =	vadd.scan.msk.f32 $0xffff, v5;
	_ =	sdelay $0x1  }
0x1f7: {  	v5 =	vbroadcast v6, $0xF  }
0x1f8: {  	s15 =	simm.s32 $0x0  }
0x1f9: {  	s18 =	simm.s32 $0x3F0;
	s3 =	simm.s32 $0x4B90;
	s29 =	spop (v2sf);
	v6 =	vsub.f32 v5, v6  }
0x1fa: {  	s20 =	simm.s32 $0x380;
	p5 =	seq.s32 s19, $0x0;
	v7, _, _ =	vpop (xrf2);
	s1 =	sadd.f32 s29, s2  }
0x1fb: {  	s4 =	simm.s32 $0x370;
	s5 =	simm.s32 $0x4B80;
	p1 =	por !p5, !p1;
	(v2sf) =	vpush v7, $0xF;
	v6 =	vadd.f32 v6, v8;
	v8, _, _ =	vpop (xrf2)  }
0x1fc: {  	s23 =	simm.s32 $0x3B0;
	p2 =	por !p1, !p1;
	v9 =	vbroadcast v7, $0xF;
	p3 =	sge.f32 s1, s17;
	v5 =	vld [tilespmem:s3+$0x0];
	v11, _, _ =	vpop (xrf2)  }
0x1fd: {  	s21 =	simm.s32 $0x3A0;
	s22 =	simm.s32 $0x390;
	s19 =	simm.s32 @p2 $0x1;
	(v2sf) =	vpush v8, $0xF;
	v12 =	vbroadcast v11, $0xF  }
0x1fe: {  	p1 =	sne.s32 s19, $0x0;
	v9 =	vsub.f32 v9, v7;
	s30 =	spop (v2sf);
	s1 =	smov.u32 @p3 s2  }
0x1ff: {  	s24 =	simm.s32 $0x3C0;
	s1 =	smov.u32 @p1 s2;
	s31 =	spop (v2sf);
	(v2sf) =	vpush v11, $0xF;
	v7 =	vsub.f32 v12, v11;
	v11, _, _ =	vpop (xrf2)  }
0x200: {  	p0 =	por p0, p0;
	p4 =	seq.s32 s19, $0x0;
	s3 =	sadd.f32 s30, s1;
	v6 =	vadd.f32 s1, v6;
	(v2sf) =	vpush v11, $0xF  }
0x201: {  	p6 =	por !p4, !p3;
	p1 =	por p0, p0;
	p0 =	por p2, p2;
	(xrf2) =	vadd.scan.msk.f32 $0xffff, v5  }
0x202: {  	p2 =	por !p6, !p6;
	s2 =	sadd.f32 $-1.000000000e+00, s31;
	p3 =	sge.f32 s3, s17;
	vm3 =	vge.f32 v6, v3  }
0x203: {  	s25 =	simm.s32 $0x3E0;
	s0 =	simm.s32 $0x3D0;
	s19 =	simm.s32 @p2 $0x1;
	v6 =	vsel vm3, $0x3F800000, v0  }
0x204: {  	v8 =	vadd.f32 v9, v10;
	p5 =	sne.s32 s19, $0x0;
	s2 =	scvt.f32.s32 s2;
	s3 =	smov.u32 @p3 s1;
	(xrf2) =	vadd.scan.msk.f32 $0xffff, v6;
	v6 =	vld [tilespmem:s5+$0x0]  }
.LBB2_20:
0x205: {  	s6 =	smov.u32 s1;
	p4 =	sne.s32 s4, $0x0;
	s1 =	smov.u32 s3  }
0x206: {  	p6 =	seq.s32 s19, $0x0;
	s1 =	smov.u32 @p5 s6;
	s6 =	smov.u32 s4  }
0x207: {  	v9 =	vmov v7;
	p5 =	por p1, p1;
	p1 =	por p0, p0;
	p0 =	por p2, p2  }
0x208: {  	s4 =	sadd.s32 $0xFFFFFFF0, s4;
	p2 =	por !p6, !p3;
	s2 =	sadd.s32 s2, s18;
	v8 =	vadd.f32 s1, v8  }
0x209: {  	s18 =	smov.u32 s25;
	s25 =	smov.u32 s0;
	s15 =	smov.u32 @p5 s2  }
0x20a: {  	s0 =	smov.u32 s24;
	s24 =	smov.u32 s23;
	v10 =	vmov v6;
	(xrf2) =	vadd.scan.msk.f32 $0xffff, v6;
	vm3 =	vge.f32 v8, v3;
	s2 =	spop (v2sf)  }
.Ltmp9:
0x20b: {  	s23 =	smov.u32 s21;
	v7, _, _ =	vpop (xrf2);
	v6 =	vsel vm3, $0x3F800000, v0;
	s3 =	sadd.f32 s2, s1;
	(pc) =	sbr.rel @p4 .LBB2_20-.Ltmp9, $4  }
0x20c: {  	s21 =	smov.u32 s22;
	p2 =	por !p2, !p2;
	v8 =	vbroadcast v7, $0xF;
	s2 =	spop (v2sf)  }
0x20d: {  	s5 =	sadd.s32 $0xFFFFFFF0, s5;
	(v2sf) =	vpush v7, $0xF;
	p3 =	sge.f32 s3, s17;
	(xrf2) =	vadd.scan.msk.f32 $0xffff, v6;
	s2 =	sadd.f32 $-1.000000000e+00, s2  }
0x20e: {  	s22 =	smov.u32 s20;
	s20 =	smov.u32 s6;
	s19 =	simm.s32 @p2 $0x1;
	v6 =	vld [tilespmem:s5+$0x0];
	v7 =	vsub.f32 v8, v7;
	v11, _, _ =	vpop (xrf2)  }
0x20f: {  	p5 =	sne.s32 s19, $0x0;
	v8 =	vadd.f32 v9, v4;
	v4 =	vmovc v5;
	v5 =	vmov v10;
	s3 =	smov.u32 @p3 s1;
	(v2sf) =	vpush v11, $0xF;
	s2 =	scvt.f32.s32 s2  }
0x210: {  	_ =	sdelay $0x3  }
0x211: {  	v9, _, _ =	vpop (xrf2)  }
0x212: {  	(v2sf) =	vpush v9, $0xF;
	_ =	sdelay $0x2  }
0x213: {  	s3 =	smov.u32 @p5 s1;
	s10 =	spop (v2sf)  }
0x214: {  	p4 =	seq.s32 s19, $0x0;
	s1 =	sadd.f32 s10, s3  }
0x215: {  	p3 =	por !p4, !p3;
	(xrf2) =	vadd.scan.msk.f32 $0xffff, v6  }
0x216: {  	p3 =	por !p3, !p3;
	p4 =	sge.f32 s1, s17  }
0x217: {  	s19 =	simm.s32 @p3 $0x1  }
0x218: {  	s12 =	spop (v2sf);
	p5 =	sne.s32 s19, $0x0;
	s1 =	smov.u32 @p4 s3  }
0x219: {  	s1 =	smov.u32 @p5 s3;
	s5 =	spop (v2sf)  }
0x21a: {  	p6 =	seq.s32 s19, $0x0;
	s5 =	sadd.f32 s5, s1  }
0x21b: {  	p4 =	por !p6, !p4  }
0x21c: {  	p4 =	por !p4, !p4;
	p5 =	sge.f32 s5, s17  }
0x21d: {  	s19 =	simm.s32 @p4 $0x1  }
0x21e: {  	v8 =	vadd.f32 s3, v8;
	v10 =	vbroadcast v9, $0xF;
	v11, _, _ =	vpop (xrf2);
	p6 =	sne.s32 s19, $0x0;
	s26 =	spop (v2sf);
	s5 =	smov.u32 @p5 s1  }
0x21f: {  	v4 =	vadd.f32 v7, v4;
	s4 =	simm.s32 @!p3 $0x0;
	v7, _, _ =	vpop (xrf2);
	s5 =	smov.u32 @p6 s1;
	s6 =	spop (v2sf)  }
0x220: {  	vm3 =	vge.f32 v8, v3;
	s4 =	simm.s32 @p3 $0x1;
	v8 =	vsub.f32 v10, v9;
	p3 =	seq.s32 s19, $0x0;
	v62 =	vbroadcast v7, $0xF;
	s6 =	sadd.f32 s6, s5  }
0x221: {  	v4 =	vadd.f32 s1, v4;
	p5 =	por !p3, !p5  }
0x222: {  	v5 =	vadd.f32 v8, v5;
	v9 =	vsub.f32 v62, v7;
	p5 =	por !p5, !p5;
	p6 =	sge.f32 s6, s17  }
0x223: {  	v63 =	vsel vm3, $0x3F800000, v0;
	s19 =	simm.s32 @p5 $0x1  }
0x224: {  	(xrf2) =	vadd.scan.msk.f32 $0xffff, v63;
	vm3 =	vge.f32 v4, v3;
	v4 =	vadd.f32 s5, v5;
	v5 =	vadd.f32 v9, v6;
	p3 =	sne.s32 s19, $0x0;
	s6 =	smov.u32 @p6 s5  }
0x225: {  	(v2sf) =	vpush v11, $0xF;
	s6 =	smov.u32 @p3 s5  }
0x226: {  	v6 =	vsel vm3, $0x3F800000, v0;
	vm3 =	vge.f32 v4, v3;
	v4 =	vadd.f32 s6, v5;
	_ =	sdelay $0x1  }
0x227: {  	(xrf2) =	vadd.scan.msk.f32 $0xffff, v6;
	v5 =	vsel vm3, $0x3F800000, v0;
	vm3 =	vge.f32 v4, v3  }
0x228: {  	(xrf2) =	vadd.scan.msk.f32 $0xffff, v5;
	v3 =	vsel vm3, $0x3F800000, v0  }
0x229: {  	(xrf2) =	vadd.scan.msk.f32 $0xffff, v3;
	_ =	sdelay $0x2  }
0x22a: {  	(v2sf) =	vpush v7, $0xF  }
0x22b: {  	v3, _, _ =	vpop (xrf2)  }
0x22c: {  	(v2sf) =	vpush v3, $0xF;
	_ =	sdelay $0x2  }
0x22d: {  	p1 =	por p1, p1;
	v3, _, _ =	vpop (xrf2)  }
0x22e: {  	p0 =	por p0, p0;
	p2 =	por p2, p2;
	s28 =	sadd.f32 $-1.000000000e+00, s12;
	(v2sf) =	vpush v3, $0xF;
	v3, _, _ =	vpop (xrf2)  }
0x22f: {  	s2 =	sadd.s32 s2, s18;
	p0 =	por p0, p0;
	[smem:$0x7F5] =	sst s4;
	(v2sf) =	vpush v3, $0xF;
	v3, _, _ =	vpop (xrf2)  }
0x230: {  	s15 =	smov.u32 @p1 s2;
	s29 =	sadd.f32 $-1.000000000e+00, s26;
	s30 =	spop (v2sf);
	(v2sf) =	vpush v3, $0xF  }
0x231: {  	p1 =	por p2, p2;
	s7 =	sld [smem:$0x7F5];
	s1 =	scvt.f32.s32 s28  }
0x232: {  	p4 =	por p4, p4;
	s2 =	scvt.f32.s32 s29;
	s29 =	sshll.u32 s16, $0xA  }
0x233: {  	s28 =	sshll.u32 s14, $0x15;
	s1 =	sadd.s32 s1, s25;
	s8 =	sadd.f32 $-1.000000000e+00, s30  }
0x234: {  	s0 =	sadd.s32 s2, s0;
	s15 =	smov.u32 @p0 s1;
	p3 =	seq.s32 s7, $0x1  }
0x235: {  	p0 =	por p1, p1;
	s9 =	scvt.f32.s32 s8;
	p2 =	por p3, p3  }
0x236: {  	s15 =	smov.u32 @p0 s0;
	p3 =	seq.s32 s19, $0x0;
	p2 =	por p2, p2  }
0x237: {  	p0 =	por !p3, !p6;
	s0 =	sadd.s32 s9, s24;
	s31 =	spop (v2sf)  }
0x238: {  	p1 =	por p2, p2;
	p2 =	por p4, p4;
	p0 =	por !p0, !p0  }
0x239: {  	p4 =	por p5, p5;
	s10 =	sadd.f32 s31, s6;
	s12 =	spop (v2sf)  }
0x23a: {  	s15 =	smov.u32 @p1 s0;
	s19 =	simm.s32 @p0 $0x1;
	s2 =	sadd.f32 $-1.000000000e+00, s12  }
0x23b: {  	p2 =	por p2, p2;
	p3 =	por p4, p4;
	p5 =	sge.f32 s10, s17  }
0x23c: {  	p0 =	por p0, p0;
	p6 =	seq.s32 s19, $0x0;
	s18 =	scvt.f32.s32 s2  }
0x23d: {  	p0 =	por p0, p0;
	p1 =	por !p6, !p5;
	s19 =	spop (v2sf)  }
0x23e: {  	s1 =	sadd.f32 $-1.000000000e+00, s19;
	s0 =	sadd.s32 s18, s23;
	s24 =	spop (v2sf)  }
0x23f: {  	s15 =	smov.u32 @p2 s0;
	s0 =	sadd.f32 $-1.000000000e+00, s24;
	s25 =	spop (v2sf)  }
0x240: {  	p1 =	por !p1, !p1;
	s1 =	scvt.f32.s32 s1;
	s2 =	sadd.f32 $-1.000000000e+00, s25  }
0x241: {  	p0 =	por p0, p0;
	p1 =	por p1, p1;
	s0 =	scvt.f32.s32 s0  }
0x242: {  	p2 =	por p3, p3;
	s1 =	sadd.s32 s1, s21;
	s26 =	scvt.f32.s32 s2  }
0x243: {  	p1 =	por p1, p1;
	s15 =	smov.u32 @p2 s1;
	s0 =	sadd.s32 s0, s22  }
0x244: {  	s15 =	smov.u32 @p0 s0;
	p0 =	por p1, p1;
	s0 =	sadd.s32 s26, s20  }
0x245: {  	s30 =	sor.u32 s28, s29;
	s31 =	simm.s32 $0x0;
	s15 =	smov.u32 @p0 s0  }
0x246: {  	v6 =	vld [tilespmem:s31+$0x2400];
	s0 =	sor.u32 s15, s30  }
0x247: {  	v5 =	vimm.f32 $0.0e+00;
	v4 =	vimm.f32 $0.0e+00;
	v7 =	vld [tilespmem:s31+$0x0];
	v3 =	vmov s0;
	s0 =	simm.s32 $0x40  }
.LBB2_22:
0x248: {  	p0 =	sne.s32 s0, $0x8FC0  }
.Ltmp10:
0x249: {  	_ = 	snop;
	(pc) =	sbr.rel @p0 .LBB2_22-.Ltmp10, $4  }
0x24a: {  	_ = 	snop  }
0x24b: {  	s1 =	sshra.s32 s0, $0x2;
	s0 =	sadd.s32 $0x40, s0;
	vm3 =	vgt.u32 v6, v3  }
0x24c: {  	v6 =	vld [tilespmem:s1+$0x2400];
	v8 =	vnsel vm3, $0x0, v7;
	v9 =	vsel vm3, $0x3F800000, v0  }
0x24d: {  	v7 =	vld [tilespmem:s1+$0x0];
	v4 =	vadd.f32 v8, v4;
	v5 =	vadd.f32 v9, v5  }
0x24e: {  	_ =	sdelay $0x2  }
0x24f: {  	vm3 =	vgt.u32 v6, v3  }
0x250: {  	v6 =	vnsel vm3, $0x0, v7  }
0x251: {  	v61 =	vsel vm3, $0x3F800000, v0;
	v4 =	vadd.f32 v6, v4  }
0x252: {  	v5 =	vadd.f32 v61, v5  }
0x253: {  	v62 =	vand.u32 $0x7FFFFFFF, v3;
	vm3 =	vlt.s32 v3, $0x0;
	v3 =	vxor.u32 $0xFFFFFFFF, v3;
	(xrf2) =	vadd.scan.msk.f32 $0xffff, v4  }
0x254: {  	v3 =	vsel vm3, v62, v3;
	(xrf2) =	vadd.scan.msk.f32 $0xffff, v5  }
0x255: {  	v3 =	vnsel vm1, $0x0, v3  }
0x256: {  	(xrf2) =	vadd.scan.msk.f32 $0xffff, v3;
	_ =	sdelay $0x6  }
0x257: {  	v3, _, _ =	vpop (xrf2)  }
0x258: {  	v63, _, _ =	vpop (xrf2);
	(v2sf) =	vpush v3, $0xF  }
0x259: {  	(v2sf) =	vpush v63, $0xF  }
0x25a: {  	v3, _, _ =	vpop (xrf2)  }
0x25b: {  	(v2sf) =	vpush v3, $0xF;
	_ =	sdelay $0xb  }
0x25c: {  	s0 =	spop (v2sf)  }
0x25d: {  	s1 =	spop (v2sf)  }
0x25e: {  	s1 =	ssub.f32 s13, s1  }
0x25f: {  	s2 =	spop (v2sf)  }
0x260: {  	s1 =	smul.f32 s1, s2;
	_ =	sdelay $0x1  }
0x261: {  	p0 =	sgt.f32 s13, $0.0e+00;
	s0 =	sadd.f32 s1, s0  }
0x262: {  	_ = 	snop  }
0x263: {  	s0 =	simm.s32 @!p0 $0x0  }
0x264: {  	v3 =	vmov s0  }
0x265: {  	s6 =	simm.s32 $0x0;
	v3 =	vnsel vm2, $0x0, v3  }
0x266: {  	s29 =	rddreg [dreg:$0x4];
	s4 =	simm.s32 $0x5000;
	s3 =	simm.s32 $0x1;
	[tilespmem:$0x5000] =	vst v3  }
0x267: {  	[hbm4b:s29+s6] =	stream.linear.scatter [tilespmem:s4], [sflag:$0x1], $0x80, $0x38;
	[tilespmem:$0x5080] =	vst v63  }
0x268: {  	_ =	swait.ge [sflag:s3], $0x80  }
0x269: {  	s30 =	rddreg [dreg:$0x6]  }
0x26a: {  	s31 =	rddreg [dreg:$0x5];
	s1 =	sadd.s32 $0x1, s30  }
0x26b: {  	p0 =	sne.s32 s1, s31  }
.Ltmp11:
0x26c: {  	_ = 	snop;
	(pc) =	sbr.rel @p0 .LBB2_1-.Ltmp11, $3  }
0x26d: {  	_ =	sdelay $0x1  }
0x26e: {  	[sflag:s3] =	ssyncset.done $0x0  }
0x26f: {  	[sflag:s3] =	ssyncadd.s32 $0xFFFFFF80  }
0x270: {  	_ =	sfence.sel $0x180000  }
0x271: {  	[bflag:$0x0] =	sbarrier.arrive $0xFFFF  }
0x272: {  	_ =	strace $0x90000047  }
0x273: {  	s0 =	stileid.u32;
	[bflag:$0x2] =	sbarrier.arrive $0xFFFF  }
0x274: {  	p0 =	sne.s32 s0, $0x0;
	s0 =	rddreg [dreg:$0x1]  }
0x275: {  	s0 =	sadd.s32 @!p0 $0x100000, s0  }
0x276: {  	[sflag:s0] =	ssyncadd.tile.s32 @!p0 $0x1;
	_ =	shalt  }
.Lfunc_end2:
_tile_overlayer_lowered:
.L_overlay_start_2:
0x277: {  	(tag) =	ssettag $0x2  }
0x278: {  	s0 =	rddreg [dreg:$0x0];
	s2 =	stileid.u32  }
0x279: {  	s1 =	rddreg [dreg:$0x1];
	p0 =	sne.s32 s2, $0x0  }
0x27a: {  	s3 =	rddreg [dreg:$0x2];
	[bflag:$0x3] =	sbarrier.arrive $0xFFFF;
	s2 =	simm.s32 @!p0 $0x1C01  }
0x27b: {  	[timem:s3], [sflag:s2] =	dma.local @!p0 [hbm:s0], s1  }
0x27c: {  	s0 =	simm.s32 @!p0 $0x1  }
0x27d: {  	_ =	swait.ge @!p0 [sflag:s0], s1  }
0x27e: {  	s1 =	ssub.s32 @!p0 $0x0, s1;
	[sflag:s0] =	ssyncset.done @!p0 $0x0  }
0x27f: {  	[sflag:s0] =	ssyncadd.s32 @!p0 s1  }
0x280: {  	[bflag:$0x3] =	sbarrier.arrive $0xFFFF  }
0x281: {  	_ =	shalt  }

</sc_bundles>
